<compile_context>
chip_gen: v7x
topology: tpu7x:2x2x1
jax: 0.10.2.dev20260603
libtpu: 0.0.44.dev20260713+nightly
codegen_flags: <defaults>
</compile_context>

<pallas_src>
import functools

import jax
import jax.numpy as jnp
from jax import lax
from jax.experimental import pallas as pl
from jax.experimental.pallas import tpu as pltpu
from jax.experimental.pallas import tpu_sc as plsc

N = 10000
E = 320000
D = 128
H = 16
C = 2

NC = 2
NS = 16
NW = NC * NS
CH = 2000
EPT = E // NW
NCHUNK = EPT // CH
EPT2 = E // NS
NCHUNK2 = EPT2 // CH
NPAD = 10240
ZCH = NPAD // NS
RPT = NPAD // NS
NPW = NPAD // NW

_MESH = plsc.VectorSubcoreMesh(core_axis_name="c", subcore_axis_name="s")



def _rsqrt16(x):
  bits = lax.bitcast_convert_type(x, jnp.int32)
  seed = jnp.full((16,), 0x5F3759DF, jnp.int32) - lax.shift_right_logical(
      bits, 1)
  y = lax.bitcast_convert_type(seed, jnp.float32)
  for _ in range(3):
    y = y * (1.5 - 0.5 * x * y * y)
  return y


def _deg_body(ei_hbm, dinv_hbm, didx_v, ones_v, zer_v, deg_v, dv_v, ev_v,
              acc_sh, isem, ssem):
  cid = lax.axis_index("c")
  sid = lax.axis_index("s")
  wid = cid * NS + sid

  ld = pltpu.async_copy(ei_hbm.at[1, sid], didx_v, isem)

  def fill_ones(i, _):
    ones_v[pl.ds(i * 16, 16)] = jnp.ones((16,), jnp.float32)
    return 0

  def fill_zeros(i, _):
    zer_v[pl.ds(i * 16, 16)] = jnp.zeros((16,), jnp.float32)
    return 0

  lax.fori_loop(0, CH // 16, fill_ones, 0)
  lax.fori_loop(0, ZCH // 16, fill_zeros, 0)

  pltpu.sync_copy(zer_v, acc_sh.at[pl.ds(sid * ZCH, ZCH)])
  ld.wait()
  plsc.subcore_barrier()

  scat = [
      pltpu.async_copy(ones_v, acc_sh.at[didx_v.at[k]], ssem, add=True)
      for k in range(NCHUNK2)
  ]
  for s in scat:
    s.wait()
  plsc.subcore_barrier()

  pltpu.sync_copy(acc_sh.at[pl.ds(wid * NPW, NPW)], deg_v)

  def newton(i, _):
    d = deg_v[pl.ds(i * 16, 16)] + 1.0
    dv_v[pl.ds(i * 16, 16)] = _rsqrt16(d)
    return 0

  lax.fori_loop(0, NPW // 16, newton, 0)

  def splat(g, _):
    d = dv_v[pl.ds(g * 16, 16)]
    for j in range(16):
      idx = jnp.full((16, 1), j, jnp.int32)
      ev_v[pl.ds(g * 256 + j * 16, 16)] = lax.gather(
          d, idx,
          lax.GatherDimensionNumbers(
              offset_dims=(), collapsed_slice_dims=(0,),
              start_index_map=(0,)),
          (1,),
          mode=lax.GatherScatterMode.PROMISE_IN_BOUNDS)
    return 0

  lax.fori_loop(0, NPW // 16, splat, 0)
  pltpu.sync_copy(ev_v, dinv_hbm.at[pl.ds(wid * NPW * 16, NPW * 16)])


_deg_call = functools.partial(
    pl.kernel,
    out_type=jax.ShapeDtypeStruct((NPAD * H,), jnp.float32),
    mesh=_MESH,
    scratch_types=[
        pltpu.VMEM((NCHUNK2, CH), jnp.int32),
        pltpu.VMEM((CH,), jnp.float32),
        pltpu.VMEM((ZCH,), jnp.float32),
        pltpu.VMEM((NPW,), jnp.float32),
        pltpu.VMEM((NPW,), jnp.float32),
        pltpu.VMEM((NPW * H,), jnp.float32),
        pltpu.VMEM_SHARED((NPAD,), jnp.float32),
        pltpu.SemaphoreType.DMA,
        pltpu.SemaphoreType.DMA,
    ],
    compiler_params=pltpu.CompilerParams(use_tc_tiling_on_sc=False),
)(_deg_body)


def _agg_body(g_hbm, ei_hbm, out_hbm,
              sidx_v, didx_v, rows0, rows1, zb_v, acc_sh, tbl_sh,
              isem, tsem, gsem0, gsem1, ssem0, ssem1):
  cid = lax.axis_index("c")
  sid = lax.axis_index("s")
  wid = cid * NS + sid
  rows = (rows0, rows1)
  gsems = (gsem0, gsem1)
  ssems = (ssem0, ssem1)

  lds = pltpu.async_copy(ei_hbm.at[0, wid], sidx_v, isem)
  ldd = pltpu.async_copy(ei_hbm.at[1, wid], didx_v, isem)
  NT = N // NS
  ldt = pltpu.async_copy(g_hbm.at[pl.ds(sid * NT, NT)],
                         tbl_sh.at[pl.ds(sid * NT, NT)], tsem)

  def fill_zeros(i, _):
    zb_v[i, :] = jnp.zeros((16,), jnp.float32)
    return 0

  lax.fori_loop(0, RPT, fill_zeros, 0)
  pltpu.sync_copy(zb_v, acc_sh.at[pl.ds(sid * RPT, RPT)])
  lds.wait()
  ldd.wait()
  ldt.wait()
  plsc.subcore_barrier()

  gd = [None] * NCHUNK
  sd = [None] * NCHUNK
  gd[0] = pltpu.async_copy(tbl_sh.at[sidx_v.at[0]], rows[0], gsems[0])

  for k in range(NCHUNK):
    gd[k].wait()
    if k >= 1:
      sd[k - 1].wait()
    if k + 1 < NCHUNK:
      gd[k + 1] = pltpu.async_copy(
          tbl_sh.at[sidx_v.at[k + 1]], rows[(k + 1) % 2], gsems[(k + 1) % 2])
    sd[k] = pltpu.async_copy(
        rows[k % 2], acc_sh.at[didx_v.at[k]], ssems[k % 2], add=True)
  sd[NCHUNK - 1].wait()

  plsc.subcore_barrier()
  pltpu.sync_copy(acc_sh.at[pl.ds(sid * RPT, RPT)],
                  out_hbm.at[pl.ds(cid * NPAD + sid * RPT, RPT)])


_agg_call = functools.partial(
    pl.kernel,
    out_type=jax.ShapeDtypeStruct((NC * NPAD, H), jnp.float32),
    mesh=_MESH,
    scratch_types=[
        pltpu.VMEM((NCHUNK, CH), jnp.int32),
        pltpu.VMEM((NCHUNK, CH), jnp.int32),
        pltpu.VMEM((CH, H), jnp.float32),
        pltpu.VMEM((CH, H), jnp.float32),
        pltpu.VMEM((RPT, H), jnp.float32),
        pltpu.VMEM_SHARED((NPAD, H), jnp.float32),
        pltpu.VMEM_SHARED((N, H), jnp.float32),
        pltpu.SemaphoreType.DMA,
        pltpu.SemaphoreType.DMA,
        pltpu.SemaphoreType.DMA,
        pltpu.SemaphoreType.DMA,
        pltpu.SemaphoreType.DMA,
        pltpu.SemaphoreType.DMA,
    ],
    compiler_params=pltpu.CompilerParams(use_tc_tiling_on_sc=False),
)(_agg_body)



NP8 = N // 8
NPACK = NPAD // 8
_BLK = 160
_RB = 8 * _BLK


def _tc1a_body(x_ref, w1b_ref, h_ref):
  h_ref[...] = jnp.dot(x_ref[...], w1b_ref[...],
                       preferred_element_type=jnp.float32,
                       precision=lax.Precision.HIGHEST)


_tc1a = pl.pallas_call(
    _tc1a_body,
    out_shape=jax.ShapeDtypeStruct((NP8, 8 * H), jnp.float32),
)

def _tc1b_body(h_ref, dinve_ref, g1_ref):
  g1_ref[...] = h_ref[...] * dinve_ref[...]


_tc1b = pl.pallas_call(
    _tc1b_body,
    grid=(NPACK // _BLK,),
    in_specs=[
        pl.BlockSpec((_BLK, 8 * H), lambda i: (i, 0)),
        pl.BlockSpec((_BLK, 8 * H), lambda i: (i, 0)),
    ],
    out_specs=pl.BlockSpec((_BLK, 8 * H), lambda i: (i, 0)),
    out_shape=jax.ShapeDtypeStruct((NP8, 8 * H), jnp.float32),
)


def _tc2_body(p0_ref, p1_ref, g1_ref, dinve_ref, b1_ref, g2_ref):
  dinve = dinve_ref[...]
  b1t = jnp.concatenate([b1_ref[...]] * 8, axis=1)
  agg = dinve * (p0_ref[...] + p1_ref[...] + g1_ref[...]) + b1t
  g2_ref[...] = jnp.maximum(agg, 0.0) * dinve


_tc2 = pl.pallas_call(
    _tc2_body,
    grid=(NPACK // _BLK,),
    in_specs=[
        pl.BlockSpec((_BLK, 8 * H), lambda i: (i, 0)),
        pl.BlockSpec((_BLK, 8 * H), lambda i: (i + NPACK // _BLK, 0)),
        pl.BlockSpec((_BLK, 8 * H), lambda i: (i, 0)),
        pl.BlockSpec((_BLK, 8 * H), lambda i: (i, 0)),
        pl.BlockSpec((1, H), lambda i: (0, 0)),
    ],
    out_specs=pl.BlockSpec((_BLK, 8 * H), lambda i: (i, 0)),
    out_shape=jax.ShapeDtypeStruct((NP8, 8 * H), jnp.float32),
)


def _tc3_body(q0_ref, q1_ref, g2_ref, dinve_ref, w2b_ref, b2_ref, out_ref):
  ri = lax.broadcasted_iota(jnp.int32, (8 * C, 8 * C), 0)
  ci = lax.broadcasted_iota(jnp.int32, (8 * C, 8 * C), 1)
  swap = ((ri // C == ci // C) & (ri != ci)).astype(jnp.float32)
  agg = dinve_ref[...] * (q0_ref[...] + q1_ref[...] + g2_ref[...])
  b2t = jnp.concatenate([b2_ref[...]] * 8, axis=1)
  t = jnp.dot(agg, w2b_ref[...],
              preferred_element_type=jnp.float32,
              precision=lax.Precision.HIGHEST) + b2t
  t_sw = jnp.dot(t, swap,
                 preferred_element_type=jnp.float32,
                 precision=lax.Precision.HIGHEST)
  m = jnp.maximum(t, t_sw)
  out_ref[...] = t - m - jnp.log(jnp.exp(t - m) + jnp.exp(t_sw - m))


_tc3 = pl.pallas_call(
    _tc3_body,
    grid=(NPACK // _BLK,),
    in_specs=[
        pl.BlockSpec((_BLK, 8 * H), lambda i: (i, 0)),
        pl.BlockSpec((_BLK, 8 * H), lambda i: (i + NPACK // _BLK, 0)),
        pl.BlockSpec((_BLK, 8 * H), lambda i: (i, 0)),
        pl.BlockSpec((_BLK, 8 * H), lambda i: (i, 0)),
        pl.BlockSpec((8 * H, 8 * C), lambda i: (0, 0)),
        pl.BlockSpec((1, C), lambda i: (0, 0)),
    ],
    out_specs=pl.BlockSpec((_BLK, 8 * C), lambda i: (i, 0)),
    out_shape=jax.ShapeDtypeStruct((NP8, 8 * C), jnp.float32),
)



@jax.jit
def kernel(x, edge_index, W1, b1, W2, b2):
  f32 = jnp.float32
  ei_agg = edge_index.reshape(2, NW, NCHUNK, CH)
  ei_deg = edge_index.reshape(2, NS, NCHUNK2, CH)

  eye8 = jnp.eye(8, dtype=f32)
  w1b = jnp.kron(eye8, W1)
  w2b = jnp.kron(eye8, W2)

  h_p = _tc1a(x.reshape(NP8, 8 * D), w1b)
  dinv_e = _deg_call(ei_deg)
  dinve_p = dinv_e.reshape(NPACK, 8 * H)

  g1_p = _tc1b(h_p, dinve_p)
  p = _agg_call(g1_p.reshape(N, H), ei_agg)
  p_p = p.reshape(2 * NPACK, 8 * H)
  g2_p = _tc2(p_p, p_p, g1_p, dinve_p, b1.reshape(1, H))
  q = _agg_call(g2_p.reshape(N, H), ei_agg)
  q_p = q.reshape(2 * NPACK, 8 * H)
  out_p = _tc3(q_p, q_p, g2_p, dinve_p, w2b, b2.reshape(1, C))
  return out_p.reshape(N, C)

# --- scband reference (transcript-rebuilt; emitter-appended) ---
"""Pipeline reference for scband-gnn-73023033967327 (READ-ONLY COPY).

The authoritative reference and input builder live on the scoring server;
editing this copy changes nothing except your own understanding.
"""

import jax, jax.numpy as jnp
import numpy as np

N = 10000
E = 320000
D = 128
H = 16
C = 2


def setup_inputs(seed: int = 0) -> dict:
    key = jax.random.key(seed)
    k1, k2, k3, k4 = jax.random.split(key, 4)
    x = jax.random.normal(k1, (N, D), dtype=jnp.float32)
    edge_index = jax.random.randint(k2, (2, E), 0, N, dtype=jnp.int32)
    W1 = jax.random.normal(k3, (D, H), dtype=jnp.float32) * (1.0 / np.sqrt(D))
    b1 = jnp.zeros((H,), dtype=jnp.float32)
    W2 = jax.random.normal(k4, (H, C), dtype=jnp.float32) * (1.0 / np.sqrt(H))
    b2 = jnp.zeros((C,), dtype=jnp.float32)
    return {"x": x, "edge_index": edge_index, "W1": W1, "b1": b1, "W2": W2, "b2": b2}


def _gcn_layer(x, edge_index, W, b):
    n = x.shape[0]
    src = edge_index[0]
    dst = edge_index[1]
    # add self loops (PyG GCNConv default add_self_loops=True)
    loop = jnp.arange(n, dtype=src.dtype)
    src = jnp.concatenate([src, loop])
    dst = jnp.concatenate([dst, loop])
    # symmetric normalization D^{-1/2} (A+I) D^{-1/2}
    deg = jax.ops.segment_sum(jnp.ones_like(dst, dtype=x.dtype), dst, num_segments=n)
    deg_inv_sqrt = jnp.where(deg > 0, 1.0 / jnp.sqrt(deg), 0.0)
    norm = deg_inv_sqrt[src] * deg_inv_sqrt[dst]
    h = x @ W
    msg = h[src] * norm[:, None]
    out = jax.ops.segment_sum(msg, dst, num_segments=n)
    return out + b


def reference(x, edge_index, W1, b1, W2, b2):
    h = _gcn_layer(x, edge_index, W1, b1)
    h = jax.nn.relu(h)
    h = _gcn_layer(h, edge_index, W2, b2)
    return jax.nn.log_softmax(h, axis=1)

if __name__ == "__main__":
    import jax
    _d = setup_inputs()
    print(jax.jit(kernel)(*tuple(_d.values())))

</pallas_src>

<mosaic_0001>
#map = affine_map<(d0, d1) -> (0, 0)>
#map1 = affine_map<(d0, d1) -> (0, 0, 0, 0)>
module attributes {stable_mosaic.version = 14 : i64} {
  func.func @_agg_body(%arg0: i32, %arg1: i32, %arg2: memref<10000x16xf32, #tpu.memory_space<hbm>>, %arg3: memref<2x32x5x2000xi32, #tpu.memory_space<hbm>>, %arg4: memref<20480x16xf32, #tpu.memory_space<hbm>>, %arg5: memref<5x2000xi32, #tpu.memory_space<vmem>>, %arg6: memref<5x2000xi32, #tpu.memory_space<vmem>>, %arg7: memref<2000x16xf32, #tpu.memory_space<vmem>>, %arg8: memref<2000x16xf32, #tpu.memory_space<vmem>>, %arg9: memref<640x16xf32, #tpu.memory_space<vmem>>, %arg10: memref<10240x16xf32, #tpu.memory_space<vmem_shared>>, %arg11: memref<10000x16xf32, #tpu.memory_space<vmem_shared>>, %arg12: memref<!tpu.dma_semaphore, #tpu.memory_space<semaphore_mem>>, %arg13: memref<!tpu.dma_semaphore, #tpu.memory_space<semaphore_mem>>, %arg14: memref<!tpu.dma_semaphore, #tpu.memory_space<semaphore_mem>>, %arg15: memref<!tpu.dma_semaphore, #tpu.memory_space<semaphore_mem>>, %arg16: memref<!tpu.dma_semaphore, #tpu.memory_space<semaphore_mem>>, %arg17: memref<!tpu.dma_semaphore, #tpu.memory_space<semaphore_mem>>) attributes {dimension_semantics = [#tpu.dimension_semantics<core_parallel>, #tpu.dimension_semantics<subcore_parallel>], iteration_bounds = array<i64: 2, 16>, scalar_prefetch = 0 : i64, scratch_operands = 13 : i64, tpu.core_type = #tpu.core_type<sc_vector_subcore>, window_params = [{transform_indices = #map}, {transform_indices = #map1}, {transform_indices = #map}]} {
    %mul3A = arith.constant 16 : i32
    %mul3A_0 = arith.muli %arg0, %mul3A : i32
    %add3A = arith.addi %mul3A_0, %arg1 : i32
    %dma_start3A = arith.constant 0 : i32
    %dma_start3A_1 = arith.constant 0 : i32
    %dma_start3A_2 = arith.constant 0 : i32
    %dma_start3A_3 = tpu.memref_slice %arg3[%dma_start3A, %add3A, %dma_start3A_1, %dma_start3A_2] : memref<2x32x5x2000xi32, #tpu.memory_space<hbm>> -> memref<1x1x5x2000xi32, #tpu.memory_space<hbm>>
    %dma_start3A_4 = tpu.memref_squeeze %dma_start3A_3 : memref<1x1x5x2000xi32, #tpu.memory_space<hbm>> -> memref<5x2000xi32, #tpu.memory_space<hbm>>
    %dma_start3A_5 = arith.constant 0 : i32
    %dma_start3A_6 = arith.constant 0 : i32
    %dma_start3A_7 = tpu.memref_slice %arg3[%dma_start3A, %add3A, %dma_start3A_5, %dma_start3A_6] : memref<2x32x5x2000xi32, #tpu.memory_space<hbm>> -> memref<1x1x5x2000xi32, #tpu.memory_space<hbm>>
    %dma_start3A_8 = tpu.memref_squeeze %dma_start3A_7 : memref<1x1x5x2000xi32, #tpu.memory_space<hbm>> -> memref<5x2000xi32, #tpu.memory_space<hbm>>
    tpu.enqueue_dma source(%dma_start3A_8 : memref<5x2000xi32, #tpu.memory_space<hbm>>) target(%arg5 : memref<5x2000xi32, #tpu.memory_space<vmem>>) target_semaphore(%arg12 : memref<!tpu.dma_semaphore, #tpu.memory_space<semaphore_mem>>)
    %dma_start3A_9 = arith.constant 1 : i32
    %dma_start3A_10 = arith.constant 0 : i32
    %dma_start3A_11 = arith.constant 0 : i32
    %dma_start3A_12 = tpu.memref_slice %arg3[%dma_start3A_9, %add3A, %dma_start3A_10, %dma_start3A_11] : memref<2x32x5x2000xi32, #tpu.memory_space<hbm>> -> memref<1x1x5x2000xi32, #tpu.memory_space<hbm>>
    %dma_start3A_13 = tpu.memref_squeeze %dma_start3A_12 : memref<1x1x5x2000xi32, #tpu.memory_space<hbm>> -> memref<5x2000xi32, #tpu.memory_space<hbm>>
    %dma_start3A_14 = arith.constant 0 : i32
    %dma_start3A_15 = arith.constant 0 : i32
    %dma_start3A_16 = tpu.memref_slice %arg3[%dma_start3A_9, %add3A, %dma_start3A_14, %dma_start3A_15] : memref<2x32x5x2000xi32, #tpu.memory_space<hbm>> -> memref<1x1x5x2000xi32, #tpu.memory_space<hbm>>
    %dma_start3A_17 = tpu.memref_squeeze %dma_start3A_16 : memref<1x1x5x2000xi32, #tpu.memory_space<hbm>> -> memref<5x2000xi32, #tpu.memory_space<hbm>>
    tpu.enqueue_dma source(%dma_start3A_17 : memref<5x2000xi32, #tpu.memory_space<hbm>>) target(%arg6 : memref<5x2000xi32, #tpu.memory_space<vmem>>) target_semaphore(%arg12 : memref<!tpu.dma_semaphore, #tpu.memory_space<semaphore_mem>>)
    %mul3A_18 = arith.constant 625 : i32
    %mul3A_19 = arith.muli %arg1, %mul3A_18 : i32
    %mul3A_20 = arith.constant 625 : i32
    %mul3A_21 = arith.muli %arg1, %mul3A_20 : i32
    %dma_start3A_22 = arith.constant 0 : i32
    %dma_start3A_23 = tpu.memref_slice %arg11[%mul3A_21, %dma_start3A_22] : memref<10000x16xf32, #tpu.memory_space<vmem_shared>> -> memref<625x16xf32, #tpu.memory_space<vmem_shared>>
    %dma_start3A_24 = arith.constant 0 : i32
    %dma_start3A_25 = tpu.memref_slice %arg2[%mul3A_19, %dma_start3A_24] : memref<10000x16xf32, #tpu.memory_space<hbm>> -> memref<625x16xf32, #tpu.memory_space<hbm>>
    tpu.enqueue_dma source(%dma_start3A_25 : memref<625x16xf32, #tpu.memory_space<hbm>>) target(%dma_start3A_23 : memref<625x16xf32, #tpu.memory_space<vmem_shared>>) target_semaphore(%arg13 : memref<!tpu.dma_semaphore, #tpu.memory_space<semaphore_mem>>)
    %scan3A = arith.constant 0 : i32
    %scan3A_26 = arith.constant 0 : i32
    %scan3A_27 = arith.constant 640 : i32
    %scan3A_28 = arith.addi %scan3A_26, %scan3A_27 : i32
    %scan3A_29 = arith.constant 1 : i32
    %scan3A_30 = scf.for %scan3A_203 = %scan3A_26 to %scan3A_28 step %scan3A_29 iter_args(%scan3A_204 = %scan3A) -> (i32)  : i32 {
      %broadcast_in_dim3A = arith.constant 0.000000e+00 : f32
      %broadcast_in_dim3A_205 = vector.broadcast %broadcast_in_dim3A : f32 to vector<16xf32>
      %swap3A = arith.index_cast %scan3A_203 : i32 to index
      %swap3A_206 = arith.constant 0 : index
      %swap3A_207 = tpu.vector_load %arg9[%swap3A, %swap3A_206] {strides = array<i32>} : memref<640x16xf32, #tpu.memory_space<vmem>>, vector<1x16xf32>,
      %swap3A_208 = vector.shape_cast %swap3A_207 : vector<1x16xf32> to vector<16xf32>
      %swap3A_209 = vector.shape_cast %broadcast_in_dim3A_205 : vector<16xf32> to vector<1x16xf32>
      tpu.vector_store %arg9[%swap3A, %swap3A_206], %swap3A_209 {strides = array<i32>} : memref<640x16xf32, #tpu.memory_space<vmem>>, vector<1x16xf32>,
      %scan3A_210 = arith.constant 0 : i32
      scf.yield %scan3A_210 : i32
    }
    %scan3A_31 = arith.constant 640 : i32
    %mul3A_32 = arith.constant 640 : i32
    %mul3A_33 = arith.muli %arg1, %mul3A_32 : i32
    "tpu.region"() ({
      %run_scoped3A = tpu.sem_alloc : memref<!tpu.dma_semaphore, #tpu.memory_space<semaphore_mem>>
      %dma_start3A_203 = arith.constant 0 : i32
      %dma_start3A_204 = tpu.memref_slice %arg10[%mul3A_33, %dma_start3A_203] : memref<10240x16xf32, #tpu.memory_space<vmem_shared>> -> memref<640x16xf32, #tpu.memory_space<vmem_shared>>
      %dma_start3A_205 = arith.constant 0 : i32
      %dma_start3A_206 = tpu.memref_slice %arg10[%mul3A_33, %dma_start3A_205] : memref<10240x16xf32, #tpu.memory_space<vmem_shared>> -> memref<640x16xf32, #tpu.memory_space<vmem_shared>>
      tpu.enqueue_dma source(%arg9 : memref<640x16xf32, #tpu.memory_space<vmem>>) target(%dma_start3A_206 : memref<640x16xf32, #tpu.memory_space<vmem_shared>>) target_semaphore(%run_scoped3A : memref<!tpu.dma_semaphore, #tpu.memory_space<semaphore_mem>>)
      %dma_wait3A_207 = arith.constant 0 : i32
      %dma_wait3A_208 = tpu.memref_slice %arg10[%mul3A_33, %dma_wait3A_207] : memref<10240x16xf32, #tpu.memory_space<vmem_shared>> -> memref<640x16xf32, #tpu.memory_space<vmem_shared>>
      %dma_wait3A_209 = arith.constant 0 : i32
      %dma_wait3A_210 = tpu.memref_slice %arg10[%mul3A_33, %dma_wait3A_209] : memref<10240x16xf32, #tpu.memory_space<vmem_shared>> -> memref<640x16xf32, #tpu.memory_space<vmem_shared>>
      tpu.wait_dma2 semaphore(%run_scoped3A : memref<!tpu.dma_semaphore, #tpu.memory_space<semaphore_mem>>) src(%arg9 : memref<640x16xf32, #tpu.memory_space<vmem>>) dst(%dma_wait3A_210 : memref<640x16xf32, #tpu.memory_space<vmem_shared>>)
      tpu.yield
    }) : () -> ()
    %dma_wait3A = arith.constant 0 : i32
    %dma_wait3A_34 = arith.constant 0 : i32
    %dma_wait3A_35 = arith.constant 0 : i32
    %dma_wait3A_36 = tpu.memref_slice %arg3[%dma_wait3A, %add3A, %dma_wait3A_34, %dma_wait3A_35] : memref<2x32x5x2000xi32, #tpu.memory_space<hbm>> -> memref<1x1x5x2000xi32, #tpu.memory_space<hbm>>
    %dma_wait3A_37 = tpu.memref_squeeze %dma_wait3A_36 : memref<1x1x5x2000xi32, #tpu.memory_space<hbm>> -> memref<5x2000xi32, #tpu.memory_space<hbm>>
    %dma_wait3A_38 = arith.constant 0 : i32
    %dma_wait3A_39 = arith.constant 0 : i32
    %dma_wait3A_40 = tpu.memref_slice %arg3[%dma_wait3A, %add3A, %dma_wait3A_38, %dma_wait3A_39] : memref<2x32x5x2000xi32, #tpu.memory_space<hbm>> -> memref<1x1x5x2000xi32, #tpu.memory_space<hbm>>
    %dma_wait3A_41 = tpu.memref_squeeze %dma_wait3A_40 : memref<1x1x5x2000xi32, #tpu.memory_space<hbm>> -> memref<5x2000xi32, #tpu.memory_space<hbm>>
    tpu.wait_dma2 semaphore(%arg12 : memref<!tpu.dma_semaphore, #tpu.memory_space<semaphore_mem>>) src(%dma_wait3A_41 : memref<5x2000xi32, #tpu.memory_space<hbm>>) dst(%arg5 : memref<5x2000xi32, #tpu.memory_space<vmem>>)
    %dma_wait3A_42 = arith.constant 1 : i32
    %dma_wait3A_43 = arith.constant 0 : i32
    %dma_wait3A_44 = arith.constant 0 : i32
    %dma_wait3A_45 = tpu.memref_slice %arg3[%dma_wait3A_42, %add3A, %dma_wait3A_43, %dma_wait3A_44] : memref<2x32x5x2000xi32, #tpu.memory_space<hbm>> -> memref<1x1x5x2000xi32, #tpu.memory_space<hbm>>
    %dma_wait3A_46 = tpu.memref_squeeze %dma_wait3A_45 : memref<1x1x5x2000xi32, #tpu.memory_space<hbm>> -> memref<5x2000xi32, #tpu.memory_space<hbm>>
    %dma_wait3A_47 = arith.constant 0 : i32
    %dma_wait3A_48 = arith.constant 0 : i32
    %dma_wait3A_49 = tpu.memref_slice %arg3[%dma_wait3A_42, %add3A, %dma_wait3A_47, %dma_wait3A_48] : memref<2x32x5x2000xi32, #tpu.memory_space<hbm>> -> memref<1x1x5x2000xi32, #tpu.memory_space<hbm>>
    %dma_wait3A_50 = tpu.memref_squeeze %dma_wait3A_49 : memref<1x1x5x2000xi32, #tpu.memory_space<hbm>> -> memref<5x2000xi32, #tpu.memory_space<hbm>>
    tpu.wait_dma2 semaphore(%arg12 : memref<!tpu.dma_semaphore, #tpu.memory_space<semaphore_mem>>) src(%dma_wait3A_50 : memref<5x2000xi32, #tpu.memory_space<hbm>>) dst(%arg6 : memref<5x2000xi32, #tpu.memory_space<vmem>>)
    %dma_wait3A_51 = arith.constant 0 : i32
    %dma_wait3A_52 = tpu.memref_slice %arg11[%mul3A_21, %dma_wait3A_51] : memref<10000x16xf32, #tpu.memory_space<vmem_shared>> -> memref<625x16xf32, #tpu.memory_space<vmem_shared>>
    %dma_wait3A_53 = arith.constant 0 : i32
    %dma_wait3A_54 = tpu.memref_slice %arg2[%mul3A_19, %dma_wait3A_53] : memref<10000x16xf32, #tpu.memory_space<hbm>> -> memref<625x16xf32, #tpu.memory_space<hbm>>
    tpu.wait_dma2 semaphore(%arg13 : memref<!tpu.dma_semaphore, #tpu.memory_space<semaphore_mem>>) src(%dma_wait3A_54 : memref<625x16xf32, #tpu.memory_space<hbm>>) dst(%dma_wait3A_52 : memref<625x16xf32, #tpu.memory_space<vmem_shared>>)
    %barrier3A = arith.constant 0 : index
    tpu.barrier barrier_id(%barrier3A)
    %dma_start3A_55 = arith.constant 0 : i32
    %dma_start3A_56 = arith.constant 0 : i32
    %dma_start3A_57 = tpu.memref_slice %arg5[%dma_start3A_55, %dma_start3A_56] : memref<5x2000xi32, #tpu.memory_space<vmem>> -> memref<1x2000xi32, #tpu.memory_space<vmem>>
    %dma_start3A_58 = tpu.memref_squeeze %dma_start3A_57 : memref<1x2000xi32, #tpu.memory_space<vmem>> -> memref<2000xi32, #tpu.memory_space<vmem>>
    %dma_start3A_59 = arith.constant 0 : i32
    %dma_start3A_60 = arith.constant 0 : i32
    %dma_start3A_61 = tpu.memref_slice %arg11[%dma_start3A_59, %dma_start3A_60] : memref<10000x16xf32, #tpu.memory_space<vmem_shared>> -> memref<10000x16xf32, #tpu.memory_space<vmem_shared>>
    tpu.enqueue_indirect_dma source(%dma_start3A_61 : memref<10000x16xf32, #tpu.memory_space<vmem_shared>>) target(%arg7 : memref<2000x16xf32, #tpu.memory_space<vmem>>) offsets(%dma_start3A_58 : memref<2000xi32, #tpu.memory_space<vmem>>) semaphore(%arg14 : memref<!tpu.dma_semaphore, #tpu.memory_space<semaphore_mem>>)
    %dma_wait3A_62 = arith.constant 0 : i32
    %dma_wait3A_63 = arith.constant 0 : i32
    %dma_wait3A_64 = tpu.memref_slice %arg5[%dma_wait3A_62, %dma_wait3A_63] : memref<5x2000xi32, #tpu.memory_space<vmem>> -> memref<1x2000xi32, #tpu.memory_space<vmem>>
    %dma_wait3A_65 = tpu.memref_squeeze %dma_wait3A_64 : memref<1x2000xi32, #tpu.memory_space<vmem>> -> memref<2000xi32, #tpu.memory_space<vmem>>
    %dma_wait3A_66 = arith.constant 0 : i32
    %dma_wait3A_67 = arith.constant 0 : i32
    %dma_wait3A_68 = tpu.memref_slice %arg11[%dma_wait3A_66, %dma_wait3A_67] : memref<10000x16xf32, #tpu.memory_space<vmem_shared>> -> memref<10000x16xf32, #tpu.memory_space<vmem_shared>>
    tpu.wait_indirect_dma semaphore(%arg14 : memref<!tpu.dma_semaphore, #tpu.memory_space<semaphore_mem>>) src(%dma_wait3A_68 : memref<10000x16xf32, #tpu.memory_space<vmem_shared>>) dst(%arg7 : memref<2000x16xf32, #tpu.memory_space<vmem>>)
    %dma_start3A_69 = arith.constant 1 : i32
    %dma_start3A_70 = arith.constant 0 : i32
    %dma_start3A_71 = tpu.memref_slice %arg5[%dma_start3A_69, %dma_start3A_70] : memref<5x2000xi32, #tpu.memory_space<vmem>> -> memref<1x2000xi32, #tpu.memory_space<vmem>>
    %dma_start3A_72 = tpu.memref_squeeze %dma_start3A_71 : memref<1x2000xi32, #tpu.memory_space<vmem>> -> memref<2000xi32, #tpu.memory_space<vmem>>
    %dma_start3A_73 = arith.constant 0 : i32
    %dma_start3A_74 = arith.constant 0 : i32
    %dma_start3A_75 = tpu.memref_slice %arg11[%dma_start3A_73, %dma_start3A_74] : memref<10000x16xf32, #tpu.memory_space<vmem_shared>> -> memref<10000x16xf32, #tpu.memory_space<vmem_shared>>
    tpu.enqueue_indirect_dma source(%dma_start3A_75 : memref<10000x16xf32, #tpu.memory_space<vmem_shared>>) target(%arg8 : memref<2000x16xf32, #tpu.memory_space<vmem>>) offsets(%dma_start3A_72 : memref<2000xi32, #tpu.memory_space<vmem>>) semaphore(%arg15 : memref<!tpu.dma_semaphore, #tpu.memory_space<semaphore_mem>>)
    %dma_start3A_76 = arith.constant 0 : i32
    %dma_start3A_77 = arith.constant 0 : i32
    %dma_start3A_78 = tpu.memref_slice %arg6[%dma_start3A_76, %dma_start3A_77] : memref<5x2000xi32, #tpu.memory_space<vmem>> -> memref<1x2000xi32, #tpu.memory_space<vmem>>
    %dma_start3A_79 = tpu.memref_squeeze %dma_start3A_78 : memref<1x2000xi32, #tpu.memory_space<vmem>> -> memref<2000xi32, #tpu.memory_space<vmem>>
    %dma_start3A_80 = arith.constant 0 : i32
    %dma_start3A_81 = arith.constant 0 : i32
    %dma_start3A_82 = tpu.memref_slice %arg10[%dma_start3A_80, %dma_start3A_81] : memref<10240x16xf32, #tpu.memory_space<vmem_shared>> -> memref<10240x16xf32, #tpu.memory_space<vmem_shared>>
    tpu.enqueue_indirect_dma source(%arg7 : memref<2000x16xf32, #tpu.memory_space<vmem>>) target(%dma_start3A_82 : memref<10240x16xf32, #tpu.memory_space<vmem_shared>>) offsets(%dma_start3A_79 : memref<2000xi32, #tpu.memory_space<vmem>>) semaphore(%arg16 : memref<!tpu.dma_semaphore, #tpu.memory_space<semaphore_mem>>) {add = true}
    %dma_wait3A_83 = arith.constant 1 : i32
    %dma_wait3A_84 = arith.constant 0 : i32
    %dma_wait3A_85 = tpu.memref_slice %arg5[%dma_wait3A_83, %dma_wait3A_84] : memref<5x2000xi32, #tpu.memory_space<vmem>> -> memref<1x2000xi32, #tpu.memory_space<vmem>>
    %dma_wait3A_86 = tpu.memref_squeeze %dma_wait3A_85 : memref<1x2000xi32, #tpu.memory_space<vmem>> -> memref<2000xi32, #tpu.memory_space<vmem>>
    %dma_wait3A_87 = arith.constant 0 : i32
    %dma_wait3A_88 = arith.constant 0 : i32
    %dma_wait3A_89 = tpu.memref_slice %arg11[%dma_wait3A_87, %dma_wait3A_88] : memref<10000x16xf32, #tpu.memory_space<vmem_shared>> -> memref<10000x16xf32, #tpu.memory_space<vmem_shared>>
    tpu.wait_indirect_dma semaphore(%arg15 : memref<!tpu.dma_semaphore, #tpu.memory_space<semaphore_mem>>) src(%dma_wait3A_89 : memref<10000x16xf32, #tpu.memory_space<vmem_shared>>) dst(%arg8 : memref<2000x16xf32, #tpu.memory_space<vmem>>)
    %dma_wait3A_90 = arith.constant 0 : i32
    %dma_wait3A_91 = arith.constant 0 : i32
    %dma_wait3A_92 = tpu.memref_slice %arg6[%dma_wait3A_90, %dma_wait3A_91] : memref<5x2000xi32, #tpu.memory_space<vmem>> -> memref<1x2000xi32, #tpu.memory_space<vmem>>
    %dma_wait3A_93 = tpu.memref_squeeze %dma_wait3A_92 : memref<1x2000xi32, #tpu.memory_space<vmem>> -> memref<2000xi32, #tpu.memory_space<vmem>>
    %dma_wait3A_94 = arith.constant 0 : i32
    %dma_wait3A_95 = arith.constant 0 : i32
    %dma_wait3A_96 = tpu.memref_slice %arg10[%dma_wait3A_94, %dma_wait3A_95] : memref<10240x16xf32, #tpu.memory_space<vmem_shared>> -> memref<10240x16xf32, #tpu.memory_space<vmem_shared>>
    tpu.wait_indirect_dma semaphore(%arg16 : memref<!tpu.dma_semaphore, #tpu.memory_space<semaphore_mem>>) src(%arg7 : memref<2000x16xf32, #tpu.memory_space<vmem>>) dst(%dma_wait3A_96 : memref<10240x16xf32, #tpu.memory_space<vmem_shared>>)
    %dma_start3A_97 = arith.constant 2 : i32
    %dma_start3A_98 = arith.constant 0 : i32
    %dma_start3A_99 = tpu.memref_slice %arg5[%dma_start3A_97, %dma_start3A_98] : memref<5x2000xi32, #tpu.memory_space<vmem>> -> memref<1x2000xi32, #tpu.memory_space<vmem>>
    %dma_start3A_100 = tpu.memref_squeeze %dma_start3A_99 : memref<1x2000xi32, #tpu.memory_space<vmem>> -> memref<2000xi32, #tpu.memory_space<vmem>>
    %dma_start3A_101 = arith.constant 0 : i32
    %dma_start3A_102 = arith.constant 0 : i32
    %dma_start3A_103 = tpu.memref_slice %arg11[%dma_start3A_101, %dma_start3A_102] : memref<10000x16xf32, #tpu.memory_space<vmem_shared>> -> memref<10000x16xf32, #tpu.memory_space<vmem_shared>>
    tpu.enqueue_indirect_dma source(%dma_start3A_103 : memref<10000x16xf32, #tpu.memory_space<vmem_shared>>) target(%arg7 : memref<2000x16xf32, #tpu.memory_space<vmem>>) offsets(%dma_start3A_100 : memref<2000xi32, #tpu.memory_space<vmem>>) semaphore(%arg14 : memref<!tpu.dma_semaphore, #tpu.memory_space<semaphore_mem>>)
    %dma_start3A_104 = arith.constant 1 : i32
    %dma_start3A_105 = arith.constant 0 : i32
    %dma_start3A_106 = tpu.memref_slice %arg6[%dma_start3A_104, %dma_start3A_105] : memref<5x2000xi32, #tpu.memory_space<vmem>> -> memref<1x2000xi32, #tpu.memory_space<vmem>>
    %dma_start3A_107 = tpu.memref_squeeze %dma_start3A_106 : memref<1x2000xi32, #tpu.memory_space<vmem>> -> memref<2000xi32, #tpu.memory_space<vmem>>
    %dma_start3A_108 = arith.constant 0 : i32
    %dma_start3A_109 = arith.constant 0 : i32
    %dma_start3A_110 = tpu.memref_slice %arg10[%dma_start3A_108, %dma_start3A_109] : memref<10240x16xf32, #tpu.memory_space<vmem_shared>> -> memref<10240x16xf32, #tpu.memory_space<vmem_shared>>
    tpu.enqueue_indirect_dma source(%arg8 : memref<2000x16xf32, #tpu.memory_space<vmem>>) target(%dma_start3A_110 : memref<10240x16xf32, #tpu.memory_space<vmem_shared>>) offsets(%dma_start3A_107 : memref<2000xi32, #tpu.memory_space<vmem>>) semaphore(%arg17 : memref<!tpu.dma_semaphore, #tpu.memory_space<semaphore_mem>>) {add = true}
    %dma_wait3A_111 = arith.constant 2 : i32
    %dma_wait3A_112 = arith.constant 0 : i32
    %dma_wait3A_113 = tpu.memref_slice %arg5[%dma_wait3A_111, %dma_wait3A_112] : memref<5x2000xi32, #tpu.memory_space<vmem>> -> memref<1x2000xi32, #tpu.memory_space<vmem>>
    %dma_wait3A_114 = tpu.memref_squeeze %dma_wait3A_113 : memref<1x2000xi32, #tpu.memory_space<vmem>> -> memref<2000xi32, #tpu.memory_space<vmem>>
    %dma_wait3A_115 = arith.constant 0 : i32
    %dma_wait3A_116 = arith.constant 0 : i32
    %dma_wait3A_117 = tpu.memref_slice %arg11[%dma_wait3A_115, %dma_wait3A_116] : memref<10000x16xf32, #tpu.memory_space<vmem_shared>> -> memref<10000x16xf32, #tpu.memory_space<vmem_shared>>
    tpu.wait_indirect_dma semaphore(%arg14 : memref<!tpu.dma_semaphore, #tpu.memory_space<semaphore_mem>>) src(%dma_wait3A_117 : memref<10000x16xf32, #tpu.memory_space<vmem_shared>>) dst(%arg7 : memref<2000x16xf32, #tpu.memory_space<vmem>>)
    %dma_wait3A_118 = arith.constant 1 : i32
    %dma_wait3A_119 = arith.constant 0 : i32
    %dma_wait3A_120 = tpu.memref_slice %arg6[%dma_wait3A_118, %dma_wait3A_119] : memref<5x2000xi32, #tpu.memory_space<vmem>> -> memref<1x2000xi32, #tpu.memory_space<vmem>>
    %dma_wait3A_121 = tpu.memref_squeeze %dma_wait3A_120 : memref<1x2000xi32, #tpu.memory_space<vmem>> -> memref<2000xi32, #tpu.memory_space<vmem>>
    %dma_wait3A_122 = arith.constant 0 : i32
    %dma_wait3A_123 = arith.constant 0 : i32
    %dma_wait3A_124 = tpu.memref_slice %arg10[%dma_wait3A_122, %dma_wait3A_123] : memref<10240x16xf32, #tpu.memory_space<vmem_shared>> -> memref<10240x16xf32, #tpu.memory_space<vmem_shared>>
    tpu.wait_indirect_dma semaphore(%arg17 : memref<!tpu.dma_semaphore, #tpu.memory_space<semaphore_mem>>) src(%arg8 : memref<2000x16xf32, #tpu.memory_space<vmem>>) dst(%dma_wait3A_124 : memref<10240x16xf32, #tpu.memory_space<vmem_shared>>)
    %dma_start3A_125 = arith.constant 3 : i32
    %dma_start3A_126 = arith.constant 0 : i32
    %dma_start3A_127 = tpu.memref_slice %arg5[%dma_start3A_125, %dma_start3A_126] : memref<5x2000xi32, #tpu.memory_space<vmem>> -> memref<1x2000xi32, #tpu.memory_space<vmem>>
    %dma_start3A_128 = tpu.memref_squeeze %dma_start3A_127 : memref<1x2000xi32, #tpu.memory_space<vmem>> -> memref<2000xi32, #tpu.memory_space<vmem>>
    %dma_start3A_129 = arith.constant 0 : i32
    %dma_start3A_130 = arith.constant 0 : i32
    %dma_start3A_131 = tpu.memref_slice %arg11[%dma_start3A_129, %dma_start3A_130] : memref<10000x16xf32, #tpu.memory_space<vmem_shared>> -> memref<10000x16xf32, #tpu.memory_space<vmem_shared>>
    tpu.enqueue_indirect_dma source(%dma_start3A_131 : memref<10000x16xf32, #tpu.memory_space<vmem_shared>>) target(%arg8 : memref<2000x16xf32, #tpu.memory_space<vmem>>) offsets(%dma_start3A_128 : memref<2000xi32, #tpu.memory_space<vmem>>) semaphore(%arg15 : memref<!tpu.dma_semaphore, #tpu.memory_space<semaphore_mem>>)
    %dma_start3A_132 = arith.constant 2 : i32
    %dma_start3A_133 = arith.constant 0 : i32
    %dma_start3A_134 = tpu.memref_slice %arg6[%dma_start3A_132, %dma_start3A_133] : memref<5x2000xi32, #tpu.memory_space<vmem>> -> memref<1x2000xi32, #tpu.memory_space<vmem>>
    %dma_start3A_135 = tpu.memref_squeeze %dma_start3A_134 : memref<1x2000xi32, #tpu.memory_space<vmem>> -> memref<2000xi32, #tpu.memory_space<vmem>>
    %dma_start3A_136 = arith.constant 0 : i32
    %dma_start3A_137 = arith.constant 0 : i32
    %dma_start3A_138 = tpu.memref_slice %arg10[%dma_start3A_136, %dma_start3A_137] : memref<10240x16xf32, #tpu.memory_space<vmem_shared>> -> memref<10240x16xf32, #tpu.memory_space<vmem_shared>>
    tpu.enqueue_indirect_dma source(%arg7 : memref<2000x16xf32, #tpu.memory_space<vmem>>) target(%dma_start3A_138 : memref<10240x16xf32, #tpu.memory_space<vmem_shared>>) offsets(%dma_start3A_135 : memref<2000xi32, #tpu.memory_space<vmem>>) semaphore(%arg16 : memref<!tpu.dma_semaphore, #tpu.memory_space<semaphore_mem>>) {add = true}
    %dma_wait3A_139 = arith.constant 3 : i32
    %dma_wait3A_140 = arith.constant 0 : i32
    %dma_wait3A_141 = tpu.memref_slice %arg5[%dma_wait3A_139, %dma_wait3A_140] : memref<5x2000xi32, #tpu.memory_space<vmem>> -> memref<1x2000xi32, #tpu.memory_space<vmem>>
    %dma_wait3A_142 = tpu.memref_squeeze %dma_wait3A_141 : memref<1x2000xi32, #tpu.memory_space<vmem>> -> memref<2000xi32, #tpu.memory_space<vmem>>
    %dma_wait3A_143 = arith.constant 0 : i32
    %dma_wait3A_144 = arith.constant 0 : i32
    %dma_wait3A_145 = tpu.memref_slice %arg11[%dma_wait3A_143, %dma_wait3A_144] : memref<10000x16xf32, #tpu.memory_space<vmem_shared>> -> memref<10000x16xf32, #tpu.memory_space<vmem_shared>>
    tpu.wait_indirect_dma semaphore(%arg15 : memref<!tpu.dma_semaphore, #tpu.memory_space<semaphore_mem>>) src(%dma_wait3A_145 : memref<10000x16xf32, #tpu.memory_space<vmem_shared>>) dst(%arg8 : memref<2000x16xf32, #tpu.memory_space<vmem>>)
    %dma_wait3A_146 = arith.constant 2 : i32
    %dma_wait3A_147 = arith.constant 0 : i32
    %dma_wait3A_148 = tpu.memref_slice %arg6[%dma_wait3A_146, %dma_wait3A_147] : memref<5x2000xi32, #tpu.memory_space<vmem>> -> memref<1x2000xi32, #tpu.memory_space<vmem>>
    %dma_wait3A_149 = tpu.memref_squeeze %dma_wait3A_148 : memref<1x2000xi32, #tpu.memory_space<vmem>> -> memref<2000xi32, #tpu.memory_space<vmem>>
    %dma_wait3A_150 = arith.constant 0 : i32
    %dma_wait3A_151 = arith.constant 0 : i32
    %dma_wait3A_152 = tpu.memref_slice %arg10[%dma_wait3A_150, %dma_wait3A_151] : memref<10240x16xf32, #tpu.memory_space<vmem_shared>> -> memref<10240x16xf32, #tpu.memory_space<vmem_shared>>
    tpu.wait_indirect_dma semaphore(%arg16 : memref<!tpu.dma_semaphore, #tpu.memory_space<semaphore_mem>>) src(%arg7 : memref<2000x16xf32, #tpu.memory_space<vmem>>) dst(%dma_wait3A_152 : memref<10240x16xf32, #tpu.memory_space<vmem_shared>>)
    %dma_start3A_153 = arith.constant 4 : i32
    %dma_start3A_154 = arith.constant 0 : i32
    %dma_start3A_155 = tpu.memref_slice %arg5[%dma_start3A_153, %dma_start3A_154] : memref<5x2000xi32, #tpu.memory_space<vmem>> -> memref<1x2000xi32, #tpu.memory_space<vmem>>
    %dma_start3A_156 = tpu.memref_squeeze %dma_start3A_155 : memref<1x2000xi32, #tpu.memory_space<vmem>> -> memref<2000xi32, #tpu.memory_space<vmem>>
    %dma_start3A_157 = arith.constant 0 : i32
    %dma_start3A_158 = arith.constant 0 : i32
    %dma_start3A_159 = tpu.memref_slice %arg11[%dma_start3A_157, %dma_start3A_158] : memref<10000x16xf32, #tpu.memory_space<vmem_shared>> -> memref<10000x16xf32, #tpu.memory_space<vmem_shared>>
    tpu.enqueue_indirect_dma source(%dma_start3A_159 : memref<10000x16xf32, #tpu.memory_space<vmem_shared>>) target(%arg7 : memref<2000x16xf32, #tpu.memory_space<vmem>>) offsets(%dma_start3A_156 : memref<2000xi32, #tpu.memory_space<vmem>>) semaphore(%arg14 : memref<!tpu.dma_semaphore, #tpu.memory_space<semaphore_mem>>)
    %dma_start3A_160 = arith.constant 3 : i32
    %dma_start3A_161 = arith.constant 0 : i32
    %dma_start3A_162 = tpu.memref_slice %arg6[%dma_start3A_160, %dma_start3A_161] : memref<5x2000xi32, #tpu.memory_space<vmem>> -> memref<1x2000xi32, #tpu.memory_space<vmem>>
    %dma_start3A_163 = tpu.memref_squeeze %dma_start3A_162 : memref<1x2000xi32, #tpu.memory_space<vmem>> -> memref<2000xi32, #tpu.memory_space<vmem>>
    %dma_start3A_164 = arith.constant 0 : i32
    %dma_start3A_165 = arith.constant 0 : i32
    %dma_start3A_166 = tpu.memref_slice %arg10[%dma_start3A_164, %dma_start3A_165] : memref<10240x16xf32, #tpu.memory_space<vmem_shared>> -> memref<10240x16xf32, #tpu.memory_space<vmem_shared>>
    tpu.enqueue_indirect_dma source(%arg8 : memref<2000x16xf32, #tpu.memory_space<vmem>>) target(%dma_start3A_166 : memref<10240x16xf32, #tpu.memory_space<vmem_shared>>) offsets(%dma_start3A_163 : memref<2000xi32, #tpu.memory_space<vmem>>) semaphore(%arg17 : memref<!tpu.dma_semaphore, #tpu.memory_space<semaphore_mem>>) {add = true}
    %dma_wait3A_167 = arith.constant 4 : i32
    %dma_wait3A_168 = arith.constant 0 : i32
    %dma_wait3A_169 = tpu.memref_slice %arg5[%dma_wait3A_167, %dma_wait3A_168] : memref<5x2000xi32, #tpu.memory_space<vmem>> -> memref<1x2000xi32, #tpu.memory_space<vmem>>
    %dma_wait3A_170 = tpu.memref_squeeze %dma_wait3A_169 : memref<1x2000xi32, #tpu.memory_space<vmem>> -> memref<2000xi32, #tpu.memory_space<vmem>>
    %dma_wait3A_171 = arith.constant 0 : i32
    %dma_wait3A_172 = arith.constant 0 : i32
    %dma_wait3A_173 = tpu.memref_slice %arg11[%dma_wait3A_171, %dma_wait3A_172] : memref<10000x16xf32, #tpu.memory_space<vmem_shared>> -> memref<10000x16xf32, #tpu.memory_space<vmem_shared>>
    tpu.wait_indirect_dma semaphore(%arg14 : memref<!tpu.dma_semaphore, #tpu.memory_space<semaphore_mem>>) src(%dma_wait3A_173 : memref<10000x16xf32, #tpu.memory_space<vmem_shared>>) dst(%arg7 : memref<2000x16xf32, #tpu.memory_space<vmem>>)
    %dma_wait3A_174 = arith.constant 3 : i32
    %dma_wait3A_175 = arith.constant 0 : i32
    %dma_wait3A_176 = tpu.memref_slice %arg6[%dma_wait3A_174, %dma_wait3A_175] : memref<5x2000xi32, #tpu.memory_space<vmem>> -> memref<1x2000xi32, #tpu.memory_space<vmem>>
    %dma_wait3A_177 = tpu.memref_squeeze %dma_wait3A_176 : memref<1x2000xi32, #tpu.memory_space<vmem>> -> memref<2000xi32, #tpu.memory_space<vmem>>
    %dma_wait3A_178 = arith.constant 0 : i32
    %dma_wait3A_179 = arith.constant 0 : i32
    %dma_wait3A_180 = tpu.memref_slice %arg10[%dma_wait3A_178, %dma_wait3A_179] : memref<10240x16xf32, #tpu.memory_space<vmem_shared>> -> memref<10240x16xf32, #tpu.memory_space<vmem_shared>>
    tpu.wait_indirect_dma semaphore(%arg17 : memref<!tpu.dma_semaphore, #tpu.memory_space<semaphore_mem>>) src(%arg8 : memref<2000x16xf32, #tpu.memory_space<vmem>>) dst(%dma_wait3A_180 : memref<10240x16xf32, #tpu.memory_space<vmem_shared>>)
    %dma_start3A_181 = arith.constant 4 : i32
    %dma_start3A_182 = arith.constant 0 : i32
    %dma_start3A_183 = tpu.memref_slice %arg6[%dma_start3A_181, %dma_start3A_182] : memref<5x2000xi32, #tpu.memory_space<vmem>> -> memref<1x2000xi32, #tpu.memory_space<vmem>>
    %dma_start3A_184 = tpu.memref_squeeze %dma_start3A_183 : memref<1x2000xi32, #tpu.memory_space<vmem>> -> memref<2000xi32, #tpu.memory_space<vmem>>
    %dma_start3A_185 = arith.constant 0 : i32
    %dma_start3A_186 = arith.constant 0 : i32
    %dma_start3A_187 = tpu.memref_slice %arg10[%dma_start3A_185, %dma_start3A_186] : memref<10240x16xf32, #tpu.memory_space<vmem_shared>> -> memref<10240x16xf32, #tpu.memory_space<vmem_shared>>
    tpu.enqueue_indirect_dma source(%arg7 : memref<2000x16xf32, #tpu.memory_space<vmem>>) target(%dma_start3A_187 : memref<10240x16xf32, #tpu.memory_space<vmem_shared>>) offsets(%dma_start3A_184 : memref<2000xi32, #tpu.memory_space<vmem>>) semaphore(%arg16 : memref<!tpu.dma_semaphore, #tpu.memory_space<semaphore_mem>>) {add = true}
    %dma_wait3A_188 = arith.constant 4 : i32
    %dma_wait3A_189 = arith.constant 0 : i32
    %dma_wait3A_190 = tpu.memref_slice %arg6[%dma_wait3A_188, %dma_wait3A_189] : memref<5x2000xi32, #tpu.memory_space<vmem>> -> memref<1x2000xi32, #tpu.memory_space<vmem>>
    %dma_wait3A_191 = tpu.memref_squeeze %dma_wait3A_190 : memref<1x2000xi32, #tpu.memory_space<vmem>> -> memref<2000xi32, #tpu.memory_space<vmem>>
    %dma_wait3A_192 = arith.constant 0 : i32
    %dma_wait3A_193 = arith.constant 0 : i32
    %dma_wait3A_194 = tpu.memref_slice %arg10[%dma_wait3A_192, %dma_wait3A_193] : memref<10240x16xf32, #tpu.memory_space<vmem_shared>> -> memref<10240x16xf32, #tpu.memory_space<vmem_shared>>
    tpu.wait_indirect_dma semaphore(%arg16 : memref<!tpu.dma_semaphore, #tpu.memory_space<semaphore_mem>>) src(%arg7 : memref<2000x16xf32, #tpu.memory_space<vmem>>) dst(%dma_wait3A_194 : memref<10240x16xf32, #tpu.memory_space<vmem_shared>>)
    %barrier3A_195 = arith.constant 0 : index
    tpu.barrier barrier_id(%barrier3A_195)
    %mul3A_196 = arith.constant 640 : i32
    %mul3A_197 = arith.muli %arg1, %mul3A_196 : i32
    %mul3A_198 = arith.constant 10240 : i32
    %mul3A_199 = arith.muli %arg0, %mul3A_198 : i32
    %mul3A_200 = arith.constant 640 : i32
    %mul3A_201 = arith.muli %arg1, %mul3A_200 : i32
    %add3A_202 = arith.addi %mul3A_199, %mul3A_201 : i32
    "tpu.region"() ({
      %run_scoped3A = tpu.sem_alloc : memref<!tpu.dma_semaphore, #tpu.memory_space<semaphore_mem>>
      %dma_start3A_203 = arith.constant 0 : i32
      %dma_start3A_204 = tpu.memref_slice %arg4[%add3A_202, %dma_start3A_203] : memref<20480x16xf32, #tpu.memory_space<hbm>> -> memref<640x16xf32, #tpu.memory_space<hbm>>
      %dma_start3A_205 = arith.constant 0 : i32
      %dma_start3A_206 = tpu.memref_slice %arg10[%mul3A_197, %dma_start3A_205] : memref<10240x16xf32, #tpu.memory_space<vmem_shared>> -> memref<640x16xf32, #tpu.memory_space<vmem_shared>>
      tpu.enqueue_dma source(%dma_start3A_206 : memref<640x16xf32, #tpu.memory_space<vmem_shared>>) target(%dma_start3A_204 : memref<640x16xf32, #tpu.memory_space<hbm>>) target_semaphore(%run_scoped3A : memref<!tpu.dma_semaphore, #tpu.memory_space<semaphore_mem>>)
      %dma_wait3A_207 = arith.constant 0 : i32
      %dma_wait3A_208 = tpu.memref_slice %arg4[%add3A_202, %dma_wait3A_207] : memref<20480x16xf32, #tpu.memory_space<hbm>> -> memref<640x16xf32, #tpu.memory_space<hbm>>
      %dma_wait3A_209 = arith.constant 0 : i32
      %dma_wait3A_210 = tpu.memref_slice %arg10[%mul3A_197, %dma_wait3A_209] : memref<10240x16xf32, #tpu.memory_space<vmem_shared>> -> memref<640x16xf32, #tpu.memory_space<vmem_shared>>
      tpu.wait_dma2 semaphore(%run_scoped3A : memref<!tpu.dma_semaphore, #tpu.memory_space<semaphore_mem>>) src(%dma_wait3A_210 : memref<640x16xf32, #tpu.memory_space<vmem_shared>>) dst(%dma_wait3A_208 : memref<640x16xf32, #tpu.memory_space<hbm>>)
      tpu.yield
    }) : () -> ()
    return
  }
}

#map = affine_map<(d0, d1) -> (0, 0, 0, 0)>
#map1 = affine_map<(d0, d1) -> (0)>
module attributes {stable_mosaic.version = 14 : i64} {
  func.func @_deg_body(%arg0: i32, %arg1: i32, %arg2: memref<2x16x10x2000xi32, #tpu.memory_space<hbm>>, %arg3: memref<163840xf32, #tpu.memory_space<hbm>>, %arg4: memref<10x2000xi32, #tpu.memory_space<vmem>>, %arg5: memref<2000xf32, #tpu.memory_space<vmem>>, %arg6: memref<640xf32, #tpu.memory_space<vmem>>, %arg7: memref<320xf32, #tpu.memory_space<vmem>>, %arg8: memref<320xf32, #tpu.memory_space<vmem>>, %arg9: memref<5120xf32, #tpu.memory_space<vmem>>, %arg10: memref<10240xf32, #tpu.memory_space<vmem_shared>>, %arg11: memref<!tpu.dma_semaphore, #tpu.memory_space<semaphore_mem>>, %arg12: memref<!tpu.dma_semaphore, #tpu.memory_space<semaphore_mem>>) attributes {dimension_semantics = [#tpu.dimension_semantics<core_parallel>, #tpu.dimension_semantics<subcore_parallel>], iteration_bounds = array<i64: 2, 16>, scalar_prefetch = 0 : i64, scratch_operands = 9 : i64, tpu.core_type = #tpu.core_type<sc_vector_subcore>, window_params = [{transform_indices = #map}, {transform_indices = #map1}]} {
    %mul3A = arith.constant 16 : i32
    %mul3A_0 = arith.muli %arg0, %mul3A : i32
    %add3A = arith.addi %mul3A_0, %arg1 : i32
    %dma_start3A = arith.constant 1 : i32
    %dma_start3A_1 = arith.constant 0 : i32
    %dma_start3A_2 = arith.constant 0 : i32
    %dma_start3A_3 = tpu.memref_slice %arg2[%dma_start3A, %arg1, %dma_start3A_1, %dma_start3A_2] : memref<2x16x10x2000xi32, #tpu.memory_space<hbm>> -> memref<1x1x10x2000xi32, #tpu.memory_space<hbm>>
    %dma_start3A_4 = tpu.memref_squeeze %dma_start3A_3 : memref<1x1x10x2000xi32, #tpu.memory_space<hbm>> -> memref<10x2000xi32, #tpu.memory_space<hbm>>
    %dma_start3A_5 = arith.constant 0 : i32
    %dma_start3A_6 = arith.constant 0 : i32
    %dma_start3A_7 = tpu.memref_slice %arg2[%dma_start3A, %arg1, %dma_start3A_5, %dma_start3A_6] : memref<2x16x10x2000xi32, #tpu.memory_space<hbm>> -> memref<1x1x10x2000xi32, #tpu.memory_space<hbm>>
    %dma_start3A_8 = tpu.memref_squeeze %dma_start3A_7 : memref<1x1x10x2000xi32, #tpu.memory_space<hbm>> -> memref<10x2000xi32, #tpu.memory_space<hbm>>
    tpu.enqueue_dma source(%dma_start3A_8 : memref<10x2000xi32, #tpu.memory_space<hbm>>) target(%arg4 : memref<10x2000xi32, #tpu.memory_space<vmem>>) target_semaphore(%arg11 : memref<!tpu.dma_semaphore, #tpu.memory_space<semaphore_mem>>)
    %scan3A = arith.constant 0 : i32
    %scan3A_9 = arith.constant 0 : i32
    %scan3A_10 = arith.constant 125 : i32
    %scan3A_11 = arith.addi %scan3A_9, %scan3A_10 : i32
    %scan3A_12 = arith.constant 1 : i32
    %scan3A_13 = scf.for %scan3A_173 = %scan3A_9 to %scan3A_11 step %scan3A_12 iter_args(%scan3A_174 = %scan3A) -> (i32)  : i32 {
      %broadcast_in_dim3A = arith.constant 1.000000e+00 : f32
      %broadcast_in_dim3A_175 = vector.broadcast %broadcast_in_dim3A : f32 to vector<16xf32>
      %mul3A_176 = arith.constant 16 : i32
      %mul3A_177 = arith.muli %scan3A_173, %mul3A_176 : i32
      %swap3A = arith.index_cast %mul3A_177 : i32 to index
      %swap3A_178 = tpu.vector_load %arg5[%swap3A] {strides = array<i32>} : memref<2000xf32, #tpu.memory_space<vmem>>, vector<16xf32>,
      %swap3A_179 = vector.shape_cast %swap3A_178 : vector<16xf32> to vector<16xf32>
      %swap3A_180 = vector.shape_cast %broadcast_in_dim3A_175 : vector<16xf32> to vector<16xf32>
      tpu.vector_store %arg5[%swap3A], %swap3A_180 {strides = array<i32>} : memref<2000xf32, #tpu.memory_space<vmem>>, vector<16xf32>,
      %scan3A_181 = arith.constant 0 : i32
      scf.yield %scan3A_181 : i32
    }
    %scan3A_14 = arith.constant 125 : i32
    %scan3A_15 = arith.constant 0 : i32
    %scan3A_16 = arith.constant 0 : i32
    %scan3A_17 = arith.constant 40 : i32
    %scan3A_18 = arith.addi %scan3A_16, %scan3A_17 : i32
    %scan3A_19 = arith.constant 1 : i32
    %scan3A_20 = scf.for %scan3A_173 = %scan3A_16 to %scan3A_18 step %scan3A_19 iter_args(%scan3A_174 = %scan3A_15) -> (i32)  : i32 {
      %broadcast_in_dim3A = arith.constant 0.000000e+00 : f32
      %broadcast_in_dim3A_175 = vector.broadcast %broadcast_in_dim3A : f32 to vector<16xf32>
      %mul3A_176 = arith.constant 16 : i32
      %mul3A_177 = arith.muli %scan3A_173, %mul3A_176 : i32
      %swap3A = arith.index_cast %mul3A_177 : i32 to index
      %swap3A_178 = tpu.vector_load %arg6[%swap3A] {strides = array<i32>} : memref<640xf32, #tpu.memory_space<vmem>>, vector<16xf32>,
      %swap3A_179 = vector.shape_cast %swap3A_178 : vector<16xf32> to vector<16xf32>
      %swap3A_180 = vector.shape_cast %broadcast_in_dim3A_175 : vector<16xf32> to vector<16xf32>
      tpu.vector_store %arg6[%swap3A], %swap3A_180 {strides = array<i32>} : memref<640xf32, #tpu.memory_space<vmem>>, vector<16xf32>,
      %scan3A_181 = arith.constant 0 : i32
      scf.yield %scan3A_181 : i32
    }
    %scan3A_21 = arith.constant 40 : i32
    %mul3A_22 = arith.constant 640 : i32
    %mul3A_23 = arith.muli %arg1, %mul3A_22 : i32
    "tpu.region"() ({
      %run_scoped3A = tpu.sem_alloc : memref<!tpu.dma_semaphore, #tpu.memory_space<semaphore_mem>>
      %dma_start3A_173 = tpu.memref_slice %arg10[%mul3A_23] : memref<10240xf32, #tpu.memory_space<vmem_shared>> -> memref<640xf32, #tpu.memory_space<vmem_shared>>
      %dma_start3A_174 = tpu.memref_slice %arg10[%mul3A_23] : memref<10240xf32, #tpu.memory_space<vmem_shared>> -> memref<640xf32, #tpu.memory_space<vmem_shared>>
      tpu.enqueue_dma source(%arg6 : memref<640xf32, #tpu.memory_space<vmem>>) target(%dma_start3A_174 : memref<640xf32, #tpu.memory_space<vmem_shared>>) target_semaphore(%run_scoped3A : memref<!tpu.dma_semaphore, #tpu.memory_space<semaphore_mem>>)
      %dma_wait3A_175 = tpu.memref_slice %arg10[%mul3A_23] : memref<10240xf32, #tpu.memory_space<vmem_shared>> -> memref<640xf32, #tpu.memory_space<vmem_shared>>
      %dma_wait3A_176 = tpu.memref_slice %arg10[%mul3A_23] : memref<10240xf32, #tpu.memory_space<vmem_shared>> -> memref<640xf32, #tpu.memory_space<vmem_shared>>
      tpu.wait_dma2 semaphore(%run_scoped3A : memref<!tpu.dma_semaphore, #tpu.memory_space<semaphore_mem>>) src(%arg6 : memref<640xf32, #tpu.memory_space<vmem>>) dst(%dma_wait3A_176 : memref<640xf32, #tpu.memory_space<vmem_shared>>)
      tpu.yield
    }) : () -> ()
    %dma_wait3A = arith.constant 1 : i32
    %dma_wait3A_24 = arith.constant 0 : i32
    %dma_wait3A_25 = arith.constant 0 : i32
    %dma_wait3A_26 = tpu.memref_slice %arg2[%dma_wait3A, %arg1, %dma_wait3A_24, %dma_wait3A_25] : memref<2x16x10x2000xi32, #tpu.memory_space<hbm>> -> memref<1x1x10x2000xi32, #tpu.memory_space<hbm>>
    %dma_wait3A_27 = tpu.memref_squeeze %dma_wait3A_26 : memref<1x1x10x2000xi32, #tpu.memory_space<hbm>> -> memref<10x2000xi32, #tpu.memory_space<hbm>>
    %dma_wait3A_28 = arith.constant 0 : i32
    %dma_wait3A_29 = arith.constant 0 : i32
    %dma_wait3A_30 = tpu.memref_slice %arg2[%dma_wait3A, %arg1, %dma_wait3A_28, %dma_wait3A_29] : memref<2x16x10x2000xi32, #tpu.memory_space<hbm>> -> memref<1x1x10x2000xi32, #tpu.memory_space<hbm>>
    %dma_wait3A_31 = tpu.memref_squeeze %dma_wait3A_30 : memref<1x1x10x2000xi32, #tpu.memory_space<hbm>> -> memref<10x2000xi32, #tpu.memory_space<hbm>>
    tpu.wait_dma2 semaphore(%arg11 : memref<!tpu.dma_semaphore, #tpu.memory_space<semaphore_mem>>) src(%dma_wait3A_31 : memref<10x2000xi32, #tpu.memory_space<hbm>>) dst(%arg4 : memref<10x2000xi32, #tpu.memory_space<vmem>>)
    %barrier3A = arith.constant 0 : index
    tpu.barrier barrier_id(%barrier3A)
    %dma_start3A_32 = arith.constant 0 : i32
    %dma_start3A_33 = arith.constant 0 : i32
    %dma_start3A_34 = tpu.memref_slice %arg4[%dma_start3A_32, %dma_start3A_33] : memref<10x2000xi32, #tpu.memory_space<vmem>> -> memref<1x2000xi32, #tpu.memory_space<vmem>>
    %dma_start3A_35 = tpu.memref_squeeze %dma_start3A_34 : memref<1x2000xi32, #tpu.memory_space<vmem>> -> memref<2000xi32, #tpu.memory_space<vmem>>
    %dma_start3A_36 = arith.constant 0 : i32
    %dma_start3A_37 = tpu.memref_slice %arg10[%dma_start3A_36] : memref<10240xf32, #tpu.memory_space<vmem_shared>> -> memref<10240xf32, #tpu.memory_space<vmem_shared>>
    tpu.enqueue_indirect_dma source(%arg5 : memref<2000xf32, #tpu.memory_space<vmem>>) target(%dma_start3A_37 : memref<10240xf32, #tpu.memory_space<vmem_shared>>) offsets(%dma_start3A_35 : memref<2000xi32, #tpu.memory_space<vmem>>) semaphore(%arg12 : memref<!tpu.dma_semaphore, #tpu.memory_space<semaphore_mem>>) {add = true}
    %dma_start3A_38 = arith.constant 1 : i32
    %dma_start3A_39 = arith.constant 0 : i32
    %dma_start3A_40 = tpu.memref_slice %arg4[%dma_start3A_38, %dma_start3A_39] : memref<10x2000xi32, #tpu.memory_space<vmem>> -> memref<1x2000xi32, #tpu.memory_space<vmem>>
    %dma_start3A_41 = tpu.memref_squeeze %dma_start3A_40 : memref<1x2000xi32, #tpu.memory_space<vmem>> -> memref<2000xi32, #tpu.memory_space<vmem>>
    %dma_start3A_42 = arith.constant 0 : i32
    %dma_start3A_43 = tpu.memref_slice %arg10[%dma_start3A_42] : memref<10240xf32, #tpu.memory_space<vmem_shared>> -> memref<10240xf32, #tpu.memory_space<vmem_shared>>
    tpu.enqueue_indirect_dma source(%arg5 : memref<2000xf32, #tpu.memory_space<vmem>>) target(%dma_start3A_43 : memref<10240xf32, #tpu.memory_space<vmem_shared>>) offsets(%dma_start3A_41 : memref<2000xi32, #tpu.memory_space<vmem>>) semaphore(%arg12 : memref<!tpu.dma_semaphore, #tpu.memory_space<semaphore_mem>>) {add = true}
    %dma_start3A_44 = arith.constant 2 : i32
    %dma_start3A_45 = arith.constant 0 : i32
    %dma_start3A_46 = tpu.memref_slice %arg4[%dma_start3A_44, %dma_start3A_45] : memref<10x2000xi32, #tpu.memory_space<vmem>> -> memref<1x2000xi32, #tpu.memory_space<vmem>>
    %dma_start3A_47 = tpu.memref_squeeze %dma_start3A_46 : memref<1x2000xi32, #tpu.memory_space<vmem>> -> memref<2000xi32, #tpu.memory_space<vmem>>
    %dma_start3A_48 = arith.constant 0 : i32
    %dma_start3A_49 = tpu.memref_slice %arg10[%dma_start3A_48] : memref<10240xf32, #tpu.memory_space<vmem_shared>> -> memref<10240xf32, #tpu.memory_space<vmem_shared>>
    tpu.enqueue_indirect_dma source(%arg5 : memref<2000xf32, #tpu.memory_space<vmem>>) target(%dma_start3A_49 : memref<10240xf32, #tpu.memory_space<vmem_shared>>) offsets(%dma_start3A_47 : memref<2000xi32, #tpu.memory_space<vmem>>) semaphore(%arg12 : memref<!tpu.dma_semaphore, #tpu.memory_space<semaphore_mem>>) {add = true}
    %dma_start3A_50 = arith.constant 3 : i32
    %dma_start3A_51 = arith.constant 0 : i32
    %dma_start3A_52 = tpu.memref_slice %arg4[%dma_start3A_50, %dma_start3A_51] : memref<10x2000xi32, #tpu.memory_space<vmem>> -> memref<1x2000xi32, #tpu.memory_space<vmem>>
    %dma_start3A_53 = tpu.memref_squeeze %dma_start3A_52 : memref<1x2000xi32, #tpu.memory_space<vmem>> -> memref<2000xi32, #tpu.memory_space<vmem>>
    %dma_start3A_54 = arith.constant 0 : i32
    %dma_start3A_55 = tpu.memref_slice %arg10[%dma_start3A_54] : memref<10240xf32, #tpu.memory_space<vmem_shared>> -> memref<10240xf32, #tpu.memory_space<vmem_shared>>
    tpu.enqueue_indirect_dma source(%arg5 : memref<2000xf32, #tpu.memory_space<vmem>>) target(%dma_start3A_55 : memref<10240xf32, #tpu.memory_space<vmem_shared>>) offsets(%dma_start3A_53 : memref<2000xi32, #tpu.memory_space<vmem>>) semaphore(%arg12 : memref<!tpu.dma_semaphore, #tpu.memory_space<semaphore_mem>>) {add = true}
    %dma_start3A_56 = arith.constant 4 : i32
    %dma_start3A_57 = arith.constant 0 : i32
    %dma_start3A_58 = tpu.memref_slice %arg4[%dma_start3A_56, %dma_start3A_57] : memref<10x2000xi32, #tpu.memory_space<vmem>> -> memref<1x2000xi32, #tpu.memory_space<vmem>>
    %dma_start3A_59 = tpu.memref_squeeze %dma_start3A_58 : memref<1x2000xi32, #tpu.memory_space<vmem>> -> memref<2000xi32, #tpu.memory_space<vmem>>
    %dma_start3A_60 = arith.constant 0 : i32
    %dma_start3A_61 = tpu.memref_slice %arg10[%dma_start3A_60] : memref<10240xf32, #tpu.memory_space<vmem_shared>> -> memref<10240xf32, #tpu.memory_space<vmem_shared>>
    tpu.enqueue_indirect_dma source(%arg5 : memref<2000xf32, #tpu.memory_space<vmem>>) target(%dma_start3A_61 : memref<10240xf32, #tpu.memory_space<vmem_shared>>) offsets(%dma_start3A_59 : memref<2000xi32, #tpu.memory_space<vmem>>) semaphore(%arg12 : memref<!tpu.dma_semaphore, #tpu.memory_space<semaphore_mem>>) {add = true}
    %dma_start3A_62 = arith.constant 5 : i32
    %dma_start3A_63 = arith.constant 0 : i32
    %dma_start3A_64 = tpu.memref_slice %arg4[%dma_start3A_62, %dma_start3A_63] : memref<10x2000xi32, #tpu.memory_space<vmem>> -> memref<1x2000xi32, #tpu.memory_space<vmem>>
    %dma_start3A_65 = tpu.memref_squeeze %dma_start3A_64 : memref<1x2000xi32, #tpu.memory_space<vmem>> -> memref<2000xi32, #tpu.memory_space<vmem>>
    %dma_start3A_66 = arith.constant 0 : i32
    %dma_start3A_67 = tpu.memref_slice %arg10[%dma_start3A_66] : memref<10240xf32, #tpu.memory_space<vmem_shared>> -> memref<10240xf32, #tpu.memory_space<vmem_shared>>
    tpu.enqueue_indirect_dma source(%arg5 : memref<2000xf32, #tpu.memory_space<vmem>>) target(%dma_start3A_67 : memref<10240xf32, #tpu.memory_space<vmem_shared>>) offsets(%dma_start3A_65 : memref<2000xi32, #tpu.memory_space<vmem>>) semaphore(%arg12 : memref<!tpu.dma_semaphore, #tpu.memory_space<semaphore_mem>>) {add = true}
    %dma_start3A_68 = arith.constant 6 : i32
    %dma_start3A_69 = arith.constant 0 : i32
    %dma_start3A_70 = tpu.memref_slice %arg4[%dma_start3A_68, %dma_start3A_69] : memref<10x2000xi32, #tpu.memory_space<vmem>> -> memref<1x2000xi32, #tpu.memory_space<vmem>>
    %dma_start3A_71 = tpu.memref_squeeze %dma_start3A_70 : memref<1x2000xi32, #tpu.memory_space<vmem>> -> memref<2000xi32, #tpu.memory_space<vmem>>
    %dma_start3A_72 = arith.constant 0 : i32
    %dma_start3A_73 = tpu.memref_slice %arg10[%dma_start3A_72] : memref<10240xf32, #tpu.memory_space<vmem_shared>> -> memref<10240xf32, #tpu.memory_space<vmem_shared>>
    tpu.enqueue_indirect_dma source(%arg5 : memref<2000xf32, #tpu.memory_space<vmem>>) target(%dma_start3A_73 : memref<10240xf32, #tpu.memory_space<vmem_shared>>) offsets(%dma_start3A_71 : memref<2000xi32, #tpu.memory_space<vmem>>) semaphore(%arg12 : memref<!tpu.dma_semaphore, #tpu.memory_space<semaphore_mem>>) {add = true}
    %dma_start3A_74 = arith.constant 7 : i32
    %dma_start3A_75 = arith.constant 0 : i32
    %dma_start3A_76 = tpu.memref_slice %arg4[%dma_start3A_74, %dma_start3A_75] : memref<10x2000xi32, #tpu.memory_space<vmem>> -> memref<1x2000xi32, #tpu.memory_space<vmem>>
    %dma_start3A_77 = tpu.memref_squeeze %dma_start3A_76 : memref<1x2000xi32, #tpu.memory_space<vmem>> -> memref<2000xi32, #tpu.memory_space<vmem>>
    %dma_start3A_78 = arith.constant 0 : i32
    %dma_start3A_79 = tpu.memref_slice %arg10[%dma_start3A_78] : memref<10240xf32, #tpu.memory_space<vmem_shared>> -> memref<10240xf32, #tpu.memory_space<vmem_shared>>
    tpu.enqueue_indirect_dma source(%arg5 : memref<2000xf32, #tpu.memory_space<vmem>>) target(%dma_start3A_79 : memref<10240xf32, #tpu.memory_space<vmem_shared>>) offsets(%dma_start3A_77 : memref<2000xi32, #tpu.memory_space<vmem>>) semaphore(%arg12 : memref<!tpu.dma_semaphore, #tpu.memory_space<semaphore_mem>>) {add = true}
    %dma_start3A_80 = arith.constant 8 : i32
    %dma_start3A_81 = arith.constant 0 : i32
    %dma_start3A_82 = tpu.memref_slice %arg4[%dma_start3A_80, %dma_start3A_81] : memref<10x2000xi32, #tpu.memory_space<vmem>> -> memref<1x2000xi32, #tpu.memory_space<vmem>>
    %dma_start3A_83 = tpu.memref_squeeze %dma_start3A_82 : memref<1x2000xi32, #tpu.memory_space<vmem>> -> memref<2000xi32, #tpu.memory_space<vmem>>
    %dma_start3A_84 = arith.constant 0 : i32
    %dma_start3A_85 = tpu.memref_slice %arg10[%dma_start3A_84] : memref<10240xf32, #tpu.memory_space<vmem_shared>> -> memref<10240xf32, #tpu.memory_space<vmem_shared>>
    tpu.enqueue_indirect_dma source(%arg5 : memref<2000xf32, #tpu.memory_space<vmem>>) target(%dma_start3A_85 : memref<10240xf32, #tpu.memory_space<vmem_shared>>) offsets(%dma_start3A_83 : memref<2000xi32, #tpu.memory_space<vmem>>) semaphore(%arg12 : memref<!tpu.dma_semaphore, #tpu.memory_space<semaphore_mem>>) {add = true}
    %dma_start3A_86 = arith.constant 9 : i32
    %dma_start3A_87 = arith.constant 0 : i32
    %dma_start3A_88 = tpu.memref_slice %arg4[%dma_start3A_86, %dma_start3A_87] : memref<10x2000xi32, #tpu.memory_space<vmem>> -> memref<1x2000xi32, #tpu.memory_space<vmem>>
    %dma_start3A_89 = tpu.memref_squeeze %dma_start3A_88 : memref<1x2000xi32, #tpu.memory_space<vmem>> -> memref<2000xi32, #tpu.memory_space<vmem>>
    %dma_start3A_90 = arith.constant 0 : i32
    %dma_start3A_91 = tpu.memref_slice %arg10[%dma_start3A_90] : memref<10240xf32, #tpu.memory_space<vmem_shared>> -> memref<10240xf32, #tpu.memory_space<vmem_shared>>
    tpu.enqueue_indirect_dma source(%arg5 : memref<2000xf32, #tpu.memory_space<vmem>>) target(%dma_start3A_91 : memref<10240xf32, #tpu.memory_space<vmem_shared>>) offsets(%dma_start3A_89 : memref<2000xi32, #tpu.memory_space<vmem>>) semaphore(%arg12 : memref<!tpu.dma_semaphore, #tpu.memory_space<semaphore_mem>>) {add = true}
    %dma_wait3A_92 = arith.constant 0 : i32
    %dma_wait3A_93 = arith.constant 0 : i32
    %dma_wait3A_94 = tpu.memref_slice %arg4[%dma_wait3A_92, %dma_wait3A_93] : memref<10x2000xi32, #tpu.memory_space<vmem>> -> memref<1x2000xi32, #tpu.memory_space<vmem>>
    %dma_wait3A_95 = tpu.memref_squeeze %dma_wait3A_94 : memref<1x2000xi32, #tpu.memory_space<vmem>> -> memref<2000xi32, #tpu.memory_space<vmem>>
    %dma_wait3A_96 = arith.constant 0 : i32
    %dma_wait3A_97 = tpu.memref_slice %arg10[%dma_wait3A_96] : memref<10240xf32, #tpu.memory_space<vmem_shared>> -> memref<10240xf32, #tpu.memory_space<vmem_shared>>
    tpu.wait_indirect_dma semaphore(%arg12 : memref<!tpu.dma_semaphore, #tpu.memory_space<semaphore_mem>>) src(%arg5 : memref<2000xf32, #tpu.memory_space<vmem>>) dst(%dma_wait3A_97 : memref<10240xf32, #tpu.memory_space<vmem_shared>>)
    %dma_wait3A_98 = arith.constant 1 : i32
    %dma_wait3A_99 = arith.constant 0 : i32
    %dma_wait3A_100 = tpu.memref_slice %arg4[%dma_wait3A_98, %dma_wait3A_99] : memref<10x2000xi32, #tpu.memory_space<vmem>> -> memref<1x2000xi32, #tpu.memory_space<vmem>>
    %dma_wait3A_101 = tpu.memref_squeeze %dma_wait3A_100 : memref<1x2000xi32, #tpu.memory_space<vmem>> -> memref<2000xi32, #tpu.memory_space<vmem>>
    %dma_wait3A_102 = arith.constant 0 : i32
    %dma_wait3A_103 = tpu.memref_slice %arg10[%dma_wait3A_102] : memref<10240xf32, #tpu.memory_space<vmem_shared>> -> memref<10240xf32, #tpu.memory_space<vmem_shared>>
    tpu.wait_indirect_dma semaphore(%arg12 : memref<!tpu.dma_semaphore, #tpu.memory_space<semaphore_mem>>) src(%arg5 : memref<2000xf32, #tpu.memory_space<vmem>>) dst(%dma_wait3A_103 : memref<10240xf32, #tpu.memory_space<vmem_shared>>)
    %dma_wait3A_104 = arith.constant 2 : i32
    %dma_wait3A_105 = arith.constant 0 : i32
    %dma_wait3A_106 = tpu.memref_slice %arg4[%dma_wait3A_104, %dma_wait3A_105] : memref<10x2000xi32, #tpu.memory_space<vmem>> -> memref<1x2000xi32, #tpu.memory_space<vmem>>
    %dma_wait3A_107 = tpu.memref_squeeze %dma_wait3A_106 : memref<1x2000xi32, #tpu.memory_space<vmem>> -> memref<2000xi32, #tpu.memory_space<vmem>>
    %dma_wait3A_108 = arith.constant 0 : i32
    %dma_wait3A_109 = tpu.memref_slice %arg10[%dma_wait3A_108] : memref<10240xf32, #tpu.memory_space<vmem_shared>> -> memref<10240xf32, #tpu.memory_space<vmem_shared>>
    tpu.wait_indirect_dma semaphore(%arg12 : memref<!tpu.dma_semaphore, #tpu.memory_space<semaphore_mem>>) src(%arg5 : memref<2000xf32, #tpu.memory_space<vmem>>) dst(%dma_wait3A_109 : memref<10240xf32, #tpu.memory_space<vmem_shared>>)
    %dma_wait3A_110 = arith.constant 3 : i32
    %dma_wait3A_111 = arith.constant 0 : i32
    %dma_wait3A_112 = tpu.memref_slice %arg4[%dma_wait3A_110, %dma_wait3A_111] : memref<10x2000xi32, #tpu.memory_space<vmem>> -> memref<1x2000xi32, #tpu.memory_space<vmem>>
    %dma_wait3A_113 = tpu.memref_squeeze %dma_wait3A_112 : memref<1x2000xi32, #tpu.memory_space<vmem>> -> memref<2000xi32, #tpu.memory_space<vmem>>
    %dma_wait3A_114 = arith.constant 0 : i32
    %dma_wait3A_115 = tpu.memref_slice %arg10[%dma_wait3A_114] : memref<10240xf32, #tpu.memory_space<vmem_shared>> -> memref<10240xf32, #tpu.memory_space<vmem_shared>>
    tpu.wait_indirect_dma semaphore(%arg12 : memref<!tpu.dma_semaphore, #tpu.memory_space<semaphore_mem>>) src(%arg5 : memref<2000xf32, #tpu.memory_space<vmem>>) dst(%dma_wait3A_115 : memref<10240xf32, #tpu.memory_space<vmem_shared>>)
    %dma_wait3A_116 = arith.constant 4 : i32
    %dma_wait3A_117 = arith.constant 0 : i32
    %dma_wait3A_118 = tpu.memref_slice %arg4[%dma_wait3A_116, %dma_wait3A_117] : memref<10x2000xi32, #tpu.memory_space<vmem>> -> memref<1x2000xi32, #tpu.memory_space<vmem>>
    %dma_wait3A_119 = tpu.memref_squeeze %dma_wait3A_118 : memref<1x2000xi32, #tpu.memory_space<vmem>> -> memref<2000xi32, #tpu.memory_space<vmem>>
    %dma_wait3A_120 = arith.constant 0 : i32
    %dma_wait3A_121 = tpu.memref_slice %arg10[%dma_wait3A_120] : memref<10240xf32, #tpu.memory_space<vmem_shared>> -> memref<10240xf32, #tpu.memory_space<vmem_shared>>
    tpu.wait_indirect_dma semaphore(%arg12 : memref<!tpu.dma_semaphore, #tpu.memory_space<semaphore_mem>>) src(%arg5 : memref<2000xf32, #tpu.memory_space<vmem>>) dst(%dma_wait3A_121 : memref<10240xf32, #tpu.memory_space<vmem_shared>>)
    %dma_wait3A_122 = arith.constant 5 : i32
    %dma_wait3A_123 = arith.constant 0 : i32
    %dma_wait3A_124 = tpu.memref_slice %arg4[%dma_wait3A_122, %dma_wait3A_123] : memref<10x2000xi32, #tpu.memory_space<vmem>> -> memref<1x2000xi32, #tpu.memory_space<vmem>>
    %dma_wait3A_125 = tpu.memref_squeeze %dma_wait3A_124 : memref<1x2000xi32, #tpu.memory_space<vmem>> -> memref<2000xi32, #tpu.memory_space<vmem>>
    %dma_wait3A_126 = arith.constant 0 : i32
    %dma_wait3A_127 = tpu.memref_slice %arg10[%dma_wait3A_126] : memref<10240xf32, #tpu.memory_space<vmem_shared>> -> memref<10240xf32, #tpu.memory_space<vmem_shared>>
    tpu.wait_indirect_dma semaphore(%arg12 : memref<!tpu.dma_semaphore, #tpu.memory_space<semaphore_mem>>) src(%arg5 : memref<2000xf32, #tpu.memory_space<vmem>>) dst(%dma_wait3A_127 : memref<10240xf32, #tpu.memory_space<vmem_shared>>)
    %dma_wait3A_128 = arith.constant 6 : i32
    %dma_wait3A_129 = arith.constant 0 : i32
    %dma_wait3A_130 = tpu.memref_slice %arg4[%dma_wait3A_128, %dma_wait3A_129] : memref<10x2000xi32, #tpu.memory_space<vmem>> -> memref<1x2000xi32, #tpu.memory_space<vmem>>
    %dma_wait3A_131 = tpu.memref_squeeze %dma_wait3A_130 : memref<1x2000xi32, #tpu.memory_space<vmem>> -> memref<2000xi32, #tpu.memory_space<vmem>>
    %dma_wait3A_132 = arith.constant 0 : i32
    %dma_wait3A_133 = tpu.memref_slice %arg10[%dma_wait3A_132] : memref<10240xf32, #tpu.memory_space<vmem_shared>> -> memref<10240xf32, #tpu.memory_space<vmem_shared>>
    tpu.wait_indirect_dma semaphore(%arg12 : memref<!tpu.dma_semaphore, #tpu.memory_space<semaphore_mem>>) src(%arg5 : memref<2000xf32, #tpu.memory_space<vmem>>) dst(%dma_wait3A_133 : memref<10240xf32, #tpu.memory_space<vmem_shared>>)
    %dma_wait3A_134 = arith.constant 7 : i32
    %dma_wait3A_135 = arith.constant 0 : i32
    %dma_wait3A_136 = tpu.memref_slice %arg4[%dma_wait3A_134, %dma_wait3A_135] : memref<10x2000xi32, #tpu.memory_space<vmem>> -> memref<1x2000xi32, #tpu.memory_space<vmem>>
    %dma_wait3A_137 = tpu.memref_squeeze %dma_wait3A_136 : memref<1x2000xi32, #tpu.memory_space<vmem>> -> memref<2000xi32, #tpu.memory_space<vmem>>
    %dma_wait3A_138 = arith.constant 0 : i32
    %dma_wait3A_139 = tpu.memref_slice %arg10[%dma_wait3A_138] : memref<10240xf32, #tpu.memory_space<vmem_shared>> -> memref<10240xf32, #tpu.memory_space<vmem_shared>>
    tpu.wait_indirect_dma semaphore(%arg12 : memref<!tpu.dma_semaphore, #tpu.memory_space<semaphore_mem>>) src(%arg5 : memref<2000xf32, #tpu.memory_space<vmem>>) dst(%dma_wait3A_139 : memref<10240xf32, #tpu.memory_space<vmem_shared>>)
    %dma_wait3A_140 = arith.constant 8 : i32
    %dma_wait3A_141 = arith.constant 0 : i32
    %dma_wait3A_142 = tpu.memref_slice %arg4[%dma_wait3A_140, %dma_wait3A_141] : memref<10x2000xi32, #tpu.memory_space<vmem>> -> memref<1x2000xi32, #tpu.memory_space<vmem>>
    %dma_wait3A_143 = tpu.memref_squeeze %dma_wait3A_142 : memref<1x2000xi32, #tpu.memory_space<vmem>> -> memref<2000xi32, #tpu.memory_space<vmem>>
    %dma_wait3A_144 = arith.constant 0 : i32
    %dma_wait3A_145 = tpu.memref_slice %arg10[%dma_wait3A_144] : memref<10240xf32, #tpu.memory_space<vmem_shared>> -> memref<10240xf32, #tpu.memory_space<vmem_shared>>
    tpu.wait_indirect_dma semaphore(%arg12 : memref<!tpu.dma_semaphore, #tpu.memory_space<semaphore_mem>>) src(%arg5 : memref<2000xf32, #tpu.memory_space<vmem>>) dst(%dma_wait3A_145 : memref<10240xf32, #tpu.memory_space<vmem_shared>>)
    %dma_wait3A_146 = arith.constant 9 : i32
    %dma_wait3A_147 = arith.constant 0 : i32
    %dma_wait3A_148 = tpu.memref_slice %arg4[%dma_wait3A_146, %dma_wait3A_147] : memref<10x2000xi32, #tpu.memory_space<vmem>> -> memref<1x2000xi32, #tpu.memory_space<vmem>>
    %dma_wait3A_149 = tpu.memref_squeeze %dma_wait3A_148 : memref<1x2000xi32, #tpu.memory_space<vmem>> -> memref<2000xi32, #tpu.memory_space<vmem>>
    %dma_wait3A_150 = arith.constant 0 : i32
    %dma_wait3A_151 = tpu.memref_slice %arg10[%dma_wait3A_150] : memref<10240xf32, #tpu.memory_space<vmem_shared>> -> memref<10240xf32, #tpu.memory_space<vmem_shared>>
    tpu.wait_indirect_dma semaphore(%arg12 : memref<!tpu.dma_semaphore, #tpu.memory_space<semaphore_mem>>) src(%arg5 : memref<2000xf32, #tpu.memory_space<vmem>>) dst(%dma_wait3A_151 : memref<10240xf32, #tpu.memory_space<vmem_shared>>)
    %barrier3A_152 = arith.constant 0 : index
    tpu.barrier barrier_id(%barrier3A_152)
    %mul3A_153 = arith.constant 320 : i32
    %mul3A_154 = arith.muli %add3A, %mul3A_153 : i32
    "tpu.region"() ({
      %run_scoped3A = tpu.sem_alloc : memref<!tpu.dma_semaphore, #tpu.memory_space<semaphore_mem>>
      %dma_start3A_173 = tpu.memref_slice %arg10[%mul3A_154] : memref<10240xf32, #tpu.memory_space<vmem_shared>> -> memref<320xf32, #tpu.memory_space<vmem_shared>>
      %dma_start3A_174 = tpu.memref_slice %arg10[%mul3A_154] : memref<10240xf32, #tpu.memory_space<vmem_shared>> -> memref<320xf32, #tpu.memory_space<vmem_shared>>
      tpu.enqueue_dma source(%dma_start3A_174 : memref<320xf32, #tpu.memory_space<vmem_shared>>) target(%arg7 : memref<320xf32, #tpu.memory_space<vmem>>) target_semaphore(%run_scoped3A : memref<!tpu.dma_semaphore, #tpu.memory_space<semaphore_mem>>)
      %dma_wait3A_175 = tpu.memref_slice %arg10[%mul3A_154] : memref<10240xf32, #tpu.memory_space<vmem_shared>> -> memref<320xf32, #tpu.memory_space<vmem_shared>>
      %dma_wait3A_176 = tpu.memref_slice %arg10[%mul3A_154] : memref<10240xf32, #tpu.memory_space<vmem_shared>> -> memref<320xf32, #tpu.memory_space<vmem_shared>>
      tpu.wait_dma2 semaphore(%run_scoped3A : memref<!tpu.dma_semaphore, #tpu.memory_space<semaphore_mem>>) src(%dma_wait3A_176 : memref<320xf32, #tpu.memory_space<vmem_shared>>) dst(%arg7 : memref<320xf32, #tpu.memory_space<vmem>>)
      tpu.yield
    }) : () -> ()
    %scan3A_155 = arith.constant 0 : i32
    %scan3A_156 = arith.constant 0 : i32
    %scan3A_157 = arith.constant 20 : i32
    %scan3A_158 = arith.addi %scan3A_156, %scan3A_157 : i32
    %scan3A_159 = arith.constant 1 : i32
    %scan3A_160 = scf.for %scan3A_173 = %scan3A_156 to %scan3A_158 step %scan3A_159 iter_args(%scan3A_174 = %scan3A_155) -> (i32)  : i32 {
      %mul3A_175 = arith.constant 16 : i32
      %mul3A_176 = arith.muli %scan3A_173, %mul3A_175 : i32
      %get3A = arith.index_cast %mul3A_176 : i32 to index
      %get3A_177 = tpu.vector_load %arg7[%get3A] {strides = array<i32>} : memref<320xf32, #tpu.memory_space<vmem>>, vector<16xf32>,
      %get3A_178 = vector.shape_cast %get3A_177 : vector<16xf32> to vector<16xf32>
      %add3A_179 = arith.constant 1.000000e+00 : f32
      %add3A_180 = vector.broadcast %add3A_179 : f32 to vector<16xf32>
      %add3A_181 = arith.addf %get3A_178, %add3A_180 : vector<16xf32>
      %bitcast_convert_type3A = tpu.bitcast %add3A_181 : vector<16xf32> -> vector<16xi32>
      %broadcast_in_dim3A = arith.constant 1597463007 : i32
      %broadcast_in_dim3A_182 = vector.broadcast %broadcast_in_dim3A : i32 to vector<16xi32>
      %shift_right_logical3A = arith.constant 1 : i32
      %shift_right_logical3A_183 = vector.broadcast %shift_right_logical3A : i32 to vector<16xi32>
      %shift_right_logical3A_184 = arith.shrui %bitcast_convert_type3A, %shift_right_logical3A_183 : vector<16xi32>
      %sub3A = arith.subi %broadcast_in_dim3A_182, %shift_right_logical3A_184 : vector<16xi32>
      %bitcast_convert_type3A_185 = tpu.bitcast %sub3A : vector<16xi32> -> vector<16xf32>
      %mul3A_186 = arith.constant 5.000000e-01 : f32
      %mul3A_187 = vector.broadcast %mul3A_186 : f32 to vector<16xf32>
      %mul3A_188 = arith.mulf %mul3A_187, %add3A_181 : vector<16xf32>
      %mul3A_189 = arith.mulf %mul3A_188, %bitcast_convert_type3A_185 : vector<16xf32>
      %mul3A_190 = arith.mulf %mul3A_189, %bitcast_convert_type3A_185 : vector<16xf32>
      %sub3A_191 = arith.constant 1.500000e+00 : f32
      %sub3A_192 = vector.broadcast %sub3A_191 : f32 to vector<16xf32>
      %sub3A_193 = arith.subf %sub3A_192, %mul3A_190 : vector<16xf32>
      %mul3A_194 = arith.mulf %bitcast_convert_type3A_185, %sub3A_193 : vector<16xf32>
      %mul3A_195 = arith.constant 5.000000e-01 : f32
      %mul3A_196 = vector.broadcast %mul3A_195 : f32 to vector<16xf32>
      %mul3A_197 = arith.mulf %mul3A_196, %add3A_181 : vector<16xf32>
      %mul3A_198 = arith.mulf %mul3A_197, %mul3A_194 : vector<16xf32>
      %mul3A_199 = arith.mulf %mul3A_198, %mul3A_194 : vector<16xf32>
      %sub3A_200 = arith.constant 1.500000e+00 : f32
      %sub3A_201 = vector.broadcast %sub3A_200 : f32 to vector<16xf32>
      %sub3A_202 = arith.subf %sub3A_201, %mul3A_199 : vector<16xf32>
      %mul3A_203 = arith.mulf %mul3A_194, %sub3A_202 : vector<16xf32>
      %mul3A_204 = arith.constant 5.000000e-01 : f32
      %mul3A_205 = vector.broadcast %mul3A_204 : f32 to vector<16xf32>
      %mul3A_206 = arith.mulf %mul3A_205, %add3A_181 : vector<16xf32>
      %mul3A_207 = arith.mulf %mul3A_206, %mul3A_203 : vector<16xf32>
      %mul3A_208 = arith.mulf %mul3A_207, %mul3A_203 : vector<16xf32>
      %sub3A_209 = arith.constant 1.500000e+00 : f32
      %sub3A_210 = vector.broadcast %sub3A_209 : f32 to vector<16xf32>
      %sub3A_211 = arith.subf %sub3A_210, %mul3A_208 : vector<16xf32>
      %mul3A_212 = arith.mulf %mul3A_203, %sub3A_211 : vector<16xf32>
      %mul3A_213 = arith.constant 16 : i32
      %mul3A_214 = arith.muli %scan3A_173, %mul3A_213 : i32
      %swap3A = arith.index_cast %mul3A_214 : i32 to index
      %swap3A_215 = tpu.vector_load %arg8[%swap3A] {strides = array<i32>} : memref<320xf32, #tpu.memory_space<vmem>>, vector<16xf32>,
      %swap3A_216 = vector.shape_cast %swap3A_215 : vector<16xf32> to vector<16xf32>
      %swap3A_217 = vector.shape_cast %mul3A_212 : vector<16xf32> to vector<16xf32>
      tpu.vector_store %arg8[%swap3A], %swap3A_217 {strides = array<i32>} : memref<320xf32, #tpu.memory_space<vmem>>, vector<16xf32>,
      %scan3A_218 = arith.constant 0 : i32
      scf.yield %scan3A_218 : i32
    }
    %scan3A_161 = arith.constant 20 : i32
    %scan3A_162 = arith.constant 0 : i32
    %scan3A_163 = arith.constant 0 : i32
    %scan3A_164 = arith.constant 20 : i32
    %scan3A_165 = arith.addi %scan3A_163, %scan3A_164 : i32
    %scan3A_166 = arith.constant 1 : i32
    %scan3A_167 = scf.for %scan3A_173 = %scan3A_163 to %scan3A_165 step %scan3A_166 iter_args(%scan3A_174 = %scan3A_162) -> (i32)  : i32 {
      %mul3A_175 = arith.constant 16 : i32
      %mul3A_176 = arith.muli %scan3A_173, %mul3A_175 : i32
      %get3A = arith.index_cast %mul3A_176 : i32 to index
      %get3A_177 = tpu.vector_load %arg8[%get3A] {strides = array<i32>} : memref<320xf32, #tpu.memory_space<vmem>>, vector<16xf32>,
      %get3A_178 = vector.shape_cast %get3A_177 : vector<16xf32> to vector<16xf32>
      %broadcast_in_dim3A = arith.constant 0 : i32
      %broadcast_in_dim3A_179 = vector.broadcast %broadcast_in_dim3A : i32 to vector<16x1xi32>
      %gather3A = vector.shape_cast %broadcast_in_dim3A_179 : vector<16x1xi32> to vector<16xi32>
      %gather3A_180 = tpu.dynamic_gather %get3A_178[%gather3A] in [0] : vector<16xf32>, vector<16xi32> -> vector<16xf32>
      %mul3A_181 = arith.constant 256 : i32
      %mul3A_182 = arith.muli %scan3A_173, %mul3A_181 : i32
      %add3A_183 = arith.constant 0 : i32
      %add3A_184 = arith.addi %mul3A_182, %add3A_183 : i32
      %swap3A = arith.index_cast %add3A_184 : i32 to index
      %swap3A_185 = tpu.vector_load %arg9[%swap3A] {strides = array<i32>} : memref<5120xf32, #tpu.memory_space<vmem>>, vector<16xf32>,
      %swap3A_186 = vector.shape_cast %swap3A_185 : vector<16xf32> to vector<16xf32>
      %swap3A_187 = vector.shape_cast %gather3A_180 : vector<16xf32> to vector<16xf32>
      tpu.vector_store %arg9[%swap3A], %swap3A_187 {strides = array<i32>} : memref<5120xf32, #tpu.memory_space<vmem>>, vector<16xf32>,
      %broadcast_in_dim3A_188 = arith.constant 1 : i32
      %broadcast_in_dim3A_189 = vector.broadcast %broadcast_in_dim3A_188 : i32 to vector<16x1xi32>
      %gather3A_190 = vector.shape_cast %broadcast_in_dim3A_189 : vector<16x1xi32> to vector<16xi32>
      %gather3A_191 = tpu.dynamic_gather %get3A_178[%gather3A_190] in [0] : vector<16xf32>, vector<16xi32> -> vector<16xf32>
      %mul3A_192 = arith.constant 256 : i32
      %mul3A_193 = arith.muli %scan3A_173, %mul3A_192 : i32
      %add3A_194 = arith.constant 16 : i32
      %add3A_195 = arith.addi %mul3A_193, %add3A_194 : i32
      %swap3A_196 = arith.index_cast %add3A_195 : i32 to index
      %swap3A_197 = tpu.vector_load %arg9[%swap3A_196] {strides = array<i32>} : memref<5120xf32, #tpu.memory_space<vmem>>, vector<16xf32>,
      %swap3A_198 = vector.shape_cast %swap3A_197 : vector<16xf32> to vector<16xf32>
      %swap3A_199 = vector.shape_cast %gather3A_191 : vector<16xf32> to vector<16xf32>
      tpu.vector_store %arg9[%swap3A_196], %swap3A_199 {strides = array<i32>} : memref<5120xf32, #tpu.memory_space<vmem>>, vector<16xf32>,
      %broadcast_in_dim3A_200 = arith.constant 2 : i32
      %broadcast_in_dim3A_201 = vector.broadcast %broadcast_in_dim3A_200 : i32 to vector<16x1xi32>
      %gather3A_202 = vector.shape_cast %broadcast_in_dim3A_201 : vector<16x1xi32> to vector<16xi32>
      %gather3A_203 = tpu.dynamic_gather %get3A_178[%gather3A_202] in [0] : vector<16xf32>, vector<16xi32> -> vector<16xf32>
      %mul3A_204 = arith.constant 256 : i32
      %mul3A_205 = arith.muli %scan3A_173, %mul3A_204 : i32
      %add3A_206 = arith.constant 32 : i32
      %add3A_207 = arith.addi %mul3A_205, %add3A_206 : i32
      %swap3A_208 = arith.index_cast %add3A_207 : i32 to index
      %swap3A_209 = tpu.vector_load %arg9[%swap3A_208] {strides = array<i32>} : memref<5120xf32, #tpu.memory_space<vmem>>, vector<16xf32>,
      %swap3A_210 = vector.shape_cast %swap3A_209 : vector<16xf32> to vector<16xf32>
      %swap3A_211 = vector.shape_cast %gather3A_203 : vector<16xf32> to vector<16xf32>
      tpu.vector_store %arg9[%swap3A_208], %swap3A_211 {strides = array<i32>} : memref<5120xf32, #tpu.memory_space<vmem>>, vector<16xf32>,
      %broadcast_in_dim3A_212 = arith.constant 3 : i32
      %broadcast_in_dim3A_213 = vector.broadcast %broadcast_in_dim3A_212 : i32 to vector<16x1xi32>
      %gather3A_214 = vector.shape_cast %broadcast_in_dim3A_213 : vector<16x1xi32> to vector<16xi32>
      %gather3A_215 = tpu.dynamic_gather %get3A_178[%gather3A_214] in [0] : vector<16xf32>, vector<16xi32> -> vector<16xf32>
      %mul3A_216 = arith.constant 256 : i32
      %mul3A_217 = arith.muli %scan3A_173, %mul3A_216 : i32
      %add3A_218 = arith.constant 48 : i32
      %add3A_219 = arith.addi %mul3A_217, %add3A_218 : i32
      %swap3A_220 = arith.index_cast %add3A_219 : i32 to index
      %swap3A_221 = tpu.vector_load %arg9[%swap3A_220] {strides = array<i32>} : memref<5120xf32, #tpu.memory_space<vmem>>, vector<16xf32>,
      %swap3A_222 = vector.shape_cast %swap3A_221 : vector<16xf32> to vector<16xf32>
      %swap3A_223 = vector.shape_cast %gather3A_215 : vector<16xf32> to vector<16xf32>
      tpu.vector_store %arg9[%swap3A_220], %swap3A_223 {strides = array<i32>} : memref<5120xf32, #tpu.memory_space<vmem>>, vector<16xf32>,
      %broadcast_in_dim3A_224 = arith.constant 4 : i32
      %broadcast_in_dim3A_225 = vector.broadcast %broadcast_in_dim3A_224 : i32 to vector<16x1xi32>
      %gather3A_226 = vector.shape_cast %broadcast_in_dim3A_225 : vector<16x1xi32> to vector<16xi32>
      %gather3A_227 = tpu.dynamic_gather %get3A_178[%gather3A_226] in [0] : vector<16xf32>, vector<16xi32> -> vector<16xf32>
      %mul3A_228 = arith.constant 256 : i32
      %mul3A_229 = arith.muli %scan3A_173, %mul3A_228 : i32
      %add3A_230 = arith.constant 64 : i32
      %add3A_231 = arith.addi %mul3A_229, %add3A_230 : i32
      %swap3A_232 = arith.index_cast %add3A_231 : i32 to index
      %swap3A_233 = tpu.vector_load %arg9[%swap3A_232] {strides = array<i32>} : memref<5120xf32, #tpu.memory_space<vmem>>, vector<16xf32>,
      %swap3A_234 = vector.shape_cast %swap3A_233 : vector<16xf32> to vector<16xf32>
      %swap3A_235 = vector.shape_cast %gather3A_227 : vector<16xf32> to vector<16xf32>
      tpu.vector_store %arg9[%swap3A_232], %swap3A_235 {strides = array<i32>} : memref<5120xf32, #tpu.memory_space<vmem>>, vector<16xf32>,
      %broadcast_in_dim3A_236 = arith.constant 5 : i32
      %broadcast_in_dim3A_237 = vector.broadcast %broadcast_in_dim3A_236 : i32 to vector<16x1xi32>
      %gather3A_238 = vector.shape_cast %broadcast_in_dim3A_237 : vector<16x1xi32> to vector<16xi32>
      %gather3A_239 = tpu.dynamic_gather %get3A_178[%gather3A_238] in [0] : vector<16xf32>, vector<16xi32> -> vector<16xf32>
      %mul3A_240 = arith.constant 256 : i32
      %mul3A_241 = arith.muli %scan3A_173, %mul3A_240 : i32
      %add3A_242 = arith.constant 80 : i32
      %add3A_243 = arith.addi %mul3A_241, %add3A_242 : i32
      %swap3A_244 = arith.index_cast %add3A_243 : i32 to index
      %swap3A_245 = tpu.vector_load %arg9[%swap3A_244] {strides = array<i32>} : memref<5120xf32, #tpu.memory_space<vmem>>, vector<16xf32>,
      %swap3A_246 = vector.shape_cast %swap3A_245 : vector<16xf32> to vector<16xf32>
      %swap3A_247 = vector.shape_cast %gather3A_239 : vector<16xf32> to vector<16xf32>
      tpu.vector_store %arg9[%swap3A_244], %swap3A_247 {strides = array<i32>} : memref<5120xf32, #tpu.memory_space<vmem>>, vector<16xf32>,
      %broadcast_in_dim3A_248 = arith.constant 6 : i32
      %broadcast_in_dim3A_249 = vector.broadcast %broadcast_in_dim3A_248 : i32 to vector<16x1xi32>
      %gather3A_250 = vector.shape_cast %broadcast_in_dim3A_249 : vector<16x1xi32> to vector<16xi32>
      %gather3A_251 = tpu.dynamic_gather %get3A_178[%gather3A_250] in [0] : vector<16xf32>, vector<16xi32> -> vector<16xf32>
      %mul3A_252 = arith.constant 256 : i32
      %mul3A_253 = arith.muli %scan3A_173, %mul3A_252 : i32
      %add3A_254 = arith.constant 96 : i32
      %add3A_255 = arith.addi %mul3A_253, %add3A_254 : i32
      %swap3A_256 = arith.index_cast %add3A_255 : i32 to index
      %swap3A_257 = tpu.vector_load %arg9[%swap3A_256] {strides = array<i32>} : memref<5120xf32, #tpu.memory_space<vmem>>, vector<16xf32>,
      %swap3A_258 = vector.shape_cast %swap3A_257 : vector<16xf32> to vector<16xf32>
      %swap3A_259 = vector.shape_cast %gather3A_251 : vector<16xf32> to vector<16xf32>
      tpu.vector_store %arg9[%swap3A_256], %swap3A_259 {strides = array<i32>} : memref<5120xf32, #tpu.memory_space<vmem>>, vector<16xf32>,
      %broadcast_in_dim3A_260 = arith.constant 7 : i32
      %broadcast_in_dim3A_261 = vector.broadcast %broadcast_in_dim3A_260 : i32 to vector<16x1xi32>
      %gather3A_262 = vector.shape_cast %broadcast_in_dim3A_261 : vector<16x1xi32> to vector<16xi32>
      %gather3A_263 = tpu.dynamic_gather %get3A_178[%gather3A_262] in [0] : vector<16xf32>, vector<16xi32> -> vector<16xf32>
      %mul3A_264 = arith.constant 256 : i32
      %mul3A_265 = arith.muli %scan3A_173, %mul3A_264 : i32
      %add3A_266 = arith.constant 112 : i32
      %add3A_267 = arith.addi %mul3A_265, %add3A_266 : i32
      %swap3A_268 = arith.index_cast %add3A_267 : i32 to index
      %swap3A_269 = tpu.vector_load %arg9[%swap3A_268] {strides = array<i32>} : memref<5120xf32, #tpu.memory_space<vmem>>, vector<16xf32>,
      %swap3A_270 = vector.shape_cast %swap3A_269 : vector<16xf32> to vector<16xf32>
      %swap3A_271 = vector.shape_cast %gather3A_263 : vector<16xf32> to vector<16xf32>
      tpu.vector_store %arg9[%swap3A_268], %swap3A_271 {strides = array<i32>} : memref<5120xf32, #tpu.memory_space<vmem>>, vector<16xf32>,
      %broadcast_in_dim3A_272 = arith.constant 8 : i32
      %broadcast_in_dim3A_273 = vector.broadcast %broadcast_in_dim3A_272 : i32 to vector<16x1xi32>
      %gather3A_274 = vector.shape_cast %broadcast_in_dim3A_273 : vector<16x1xi32> to vector<16xi32>
      %gather3A_275 = tpu.dynamic_gather %get3A_178[%gather3A_274] in [0] : vector<16xf32>, vector<16xi32> -> vector<16xf32>
      %mul3A_276 = arith.constant 256 : i32
      %mul3A_277 = arith.muli %scan3A_173, %mul3A_276 : i32
      %add3A_278 = arith.constant 128 : i32
      %add3A_279 = arith.addi %mul3A_277, %add3A_278 : i32
      %swap3A_280 = arith.index_cast %add3A_279 : i32 to index
      %swap3A_281 = tpu.vector_load %arg9[%swap3A_280] {strides = array<i32>} : memref<5120xf32, #tpu.memory_space<vmem>>, vector<16xf32>,
      %swap3A_282 = vector.shape_cast %swap3A_281 : vector<16xf32> to vector<16xf32>
      %swap3A_283 = vector.shape_cast %gather3A_275 : vector<16xf32> to vector<16xf32>
      tpu.vector_store %arg9[%swap3A_280], %swap3A_283 {strides = array<i32>} : memref<5120xf32, #tpu.memory_space<vmem>>, vector<16xf32>,
      %broadcast_in_dim3A_284 = arith.constant 9 : i32
      %broadcast_in_dim3A_285 = vector.broadcast %broadcast_in_dim3A_284 : i32 to vector<16x1xi32>
      %gather3A_286 = vector.shape_cast %broadcast_in_dim3A_285 : vector<16x1xi32> to vector<16xi32>
      %gather3A_287 = tpu.dynamic_gather %get3A_178[%gather3A_286] in [0] : vector<16xf32>, vector<16xi32> -> vector<16xf32>
      %mul3A_288 = arith.constant 256 : i32
      %mul3A_289 = arith.muli %scan3A_173, %mul3A_288 : i32
      %add3A_290 = arith.constant 144 : i32
      %add3A_291 = arith.addi %mul3A_289, %add3A_290 : i32
      %swap3A_292 = arith.index_cast %add3A_291 : i32 to index
      %swap3A_293 = tpu.vector_load %arg9[%swap3A_292] {strides = array<i32>} : memref<5120xf32, #tpu.memory_space<vmem>>, vector<16xf32>,
      %swap3A_294 = vector.shape_cast %swap3A_293 : vector<16xf32> to vector<16xf32>
      %swap3A_295 = vector.shape_cast %gather3A_287 : vector<16xf32> to vector<16xf32>
      tpu.vector_store %arg9[%swap3A_292], %swap3A_295 {strides = array<i32>} : memref<5120xf32, #tpu.memory_space<vmem>>, vector<16xf32>,
      %broadcast_in_dim3A_296 = arith.constant 10 : i32
      %broadcast_in_dim3A_297 = vector.broadcast %broadcast_in_dim3A_296 : i32 to vector<16x1xi32>
      %gather3A_298 = vector.shape_cast %broadcast_in_dim3A_297 : vector<16x1xi32> to vector<16xi32>
      %gather3A_299 = tpu.dynamic_gather %get3A_178[%gather3A_298] in [0] : vector<16xf32>, vector<16xi32> -> vector<16xf32>
      %mul3A_300 = arith.constant 256 : i32
      %mul3A_301 = arith.muli %scan3A_173, %mul3A_300 : i32
      %add3A_302 = arith.constant 160 : i32
      %add3A_303 = arith.addi %mul3A_301, %add3A_302 : i32
      %swap3A_304 = arith.index_cast %add3A_303 : i32 to index
      %swap3A_305 = tpu.vector_load %arg9[%swap3A_304] {strides = array<i32>} : memref<5120xf32, #tpu.memory_space<vmem>>, vector<16xf32>,
      %swap3A_306 = vector.shape_cast %swap3A_305 : vector<16xf32> to vector<16xf32>
      %swap3A_307 = vector.shape_cast %gather3A_299 : vector<16xf32> to vector<16xf32>
      tpu.vector_store %arg9[%swap3A_304], %swap3A_307 {strides = array<i32>} : memref<5120xf32, #tpu.memory_space<vmem>>, vector<16xf32>,
      %broadcast_in_dim3A_308 = arith.constant 11 : i32
      %broadcast_in_dim3A_309 = vector.broadcast %broadcast_in_dim3A_308 : i32 to vector<16x1xi32>
      %gather3A_310 = vector.shape_cast %broadcast_in_dim3A_309 : vector<16x1xi32> to vector<16xi32>
      %gather3A_311 = tpu.dynamic_gather %get3A_178[%gather3A_310] in [0] : vector<16xf32>, vector<16xi32> -> vector<16xf32>
      %mul3A_312 = arith.constant 256 : i32
      %mul3A_313 = arith.muli %scan3A_173, %mul3A_312 : i32
      %add3A_314 = arith.constant 176 : i32
      %add3A_315 = arith.addi %mul3A_313, %add3A_314 : i32
      %swap3A_316 = arith.index_cast %add3A_315 : i32 to index
      %swap3A_317 = tpu.vector_load %arg9[%swap3A_316] {strides = array<i32>} : memref<5120xf32, #tpu.memory_space<vmem>>, vector<16xf32>,
      %swap3A_318 = vector.shape_cast %swap3A_317 : vector<16xf32> to vector<16xf32>
      %swap3A_319 = vector.shape_cast %gather3A_311 : vector<16xf32> to vector<16xf32>
      tpu.vector_store %arg9[%swap3A_316], %swap3A_319 {strides = array<i32>} : memref<5120xf32, #tpu.memory_space<vmem>>, vector<16xf32>,
      %broadcast_in_dim3A_320 = arith.constant 12 : i32
      %broadcast_in_dim3A_321 = vector.broadcast %broadcast_in_dim3A_320 : i32 to vector<16x1xi32>
      %gather3A_322 = vector.shape_cast %broadcast_in_dim3A_321 : vector<16x1xi32> to vector<16xi32>
      %gather3A_323 = tpu.dynamic_gather %get3A_178[%gather3A_322] in [0] : vector<16xf32>, vector<16xi32> -> vector<16xf32>
      %mul3A_324 = arith.constant 256 : i32
      %mul3A_325 = arith.muli %scan3A_173, %mul3A_324 : i32
      %add3A_326 = arith.constant 192 : i32
      %add3A_327 = arith.addi %mul3A_325, %add3A_326 : i32
      %swap3A_328 = arith.index_cast %add3A_327 : i32 to index
      %swap3A_329 = tpu.vector_load %arg9[%swap3A_328] {strides = array<i32>} : memref<5120xf32, #tpu.memory_space<vmem>>, vector<16xf32>,
      %swap3A_330 = vector.shape_cast %swap3A_329 : vector<16xf32> to vector<16xf32>
      %swap3A_331 = vector.shape_cast %gather3A_323 : vector<16xf32> to vector<16xf32>
      tpu.vector_store %arg9[%swap3A_328], %swap3A_331 {strides = array<i32>} : memref<5120xf32, #tpu.memory_space<vmem>>, vector<16xf32>,
      %broadcast_in_dim3A_332 = arith.constant 13 : i32
      %broadcast_in_dim3A_333 = vector.broadcast %broadcast_in_dim3A_332 : i32 to vector<16x1xi32>
      %gather3A_334 = vector.shape_cast %broadcast_in_dim3A_333 : vector<16x1xi32> to vector<16xi32>
      %gather3A_335 = tpu.dynamic_gather %get3A_178[%gather3A_334] in [0] : vector<16xf32>, vector<16xi32> -> vector<16xf32>
      %mul3A_336 = arith.constant 256 : i32
      %mul3A_337 = arith.muli %scan3A_173, %mul3A_336 : i32
      %add3A_338 = arith.constant 208 : i32
      %add3A_339 = arith.addi %mul3A_337, %add3A_338 : i32
      %swap3A_340 = arith.index_cast %add3A_339 : i32 to index
      %swap3A_341 = tpu.vector_load %arg9[%swap3A_340] {strides = array<i32>} : memref<5120xf32, #tpu.memory_space<vmem>>, vector<16xf32>,
      %swap3A_342 = vector.shape_cast %swap3A_341 : vector<16xf32> to vector<16xf32>
      %swap3A_343 = vector.shape_cast %gather3A_335 : vector<16xf32> to vector<16xf32>
      tpu.vector_store %arg9[%swap3A_340], %swap3A_343 {strides = array<i32>} : memref<5120xf32, #tpu.memory_space<vmem>>, vector<16xf32>,
      %broadcast_in_dim3A_344 = arith.constant 14 : i32
      %broadcast_in_dim3A_345 = vector.broadcast %broadcast_in_dim3A_344 : i32 to vector<16x1xi32>
      %gather3A_346 = vector.shape_cast %broadcast_in_dim3A_345 : vector<16x1xi32> to vector<16xi32>
      %gather3A_347 = tpu.dynamic_gather %get3A_178[%gather3A_346] in [0] : vector<16xf32>, vector<16xi32> -> vector<16xf32>
      %mul3A_348 = arith.constant 256 : i32
      %mul3A_349 = arith.muli %scan3A_173, %mul3A_348 : i32
      %add3A_350 = arith.constant 224 : i32
      %add3A_351 = arith.addi %mul3A_349, %add3A_350 : i32
      %swap3A_352 = arith.index_cast %add3A_351 : i32 to index
      %swap3A_353 = tpu.vector_load %arg9[%swap3A_352] {strides = array<i32>} : memref<5120xf32, #tpu.memory_space<vmem>>, vector<16xf32>,
      %swap3A_354 = vector.shape_cast %swap3A_353 : vector<16xf32> to vector<16xf32>
      %swap3A_355 = vector.shape_cast %gather3A_347 : vector<16xf32> to vector<16xf32>
      tpu.vector_store %arg9[%swap3A_352], %swap3A_355 {strides = array<i32>} : memref<5120xf32, #tpu.memory_space<vmem>>, vector<16xf32>,
      %broadcast_in_dim3A_356 = arith.constant 15 : i32
      %broadcast_in_dim3A_357 = vector.broadcast %broadcast_in_dim3A_356 : i32 to vector<16x1xi32>
      %gather3A_358 = vector.shape_cast %broadcast_in_dim3A_357 : vector<16x1xi32> to vector<16xi32>
      %gather3A_359 = tpu.dynamic_gather %get3A_178[%gather3A_358] in [0] : vector<16xf32>, vector<16xi32> -> vector<16xf32>
      %mul3A_360 = arith.constant 256 : i32
      %mul3A_361 = arith.muli %scan3A_173, %mul3A_360 : i32
      %add3A_362 = arith.constant 240 : i32
      %add3A_363 = arith.addi %mul3A_361, %add3A_362 : i32
      %swap3A_364 = arith.index_cast %add3A_363 : i32 to index
      %swap3A_365 = tpu.vector_load %arg9[%swap3A_364] {strides = array<i32>} : memref<5120xf32, #tpu.memory_space<vmem>>, vector<16xf32>,
      %swap3A_366 = vector.shape_cast %swap3A_365 : vector<16xf32> to vector<16xf32>
      %swap3A_367 = vector.shape_cast %gather3A_359 : vector<16xf32> to vector<16xf32>
      tpu.vector_store %arg9[%swap3A_364], %swap3A_367 {strides = array<i32>} : memref<5120xf32, #tpu.memory_space<vmem>>, vector<16xf32>,
      %scan3A_368 = arith.constant 0 : i32
      scf.yield %scan3A_368 : i32
    }
    %scan3A_168 = arith.constant 20 : i32
    %mul3A_169 = arith.constant 320 : i32
    %mul3A_170 = arith.muli %add3A, %mul3A_169 : i32
    %mul3A_171 = arith.constant 16 : i32
    %mul3A_172 = arith.muli %mul3A_170, %mul3A_171 : i32
    "tpu.region"() ({
      %run_scoped3A = tpu.sem_alloc : memref<!tpu.dma_semaphore, #tpu.memory_space<semaphore_mem>>
      %dma_start3A_173 = tpu.memref_slice %arg3[%mul3A_172] : memref<163840xf32, #tpu.memory_space<hbm>> -> memref<5120xf32, #tpu.memory_space<hbm>>
      %dma_start3A_174 = tpu.memref_slice %arg3[%mul3A_172] : memref<163840xf32, #tpu.memory_space<hbm>> -> memref<5120xf32, #tpu.memory_space<hbm>>
      tpu.enqueue_dma source(%arg9 : memref<5120xf32, #tpu.memory_space<vmem>>) target(%dma_start3A_174 : memref<5120xf32, #tpu.memory_space<hbm>>) target_semaphore(%run_scoped3A : memref<!tpu.dma_semaphore, #tpu.memory_space<semaphore_mem>>)
      %dma_wait3A_175 = tpu.memref_slice %arg3[%mul3A_172] : memref<163840xf32, #tpu.memory_space<hbm>> -> memref<5120xf32, #tpu.memory_space<hbm>>
      %dma_wait3A_176 = tpu.memref_slice %arg3[%mul3A_172] : memref<163840xf32, #tpu.memory_space<hbm>> -> memref<5120xf32, #tpu.memory_space<hbm>>
      tpu.wait_dma2 semaphore(%run_scoped3A : memref<!tpu.dma_semaphore, #tpu.memory_space<semaphore_mem>>) src(%arg9 : memref<5120xf32, #tpu.memory_space<vmem>>) dst(%dma_wait3A_176 : memref<5120xf32, #tpu.memory_space<hbm>>)
      tpu.yield
    }) : () -> ()
    return
  }
}

#map = affine_map<(d0, d1) -> (0, 0)>
#map1 = affine_map<(d0, d1) -> (0, 0, 0, 0)>
module attributes {stable_mosaic.version = 14 : i64} {
  func.func @_agg_body(%arg0: i32, %arg1: i32, %arg2: memref<10000x16xf32, #tpu.memory_space<hbm>>, %arg3: memref<2x32x5x2000xi32, #tpu.memory_space<hbm>>, %arg4: memref<20480x16xf32, #tpu.memory_space<hbm>>, %arg5: memref<5x2000xi32, #tpu.memory_space<vmem>>, %arg6: memref<5x2000xi32, #tpu.memory_space<vmem>>, %arg7: memref<2000x16xf32, #tpu.memory_space<vmem>>, %arg8: memref<2000x16xf32, #tpu.memory_space<vmem>>, %arg9: memref<640x16xf32, #tpu.memory_space<vmem>>, %arg10: memref<10240x16xf32, #tpu.memory_space<vmem_shared>>, %arg11: memref<10000x16xf32, #tpu.memory_space<vmem_shared>>, %arg12: memref<!tpu.dma_semaphore, #tpu.memory_space<semaphore_mem>>, %arg13: memref<!tpu.dma_semaphore, #tpu.memory_space<semaphore_mem>>, %arg14: memref<!tpu.dma_semaphore, #tpu.memory_space<semaphore_mem>>, %arg15: memref<!tpu.dma_semaphore, #tpu.memory_space<semaphore_mem>>, %arg16: memref<!tpu.dma_semaphore, #tpu.memory_space<semaphore_mem>>, %arg17: memref<!tpu.dma_semaphore, #tpu.memory_space<semaphore_mem>>) attributes {dimension_semantics = [#tpu.dimension_semantics<core_parallel>, #tpu.dimension_semantics<subcore_parallel>], iteration_bounds = array<i64: 2, 16>, scalar_prefetch = 0 : i64, scratch_operands = 13 : i64, tpu.core_type = #tpu.core_type<sc_vector_subcore>, window_params = [{transform_indices = #map}, {transform_indices = #map1}, {transform_indices = #map}]} {
    %mul3A = arith.constant 16 : i32
    %mul3A_0 = arith.muli %arg0, %mul3A : i32
    %add3A = arith.addi %mul3A_0, %arg1 : i32
    %dma_start3A = arith.constant 0 : i32
    %dma_start3A_1 = arith.constant 0 : i32
    %dma_start3A_2 = arith.constant 0 : i32
    %dma_start3A_3 = tpu.memref_slice %arg3[%dma_start3A, %add3A, %dma_start3A_1, %dma_start3A_2] : memref<2x32x5x2000xi32, #tpu.memory_space<hbm>> -> memref<1x1x5x2000xi32, #tpu.memory_space<hbm>>
    %dma_start3A_4 = tpu.memref_squeeze %dma_start3A_3 : memref<1x1x5x2000xi32, #tpu.memory_space<hbm>> -> memref<5x2000xi32, #tpu.memory_space<hbm>>
    %dma_start3A_5 = arith.constant 0 : i32
    %dma_start3A_6 = arith.constant 0 : i32
    %dma_start3A_7 = tpu.memref_slice %arg3[%dma_start3A, %add3A, %dma_start3A_5, %dma_start3A_6] : memref<2x32x5x2000xi32, #tpu.memory_space<hbm>> -> memref<1x1x5x2000xi32, #tpu.memory_space<hbm>>
    %dma_start3A_8 = tpu.memref_squeeze %dma_start3A_7 : memref<1x1x5x2000xi32, #tpu.memory_space<hbm>> -> memref<5x2000xi32, #tpu.memory_space<hbm>>
    tpu.enqueue_dma source(%dma_start3A_8 : memref<5x2000xi32, #tpu.memory_space<hbm>>) target(%arg5 : memref<5x2000xi32, #tpu.memory_space<vmem>>) target_semaphore(%arg12 : memref<!tpu.dma_semaphore, #tpu.memory_space<semaphore_mem>>)
    %dma_start3A_9 = arith.constant 1 : i32
    %dma_start3A_10 = arith.constant 0 : i32
    %dma_start3A_11 = arith.constant 0 : i32
    %dma_start3A_12 = tpu.memref_slice %arg3[%dma_start3A_9, %add3A, %dma_start3A_10, %dma_start3A_11] : memref<2x32x5x2000xi32, #tpu.memory_space<hbm>> -> memref<1x1x5x2000xi32, #tpu.memory_space<hbm>>
    %dma_start3A_13 = tpu.memref_squeeze %dma_start3A_12 : memref<1x1x5x2000xi32, #tpu.memory_space<hbm>> -> memref<5x2000xi32, #tpu.memory_space<hbm>>
    %dma_start3A_14 = arith.constant 0 : i32
    %dma_start3A_15 = arith.constant 0 : i32
    %dma_start3A_16 = tpu.memref_slice %arg3[%dma_start3A_9, %add3A, %dma_start3A_14, %dma_start3A_15] : memref<2x32x5x2000xi32, #tpu.memory_space<hbm>> -> memref<1x1x5x2000xi32, #tpu.memory_space<hbm>>
    %dma_start3A_17 = tpu.memref_squeeze %dma_start3A_16 : memref<1x1x5x2000xi32, #tpu.memory_space<hbm>> -> memref<5x2000xi32, #tpu.memory_space<hbm>>
    tpu.enqueue_dma source(%dma_start3A_17 : memref<5x2000xi32, #tpu.memory_space<hbm>>) target(%arg6 : memref<5x2000xi32, #tpu.memory_space<vmem>>) target_semaphore(%arg12 : memref<!tpu.dma_semaphore, #tpu.memory_space<semaphore_mem>>)
    %mul3A_18 = arith.constant 625 : i32
    %mul3A_19 = arith.muli %arg1, %mul3A_18 : i32
    %mul3A_20 = arith.constant 625 : i32
    %mul3A_21 = arith.muli %arg1, %mul3A_20 : i32
    %dma_start3A_22 = arith.constant 0 : i32
    %dma_start3A_23 = tpu.memref_slice %arg11[%mul3A_21, %dma_start3A_22] : memref<10000x16xf32, #tpu.memory_space<vmem_shared>> -> memref<625x16xf32, #tpu.memory_space<vmem_shared>>
    %dma_start3A_24 = arith.constant 0 : i32
    %dma_start3A_25 = tpu.memref_slice %arg2[%mul3A_19, %dma_start3A_24] : memref<10000x16xf32, #tpu.memory_space<hbm>> -> memref<625x16xf32, #tpu.memory_space<hbm>>
    tpu.enqueue_dma source(%dma_start3A_25 : memref<625x16xf32, #tpu.memory_space<hbm>>) target(%dma_start3A_23 : memref<625x16xf32, #tpu.memory_space<vmem_shared>>) target_semaphore(%arg13 : memref<!tpu.dma_semaphore, #tpu.memory_space<semaphore_mem>>)
    %scan3A = arith.constant 0 : i32
    %scan3A_26 = arith.constant 0 : i32
    %scan3A_27 = arith.constant 640 : i32
    %scan3A_28 = arith.addi %scan3A_26, %scan3A_27 : i32
    %scan3A_29 = arith.constant 1 : i32
    %scan3A_30 = scf.for %scan3A_203 = %scan3A_26 to %scan3A_28 step %scan3A_29 iter_args(%scan3A_204 = %scan3A) -> (i32)  : i32 {
      %broadcast_in_dim3A = arith.constant 0.000000e+00 : f32
      %broadcast_in_dim3A_205 = vector.broadcast %broadcast_in_dim3A : f32 to vector<16xf32>
      %swap3A = arith.index_cast %scan3A_203 : i32 to index
      %swap3A_206 = arith.constant 0 : index
      %swap3A_207 = tpu.vector_load %arg9[%swap3A, %swap3A_206] {strides = array<i32>} : memref<640x16xf32, #tpu.memory_space<vmem>>, vector<1x16xf32>,
      %swap3A_208 = vector.shape_cast %swap3A_207 : vector<1x16xf32> to vector<16xf32>
      %swap3A_209 = vector.shape_cast %broadcast_in_dim3A_205 : vector<16xf32> to vector<1x16xf32>
      tpu.vector_store %arg9[%swap3A, %swap3A_206], %swap3A_209 {strides = array<i32>} : memref<640x16xf32, #tpu.memory_space<vmem>>, vector<1x16xf32>,
      %scan3A_210 = arith.constant 0 : i32
      scf.yield %scan3A_210 : i32
    }
    %scan3A_31 = arith.constant 640 : i32
    %mul3A_32 = arith.constant 640 : i32
    %mul3A_33 = arith.muli %arg1, %mul3A_32 : i32
    "tpu.region"() ({
      %run_scoped3A = tpu.sem_alloc : memref<!tpu.dma_semaphore, #tpu.memory_space<semaphore_mem>>
      %dma_start3A_203 = arith.constant 0 : i32
      %dma_start3A_204 = tpu.memref_slice %arg10[%mul3A_33, %dma_start3A_203] : memref<10240x16xf32, #tpu.memory_space<vmem_shared>> -> memref<640x16xf32, #tpu.memory_space<vmem_shared>>
      %dma_start3A_205 = arith.constant 0 : i32
      %dma_start3A_206 = tpu.memref_slice %arg10[%mul3A_33, %dma_start3A_205] : memref<10240x16xf32, #tpu.memory_space<vmem_shared>> -> memref<640x16xf32, #tpu.memory_space<vmem_shared>>
      tpu.enqueue_dma source(%arg9 : memref<640x16xf32, #tpu.memory_space<vmem>>) target(%dma_start3A_206 : memref<640x16xf32, #tpu.memory_space<vmem_shared>>) target_semaphore(%run_scoped3A : memref<!tpu.dma_semaphore, #tpu.memory_space<semaphore_mem>>)
      %dma_wait3A_207 = arith.constant 0 : i32
      %dma_wait3A_208 = tpu.memref_slice %arg10[%mul3A_33, %dma_wait3A_207] : memref<10240x16xf32, #tpu.memory_space<vmem_shared>> -> memref<640x16xf32, #tpu.memory_space<vmem_shared>>
      %dma_wait3A_209 = arith.constant 0 : i32
      %dma_wait3A_210 = tpu.memref_slice %arg10[%mul3A_33, %dma_wait3A_209] : memref<10240x16xf32, #tpu.memory_space<vmem_shared>> -> memref<640x16xf32, #tpu.memory_space<vmem_shared>>
      tpu.wait_dma2 semaphore(%run_scoped3A : memref<!tpu.dma_semaphore, #tpu.memory_space<semaphore_mem>>) src(%arg9 : memref<640x16xf32, #tpu.memory_space<vmem>>) dst(%dma_wait3A_210 : memref<640x16xf32, #tpu.memory_space<vmem_shared>>)
      tpu.yield
    }) : () -> ()
    %dma_wait3A = arith.constant 0 : i32
    %dma_wait3A_34 = arith.constant 0 : i32
    %dma_wait3A_35 = arith.constant 0 : i32
    %dma_wait3A_36 = tpu.memref_slice %arg3[%dma_wait3A, %add3A, %dma_wait3A_34, %dma_wait3A_35] : memref<2x32x5x2000xi32, #tpu.memory_space<hbm>> -> memref<1x1x5x2000xi32, #tpu.memory_space<hbm>>
    %dma_wait3A_37 = tpu.memref_squeeze %dma_wait3A_36 : memref<1x1x5x2000xi32, #tpu.memory_space<hbm>> -> memref<5x2000xi32, #tpu.memory_space<hbm>>
    %dma_wait3A_38 = arith.constant 0 : i32
    %dma_wait3A_39 = arith.constant 0 : i32
    %dma_wait3A_40 = tpu.memref_slice %arg3[%dma_wait3A, %add3A, %dma_wait3A_38, %dma_wait3A_39] : memref<2x32x5x2000xi32, #tpu.memory_space<hbm>> -> memref<1x1x5x2000xi32, #tpu.memory_space<hbm>>
    %dma_wait3A_41 = tpu.memref_squeeze %dma_wait3A_40 : memref<1x1x5x2000xi32, #tpu.memory_space<hbm>> -> memref<5x2000xi32, #tpu.memory_space<hbm>>
    tpu.wait_dma2 semaphore(%arg12 : memref<!tpu.dma_semaphore, #tpu.memory_space<semaphore_mem>>) src(%dma_wait3A_41 : memref<5x2000xi32, #tpu.memory_space<hbm>>) dst(%arg5 : memref<5x2000xi32, #tpu.memory_space<vmem>>)
    %dma_wait3A_42 = arith.constant 1 : i32
    %dma_wait3A_43 = arith.constant 0 : i32
    %dma_wait3A_44 = arith.constant 0 : i32
    %dma_wait3A_45 = tpu.memref_slice %arg3[%dma_wait3A_42, %add3A, %dma_wait3A_43, %dma_wait3A_44] : memref<2x32x5x2000xi32, #tpu.memory_space<hbm>> -> memref<1x1x5x2000xi32, #tpu.memory_space<hbm>>
    %dma_wait3A_46 = tpu.memref_squeeze %dma_wait3A_45 : memref<1x1x5x2000xi32, #tpu.memory_space<hbm>> -> memref<5x2000xi32, #tpu.memory_space<hbm>>
    %dma_wait3A_47 = arith.constant 0 : i32
    %dma_wait3A_48 = arith.constant 0 : i32
    %dma_wait3A_49 = tpu.memref_slice %arg3[%dma_wait3A_42, %add3A, %dma_wait3A_47, %dma_wait3A_48] : memref<2x32x5x2000xi32, #tpu.memory_space<hbm>> -> memref<1x1x5x2000xi32, #tpu.memory_space<hbm>>
    %dma_wait3A_50 = tpu.memref_squeeze %dma_wait3A_49 : memref<1x1x5x2000xi32, #tpu.memory_space<hbm>> -> memref<5x2000xi32, #tpu.memory_space<hbm>>
    tpu.wait_dma2 semaphore(%arg12 : memref<!tpu.dma_semaphore, #tpu.memory_space<semaphore_mem>>) src(%dma_wait3A_50 : memref<5x2000xi32, #tpu.memory_space<hbm>>) dst(%arg6 : memref<5x2000xi32, #tpu.memory_space<vmem>>)
    %dma_wait3A_51 = arith.constant 0 : i32
    %dma_wait3A_52 = tpu.memref_slice %arg11[%mul3A_21, %dma_wait3A_51] : memref<10000x16xf32, #tpu.memory_space<vmem_shared>> -> memref<625x16xf32, #tpu.memory_space<vmem_shared>>
    %dma_wait3A_53 = arith.constant 0 : i32
    %dma_wait3A_54 = tpu.memref_slice %arg2[%mul3A_19, %dma_wait3A_53] : memref<10000x16xf32, #tpu.memory_space<hbm>> -> memref<625x16xf32, #tpu.memory_space<hbm>>
    tpu.wait_dma2 semaphore(%arg13 : memref<!tpu.dma_semaphore, #tpu.memory_space<semaphore_mem>>) src(%dma_wait3A_54 : memref<625x16xf32, #tpu.memory_space<hbm>>) dst(%dma_wait3A_52 : memref<625x16xf32, #tpu.memory_space<vmem_shared>>)
    %barrier3A = arith.constant 0 : index
    tpu.barrier barrier_id(%barrier3A)
    %dma_start3A_55 = arith.constant 0 : i32
    %dma_start3A_56 = arith.constant 0 : i32
    %dma_start3A_57 = tpu.memref_slice %arg5[%dma_start3A_55, %dma_start3A_56] : memref<5x2000xi32, #tpu.memory_space<vmem>> -> memref<1x2000xi32, #tpu.memory_space<vmem>>
    %dma_start3A_58 = tpu.memref_squeeze %dma_start3A_57 : memref<1x2000xi32, #tpu.memory_space<vmem>> -> memref<2000xi32, #tpu.memory_space<vmem>>
    %dma_start3A_59 = arith.constant 0 : i32
    %dma_start3A_60 = arith.constant 0 : i32
    %dma_start3A_61 = tpu.memref_slice %arg11[%dma_start3A_59, %dma_start3A_60] : memref<10000x16xf32, #tpu.memory_space<vmem_shared>> -> memref<10000x16xf32, #tpu.memory_space<vmem_shared>>
    tpu.enqueue_indirect_dma source(%dma_start3A_61 : memref<10000x16xf32, #tpu.memory_space<vmem_shared>>) target(%arg7 : memref<2000x16xf32, #tpu.memory_space<vmem>>) offsets(%dma_start3A_58 : memref<2000xi32, #tpu.memory_space<vmem>>) semaphore(%arg14 : memref<!tpu.dma_semaphore, #tpu.memory_space<semaphore_mem>>)
    %dma_wait3A_62 = arith.constant 0 : i32
    %dma_wait3A_63 = arith.constant 0 : i32
    %dma_wait3A_64 = tpu.memref_slice %arg5[%dma_wait3A_62, %dma_wait3A_63] : memref<5x2000xi32, #tpu.memory_space<vmem>> -> memref<1x2000xi32, #tpu.memory_space<vmem>>
    %dma_wait3A_65 = tpu.memref_squeeze %dma_wait3A_64 : memref<1x2000xi32, #tpu.memory_space<vmem>> -> memref<2000xi32, #tpu.memory_space<vmem>>
    %dma_wait3A_66 = arith.constant 0 : i32
    %dma_wait3A_67 = arith.constant 0 : i32
    %dma_wait3A_68 = tpu.memref_slice %arg11[%dma_wait3A_66, %dma_wait3A_67] : memref<10000x16xf32, #tpu.memory_space<vmem_shared>> -> memref<10000x16xf32, #tpu.memory_space<vmem_shared>>
    tpu.wait_indirect_dma semaphore(%arg14 : memref<!tpu.dma_semaphore, #tpu.memory_space<semaphore_mem>>) src(%dma_wait3A_68 : memref<10000x16xf32, #tpu.memory_space<vmem_shared>>) dst(%arg7 : memref<2000x16xf32, #tpu.memory_space<vmem>>)
    %dma_start3A_69 = arith.constant 1 : i32
    %dma_start3A_70 = arith.constant 0 : i32
    %dma_start3A_71 = tpu.memref_slice %arg5[%dma_start3A_69, %dma_start3A_70] : memref<5x2000xi32, #tpu.memory_space<vmem>> -> memref<1x2000xi32, #tpu.memory_space<vmem>>
    %dma_start3A_72 = tpu.memref_squeeze %dma_start3A_71 : memref<1x2000xi32, #tpu.memory_space<vmem>> -> memref<2000xi32, #tpu.memory_space<vmem>>
    %dma_start3A_73 = arith.constant 0 : i32
    %dma_start3A_74 = arith.constant 0 : i32
    %dma_start3A_75 = tpu.memref_slice %arg11[%dma_start3A_73, %dma_start3A_74] : memref<10000x16xf32, #tpu.memory_space<vmem_shared>> -> memref<10000x16xf32, #tpu.memory_space<vmem_shared>>
    tpu.enqueue_indirect_dma source(%dma_start3A_75 : memref<10000x16xf32, #tpu.memory_space<vmem_shared>>) target(%arg8 : memref<2000x16xf32, #tpu.memory_space<vmem>>) offsets(%dma_start3A_72 : memref<2000xi32, #tpu.memory_space<vmem>>) semaphore(%arg15 : memref<!tpu.dma_semaphore, #tpu.memory_space<semaphore_mem>>)
    %dma_start3A_76 = arith.constant 0 : i32
    %dma_start3A_77 = arith.constant 0 : i32
    %dma_start3A_78 = tpu.memref_slice %arg6[%dma_start3A_76, %dma_start3A_77] : memref<5x2000xi32, #tpu.memory_space<vmem>> -> memref<1x2000xi32, #tpu.memory_space<vmem>>
    %dma_start3A_79 = tpu.memref_squeeze %dma_start3A_78 : memref<1x2000xi32, #tpu.memory_space<vmem>> -> memref<2000xi32, #tpu.memory_space<vmem>>
    %dma_start3A_80 = arith.constant 0 : i32
    %dma_start3A_81 = arith.constant 0 : i32
    %dma_start3A_82 = tpu.memref_slice %arg10[%dma_start3A_80, %dma_start3A_81] : memref<10240x16xf32, #tpu.memory_space<vmem_shared>> -> memref<10240x16xf32, #tpu.memory_space<vmem_shared>>
    tpu.enqueue_indirect_dma source(%arg7 : memref<2000x16xf32, #tpu.memory_space<vmem>>) target(%dma_start3A_82 : memref<10240x16xf32, #tpu.memory_space<vmem_shared>>) offsets(%dma_start3A_79 : memref<2000xi32, #tpu.memory_space<vmem>>) semaphore(%arg16 : memref<!tpu.dma_semaphore, #tpu.memory_space<semaphore_mem>>) {add = true}
    %dma_wait3A_83 = arith.constant 1 : i32
    %dma_wait3A_84 = arith.constant 0 : i32
    %dma_wait3A_85 = tpu.memref_slice %arg5[%dma_wait3A_83, %dma_wait3A_84] : memref<5x2000xi32, #tpu.memory_space<vmem>> -> memref<1x2000xi32, #tpu.memory_space<vmem>>
    %dma_wait3A_86 = tpu.memref_squeeze %dma_wait3A_85 : memref<1x2000xi32, #tpu.memory_space<vmem>> -> memref<2000xi32, #tpu.memory_space<vmem>>
    %dma_wait3A_87 = arith.constant 0 : i32
    %dma_wait3A_88 = arith.constant 0 : i32
    %dma_wait3A_89 = tpu.memref_slice %arg11[%dma_wait3A_87, %dma_wait3A_88] : memref<10000x16xf32, #tpu.memory_space<vmem_shared>> -> memref<10000x16xf32, #tpu.memory_space<vmem_shared>>
    tpu.wait_indirect_dma semaphore(%arg15 : memref<!tpu.dma_semaphore, #tpu.memory_space<semaphore_mem>>) src(%dma_wait3A_89 : memref<10000x16xf32, #tpu.memory_space<vmem_shared>>) dst(%arg8 : memref<2000x16xf32, #tpu.memory_space<vmem>>)
    %dma_wait3A_90 = arith.constant 0 : i32
    %dma_wait3A_91 = arith.constant 0 : i32
    %dma_wait3A_92 = tpu.memref_slice %arg6[%dma_wait3A_90, %dma_wait3A_91] : memref<5x2000xi32, #tpu.memory_space<vmem>> -> memref<1x2000xi32, #tpu.memory_space<vmem>>
    %dma_wait3A_93 = tpu.memref_squeeze %dma_wait3A_92 : memref<1x2000xi32, #tpu.memory_space<vmem>> -> memref<2000xi32, #tpu.memory_space<vmem>>
    %dma_wait3A_94 = arith.constant 0 : i32
    %dma_wait3A_95 = arith.constant 0 : i32
    %dma_wait3A_96 = tpu.memref_slice %arg10[%dma_wait3A_94, %dma_wait3A_95] : memref<10240x16xf32, #tpu.memory_space<vmem_shared>> -> memref<10240x16xf32, #tpu.memory_space<vmem_shared>>
    tpu.wait_indirect_dma semaphore(%arg16 : memref<!tpu.dma_semaphore, #tpu.memory_space<semaphore_mem>>) src(%arg7 : memref<2000x16xf32, #tpu.memory_space<vmem>>) dst(%dma_wait3A_96 : memref<10240x16xf32, #tpu.memory_space<vmem_shared>>)
    %dma_start3A_97 = arith.constant 2 : i32
    %dma_start3A_98 = arith.constant 0 : i32
    %dma_start3A_99 = tpu.memref_slice %arg5[%dma_start3A_97, %dma_start3A_98] : memref<5x2000xi32, #tpu.memory_space<vmem>> -> memref<1x2000xi32, #tpu.memory_space<vmem>>
    %dma_start3A_100 = tpu.memref_squeeze %dma_start3A_99 : memref<1x2000xi32, #tpu.memory_space<vmem>> -> memref<2000xi32, #tpu.memory_space<vmem>>
    %dma_start3A_101 = arith.constant 0 : i32
    %dma_start3A_102 = arith.constant 0 : i32
    %dma_start3A_103 = tpu.memref_slice %arg11[%dma_start3A_101, %dma_start3A_102] : memref<10000x16xf32, #tpu.memory_space<vmem_shared>> -> memref<10000x16xf32, #tpu.memory_space<vmem_shared>>
    tpu.enqueue_indirect_dma source(%dma_start3A_103 : memref<10000x16xf32, #tpu.memory_space<vmem_shared>>) target(%arg7 : memref<2000x16xf32, #tpu.memory_space<vmem>>) offsets(%dma_start3A_100 : memref<2000xi32, #tpu.memory_space<vmem>>) semaphore(%arg14 : memref<!tpu.dma_semaphore, #tpu.memory_space<semaphore_mem>>)
    %dma_start3A_104 = arith.constant 1 : i32
    %dma_start3A_105 = arith.constant 0 : i32
    %dma_start3A_106 = tpu.memref_slice %arg6[%dma_start3A_104, %dma_start3A_105] : memref<5x2000xi32, #tpu.memory_space<vmem>> -> memref<1x2000xi32, #tpu.memory_space<vmem>>
    %dma_start3A_107 = tpu.memref_squeeze %dma_start3A_106 : memref<1x2000xi32, #tpu.memory_space<vmem>> -> memref<2000xi32, #tpu.memory_space<vmem>>
    %dma_start3A_108 = arith.constant 0 : i32
    %dma_start3A_109 = arith.constant 0 : i32
    %dma_start3A_110 = tpu.memref_slice %arg10[%dma_start3A_108, %dma_start3A_109] : memref<10240x16xf32, #tpu.memory_space<vmem_shared>> -> memref<10240x16xf32, #tpu.memory_space<vmem_shared>>
    tpu.enqueue_indirect_dma source(%arg8 : memref<2000x16xf32, #tpu.memory_space<vmem>>) target(%dma_start3A_110 : memref<10240x16xf32, #tpu.memory_space<vmem_shared>>) offsets(%dma_start3A_107 : memref<2000xi32, #tpu.memory_space<vmem>>) semaphore(%arg17 : memref<!tpu.dma_semaphore, #tpu.memory_space<semaphore_mem>>) {add = true}
    %dma_wait3A_111 = arith.constant 2 : i32
    %dma_wait3A_112 = arith.constant 0 : i32
    %dma_wait3A_113 = tpu.memref_slice %arg5[%dma_wait3A_111, %dma_wait3A_112] : memref<5x2000xi32, #tpu.memory_space<vmem>> -> memref<1x2000xi32, #tpu.memory_space<vmem>>
    %dma_wait3A_114 = tpu.memref_squeeze %dma_wait3A_113 : memref<1x2000xi32, #tpu.memory_space<vmem>> -> memref<2000xi32, #tpu.memory_space<vmem>>
    %dma_wait3A_115 = arith.constant 0 : i32
    %dma_wait3A_116 = arith.constant 0 : i32
    %dma_wait3A_117 = tpu.memref_slice %arg11[%dma_wait3A_115, %dma_wait3A_116] : memref<10000x16xf32, #tpu.memory_space<vmem_shared>> -> memref<10000x16xf32, #tpu.memory_space<vmem_shared>>
    tpu.wait_indirect_dma semaphore(%arg14 : memref<!tpu.dma_semaphore, #tpu.memory_space<semaphore_mem>>) src(%dma_wait3A_117 : memref<10000x16xf32, #tpu.memory_space<vmem_shared>>) dst(%arg7 : memref<2000x16xf32, #tpu.memory_space<vmem>>)
    %dma_wait3A_118 = arith.constant 1 : i32
    %dma_wait3A_119 = arith.constant 0 : i32
    %dma_wait3A_120 = tpu.memref_slice %arg6[%dma_wait3A_118, %dma_wait3A_119] : memref<5x2000xi32, #tpu.memory_space<vmem>> -> memref<1x2000xi32, #tpu.memory_space<vmem>>
    %dma_wait3A_121 = tpu.memref_squeeze %dma_wait3A_120 : memref<1x2000xi32, #tpu.memory_space<vmem>> -> memref<2000xi32, #tpu.memory_space<vmem>>
    %dma_wait3A_122 = arith.constant 0 : i32
    %dma_wait3A_123 = arith.constant 0 : i32
    %dma_wait3A_124 = tpu.memref_slice %arg10[%dma_wait3A_122, %dma_wait3A_123] : memref<10240x16xf32, #tpu.memory_space<vmem_shared>> -> memref<10240x16xf32, #tpu.memory_space<vmem_shared>>
    tpu.wait_indirect_dma semaphore(%arg17 : memref<!tpu.dma_semaphore, #tpu.memory_space<semaphore_mem>>) src(%arg8 : memref<2000x16xf32, #tpu.memory_space<vmem>>) dst(%dma_wait3A_124 : memref<10240x16xf32, #tpu.memory_space<vmem_shared>>)
    %dma_start3A_125 = arith.constant 3 : i32
    %dma_start3A_126 = arith.constant 0 : i32
    %dma_start3A_127 = tpu.memref_slice %arg5[%dma_start3A_125, %dma_start3A_126] : memref<5x2000xi32, #tpu.memory_space<vmem>> -> memref<1x2000xi32, #tpu.memory_space<vmem>>
    %dma_start3A_128 = tpu.memref_squeeze %dma_start3A_127 : memref<1x2000xi32, #tpu.memory_space<vmem>> -> memref<2000xi32, #tpu.memory_space<vmem>>
    %dma_start3A_129 = arith.constant 0 : i32
    %dma_start3A_130 = arith.constant 0 : i32
    %dma_start3A_131 = tpu.memref_slice %arg11[%dma_start3A_129, %dma_start3A_130] : memref<10000x16xf32, #tpu.memory_space<vmem_shared>> -> memref<10000x16xf32, #tpu.memory_space<vmem_shared>>
    tpu.enqueue_indirect_dma source(%dma_start3A_131 : memref<10000x16xf32, #tpu.memory_space<vmem_shared>>) target(%arg8 : memref<2000x16xf32, #tpu.memory_space<vmem>>) offsets(%dma_start3A_128 : memref<2000xi32, #tpu.memory_space<vmem>>) semaphore(%arg15 : memref<!tpu.dma_semaphore, #tpu.memory_space<semaphore_mem>>)
    %dma_start3A_132 = arith.constant 2 : i32
    %dma_start3A_133 = arith.constant 0 : i32
    %dma_start3A_134 = tpu.memref_slice %arg6[%dma_start3A_132, %dma_start3A_133] : memref<5x2000xi32, #tpu.memory_space<vmem>> -> memref<1x2000xi32, #tpu.memory_space<vmem>>
    %dma_start3A_135 = tpu.memref_squeeze %dma_start3A_134 : memref<1x2000xi32, #tpu.memory_space<vmem>> -> memref<2000xi32, #tpu.memory_space<vmem>>
    %dma_start3A_136 = arith.constant 0 : i32
    %dma_start3A_137 = arith.constant 0 : i32
    %dma_start3A_138 = tpu.memref_slice %arg10[%dma_start3A_136, %dma_start3A_137] : memref<10240x16xf32, #tpu.memory_space<vmem_shared>> -> memref<10240x16xf32, #tpu.memory_space<vmem_shared>>
    tpu.enqueue_indirect_dma source(%arg7 : memref<2000x16xf32, #tpu.memory_space<vmem>>) target(%dma_start3A_138 : memref<10240x16xf32, #tpu.memory_space<vmem_shared>>) offsets(%dma_start3A_135 : memref<2000xi32, #tpu.memory_space<vmem>>) semaphore(%arg16 : memref<!tpu.dma_semaphore, #tpu.memory_space<semaphore_mem>>) {add = true}
    %dma_wait3A_139 = arith.constant 3 : i32
    %dma_wait3A_140 = arith.constant 0 : i32
    %dma_wait3A_141 = tpu.memref_slice %arg5[%dma_wait3A_139, %dma_wait3A_140] : memref<5x2000xi32, #tpu.memory_space<vmem>> -> memref<1x2000xi32, #tpu.memory_space<vmem>>
    %dma_wait3A_142 = tpu.memref_squeeze %dma_wait3A_141 : memref<1x2000xi32, #tpu.memory_space<vmem>> -> memref<2000xi32, #tpu.memory_space<vmem>>
    %dma_wait3A_143 = arith.constant 0 : i32
    %dma_wait3A_144 = arith.constant 0 : i32
    %dma_wait3A_145 = tpu.memref_slice %arg11[%dma_wait3A_143, %dma_wait3A_144] : memref<10000x16xf32, #tpu.memory_space<vmem_shared>> -> memref<10000x16xf32, #tpu.memory_space<vmem_shared>>
    tpu.wait_indirect_dma semaphore(%arg15 : memref<!tpu.dma_semaphore, #tpu.memory_space<semaphore_mem>>) src(%dma_wait3A_145 : memref<10000x16xf32, #tpu.memory_space<vmem_shared>>) dst(%arg8 : memref<2000x16xf32, #tpu.memory_space<vmem>>)
    %dma_wait3A_146 = arith.constant 2 : i32
    %dma_wait3A_147 = arith.constant 0 : i32
    %dma_wait3A_148 = tpu.memref_slice %arg6[%dma_wait3A_146, %dma_wait3A_147] : memref<5x2000xi32, #tpu.memory_space<vmem>> -> memref<1x2000xi32, #tpu.memory_space<vmem>>
    %dma_wait3A_149 = tpu.memref_squeeze %dma_wait3A_148 : memref<1x2000xi32, #tpu.memory_space<vmem>> -> memref<2000xi32, #tpu.memory_space<vmem>>
    %dma_wait3A_150 = arith.constant 0 : i32
    %dma_wait3A_151 = arith.constant 0 : i32
    %dma_wait3A_152 = tpu.memref_slice %arg10[%dma_wait3A_150, %dma_wait3A_151] : memref<10240x16xf32, #tpu.memory_space<vmem_shared>> -> memref<10240x16xf32, #tpu.memory_space<vmem_shared>>
    tpu.wait_indirect_dma semaphore(%arg16 : memref<!tpu.dma_semaphore, #tpu.memory_space<semaphore_mem>>) src(%arg7 : memref<2000x16xf32, #tpu.memory_space<vmem>>) dst(%dma_wait3A_152 : memref<10240x16xf32, #tpu.memory_space<vmem_shared>>)
    %dma_start3A_153 = arith.constant 4 : i32
    %dma_start3A_154 = arith.constant 0 : i32
    %dma_start3A_155 = tpu.memref_slice %arg5[%dma_start3A_153, %dma_start3A_154] : memref<5x2000xi32, #tpu.memory_space<vmem>> -> memref<1x2000xi32, #tpu.memory_space<vmem>>
    %dma_start3A_156 = tpu.memref_squeeze %dma_start3A_155 : memref<1x2000xi32, #tpu.memory_space<vmem>> -> memref<2000xi32, #tpu.memory_space<vmem>>
    %dma_start3A_157 = arith.constant 0 : i32
    %dma_start3A_158 = arith.constant 0 : i32
    %dma_start3A_159 = tpu.memref_slice %arg11[%dma_start3A_157, %dma_start3A_158] : memref<10000x16xf32, #tpu.memory_space<vmem_shared>> -> memref<10000x16xf32, #tpu.memory_space<vmem_shared>>
    tpu.enqueue_indirect_dma source(%dma_start3A_159 : memref<10000x16xf32, #tpu.memory_space<vmem_shared>>) target(%arg7 : memref<2000x16xf32, #tpu.memory_space<vmem>>) offsets(%dma_start3A_156 : memref<2000xi32, #tpu.memory_space<vmem>>) semaphore(%arg14 : memref<!tpu.dma_semaphore, #tpu.memory_space<semaphore_mem>>)
    %dma_start3A_160 = arith.constant 3 : i32
    %dma_start3A_161 = arith.constant 0 : i32
    %dma_start3A_162 = tpu.memref_slice %arg6[%dma_start3A_160, %dma_start3A_161] : memref<5x2000xi32, #tpu.memory_space<vmem>> -> memref<1x2000xi32, #tpu.memory_space<vmem>>
    %dma_start3A_163 = tpu.memref_squeeze %dma_start3A_162 : memref<1x2000xi32, #tpu.memory_space<vmem>> -> memref<2000xi32, #tpu.memory_space<vmem>>
    %dma_start3A_164 = arith.constant 0 : i32
    %dma_start3A_165 = arith.constant 0 : i32
    %dma_start3A_166 = tpu.memref_slice %arg10[%dma_start3A_164, %dma_start3A_165] : memref<10240x16xf32, #tpu.memory_space<vmem_shared>> -> memref<10240x16xf32, #tpu.memory_space<vmem_shared>>
    tpu.enqueue_indirect_dma source(%arg8 : memref<2000x16xf32, #tpu.memory_space<vmem>>) target(%dma_start3A_166 : memref<10240x16xf32, #tpu.memory_space<vmem_shared>>) offsets(%dma_start3A_163 : memref<2000xi32, #tpu.memory_space<vmem>>) semaphore(%arg17 : memref<!tpu.dma_semaphore, #tpu.memory_space<semaphore_mem>>) {add = true}
    %dma_wait3A_167 = arith.constant 4 : i32
    %dma_wait3A_168 = arith.constant 0 : i32
    %dma_wait3A_169 = tpu.memref_slice %arg5[%dma_wait3A_167, %dma_wait3A_168] : memref<5x2000xi32, #tpu.memory_space<vmem>> -> memref<1x2000xi32, #tpu.memory_space<vmem>>
    %dma_wait3A_170 = tpu.memref_squeeze %dma_wait3A_169 : memref<1x2000xi32, #tpu.memory_space<vmem>> -> memref<2000xi32, #tpu.memory_space<vmem>>
    %dma_wait3A_171 = arith.constant 0 : i32
    %dma_wait3A_172 = arith.constant 0 : i32
    %dma_wait3A_173 = tpu.memref_slice %arg11[%dma_wait3A_171, %dma_wait3A_172] : memref<10000x16xf32, #tpu.memory_space<vmem_shared>> -> memref<10000x16xf32, #tpu.memory_space<vmem_shared>>
    tpu.wait_indirect_dma semaphore(%arg14 : memref<!tpu.dma_semaphore, #tpu.memory_space<semaphore_mem>>) src(%dma_wait3A_173 : memref<10000x16xf32, #tpu.memory_space<vmem_shared>>) dst(%arg7 : memref<2000x16xf32, #tpu.memory_space<vmem>>)
    %dma_wait3A_174 = arith.constant 3 : i32
    %dma_wait3A_175 = arith.constant 0 : i32
    %dma_wait3A_176 = tpu.memref_slice %arg6[%dma_wait3A_174, %dma_wait3A_175] : memref<5x2000xi32, #tpu.memory_space<vmem>> -> memref<1x2000xi32, #tpu.memory_space<vmem>>
    %dma_wait3A_177 = tpu.memref_squeeze %dma_wait3A_176 : memref<1x2000xi32, #tpu.memory_space<vmem>> -> memref<2000xi32, #tpu.memory_space<vmem>>
    %dma_wait3A_178 = arith.constant 0 : i32
    %dma_wait3A_179 = arith.constant 0 : i32
    %dma_wait3A_180 = tpu.memref_slice %arg10[%dma_wait3A_178, %dma_wait3A_179] : memref<10240x16xf32, #tpu.memory_space<vmem_shared>> -> memref<10240x16xf32, #tpu.memory_space<vmem_shared>>
    tpu.wait_indirect_dma semaphore(%arg17 : memref<!tpu.dma_semaphore, #tpu.memory_space<semaphore_mem>>) src(%arg8 : memref<2000x16xf32, #tpu.memory_space<vmem>>) dst(%dma_wait3A_180 : memref<10240x16xf32, #tpu.memory_space<vmem_shared>>)
    %dma_start3A_181 = arith.constant 4 : i32
    %dma_start3A_182 = arith.constant 0 : i32
    %dma_start3A_183 = tpu.memref_slice %arg6[%dma_start3A_181, %dma_start3A_182] : memref<5x2000xi32, #tpu.memory_space<vmem>> -> memref<1x2000xi32, #tpu.memory_space<vmem>>
    %dma_start3A_184 = tpu.memref_squeeze %dma_start3A_183 : memref<1x2000xi32, #tpu.memory_space<vmem>> -> memref<2000xi32, #tpu.memory_space<vmem>>
    %dma_start3A_185 = arith.constant 0 : i32
    %dma_start3A_186 = arith.constant 0 : i32
    %dma_start3A_187 = tpu.memref_slice %arg10[%dma_start3A_185, %dma_start3A_186] : memref<10240x16xf32, #tpu.memory_space<vmem_shared>> -> memref<10240x16xf32, #tpu.memory_space<vmem_shared>>
    tpu.enqueue_indirect_dma source(%arg7 : memref<2000x16xf32, #tpu.memory_space<vmem>>) target(%dma_start3A_187 : memref<10240x16xf32, #tpu.memory_space<vmem_shared>>) offsets(%dma_start3A_184 : memref<2000xi32, #tpu.memory_space<vmem>>) semaphore(%arg16 : memref<!tpu.dma_semaphore, #tpu.memory_space<semaphore_mem>>) {add = true}
    %dma_wait3A_188 = arith.constant 4 : i32
    %dma_wait3A_189 = arith.constant 0 : i32
    %dma_wait3A_190 = tpu.memref_slice %arg6[%dma_wait3A_188, %dma_wait3A_189] : memref<5x2000xi32, #tpu.memory_space<vmem>> -> memref<1x2000xi32, #tpu.memory_space<vmem>>
    %dma_wait3A_191 = tpu.memref_squeeze %dma_wait3A_190 : memref<1x2000xi32, #tpu.memory_space<vmem>> -> memref<2000xi32, #tpu.memory_space<vmem>>
    %dma_wait3A_192 = arith.constant 0 : i32
    %dma_wait3A_193 = arith.constant 0 : i32
    %dma_wait3A_194 = tpu.memref_slice %arg10[%dma_wait3A_192, %dma_wait3A_193] : memref<10240x16xf32, #tpu.memory_space<vmem_shared>> -> memref<10240x16xf32, #tpu.memory_space<vmem_shared>>
    tpu.wait_indirect_dma semaphore(%arg16 : memref<!tpu.dma_semaphore, #tpu.memory_space<semaphore_mem>>) src(%arg7 : memref<2000x16xf32, #tpu.memory_space<vmem>>) dst(%dma_wait3A_194 : memref<10240x16xf32, #tpu.memory_space<vmem_shared>>)
    %barrier3A_195 = arith.constant 0 : index
    tpu.barrier barrier_id(%barrier3A_195)
    %mul3A_196 = arith.constant 640 : i32
    %mul3A_197 = arith.muli %arg1, %mul3A_196 : i32
    %mul3A_198 = arith.constant 10240 : i32
    %mul3A_199 = arith.muli %arg0, %mul3A_198 : i32
    %mul3A_200 = arith.constant 640 : i32
    %mul3A_201 = arith.muli %arg1, %mul3A_200 : i32
    %add3A_202 = arith.addi %mul3A_199, %mul3A_201 : i32
    "tpu.region"() ({
      %run_scoped3A = tpu.sem_alloc : memref<!tpu.dma_semaphore, #tpu.memory_space<semaphore_mem>>
      %dma_start3A_203 = arith.constant 0 : i32
      %dma_start3A_204 = tpu.memref_slice %arg4[%add3A_202, %dma_start3A_203] : memref<20480x16xf32, #tpu.memory_space<hbm>> -> memref<640x16xf32, #tpu.memory_space<hbm>>
      %dma_start3A_205 = arith.constant 0 : i32
      %dma_start3A_206 = tpu.memref_slice %arg10[%mul3A_197, %dma_start3A_205] : memref<10240x16xf32, #tpu.memory_space<vmem_shared>> -> memref<640x16xf32, #tpu.memory_space<vmem_shared>>
      tpu.enqueue_dma source(%dma_start3A_206 : memref<640x16xf32, #tpu.memory_space<vmem_shared>>) target(%dma_start3A_204 : memref<640x16xf32, #tpu.memory_space<hbm>>) target_semaphore(%run_scoped3A : memref<!tpu.dma_semaphore, #tpu.memory_space<semaphore_mem>>)
      %dma_wait3A_207 = arith.constant 0 : i32
      %dma_wait3A_208 = tpu.memref_slice %arg4[%add3A_202, %dma_wait3A_207] : memref<20480x16xf32, #tpu.memory_space<hbm>> -> memref<640x16xf32, #tpu.memory_space<hbm>>
      %dma_wait3A_209 = arith.constant 0 : i32
      %dma_wait3A_210 = tpu.memref_slice %arg10[%mul3A_197, %dma_wait3A_209] : memref<10240x16xf32, #tpu.memory_space<vmem_shared>> -> memref<640x16xf32, #tpu.memory_space<vmem_shared>>
      tpu.wait_dma2 semaphore(%run_scoped3A : memref<!tpu.dma_semaphore, #tpu.memory_space<semaphore_mem>>) src(%dma_wait3A_210 : memref<640x16xf32, #tpu.memory_space<vmem_shared>>) dst(%dma_wait3A_208 : memref<640x16xf32, #tpu.memory_space<hbm>>)
      tpu.yield
    }) : () -> ()
    return
  }
}

module attributes {stable_mosaic.version = 14 : i64} {
  func.func @_tc1a_body(%arg0: memref<1250x1024xf32, #tpu.memory_space<vmem>>, %arg1: memref<1024x128xf32, #tpu.memory_space<vmem>>, %arg2: memref<1250x128xf32, #tpu.memory_space<vmem>>) attributes {dimension_semantics = [], scalar_prefetch = 0 : i64, scratch_operands = 0 : i64, tpu.core_type = #tpu.core_type<tc>} {
    %get3A = arith.constant 0 : index
    %get3A_0 = arith.constant 0 : index
    %get3A_1 = vector.load %arg0[%get3A, %get3A_0] : memref<1250x1024xf32, #tpu.memory_space<vmem>>, vector<1250x1024xf32>
    %get3A_2 = arith.constant 0 : index
    %get3A_3 = arith.constant 0 : index
    %get3A_4 = vector.load %arg1[%get3A_2, %get3A_3] : memref<1024x128xf32, #tpu.memory_space<vmem>>, vector<1024x128xf32>
    %dot_general3A = arith.constant dense<0.000000e+00> : vector<1250x128xf32>
    %dot_general3A_5 = tpu.matmul %get3A_1, %get3A_4, %dot_general3A {dimension_numbers = #tpu.dot_dimension_numbers<[1], [0], [0], [1], [0, 0, 1, 1], [], []>, precision = #tpu.contract_precision<fp32>, transpose_lhs_hint = false} : vector<1250x1024xf32>, vector<1024x128xf32>, vector<1250x128xf32> -> vector<1250x128xf32>
    %swap3A = arith.constant 0 : index
    %swap3A_6 = arith.constant 0 : index
    %swap3A_7 = vector.load %arg2[%swap3A, %swap3A_6] : memref<1250x128xf32, #tpu.memory_space<vmem>>, vector<1250x128xf32>
    tpu.vector_store %arg2[%swap3A, %swap3A_6], %dot_general3A_5 {strides = array<i32>} : memref<1250x128xf32, #tpu.memory_space<vmem>>, vector<1250x128xf32>,
    return
  }
}

module attributes {stable_mosaic.version = 14 : i64} {
  func.func @_tc1b_body(%arg0: i32, %arg1: memref<160x128xf32, #tpu.memory_space<vmem>>, %arg2: memref<160x128xf32, #tpu.memory_space<vmem>>, %arg3: memref<160x128xf32, #tpu.memory_space<vmem>>) attributes {dimension_semantics = [#tpu.dimension_semantics<arbitrary>], iteration_bounds = array<i64: 8>, scalar_prefetch = 0 : i64, scratch_operands = 0 : i64, tpu.core_type = #tpu.core_type<tc>, window_params = [{transform_indices = @transform_0, window_bounds = array<i64: 160, 128>}, {transform_indices = @transform_1, window_bounds = array<i64: 160, 128>}, {transform_indices = @transform_2, window_bounds = array<i64: 160, 128>}]} {
    %get3A = arith.constant 0 : index
    %get3A_0 = arith.constant 0 : index
    %get3A_1 = vector.load %arg1[%get3A, %get3A_0] : memref<160x128xf32, #tpu.memory_space<vmem>>, vector<160x128xf32>
    %get3A_2 = arith.constant 0 : index
    %get3A_3 = arith.constant 0 : index
    %get3A_4 = vector.load %arg2[%get3A_2, %get3A_3] : memref<160x128xf32, #tpu.memory_space<vmem>>, vector<160x128xf32>
    %mul3A = arith.mulf %get3A_1, %get3A_4 : vector<160x128xf32>
    %swap3A = arith.constant 0 : index
    %swap3A_5 = arith.constant 0 : index
    %swap3A_6 = vector.load %arg3[%swap3A, %swap3A_5] : memref<160x128xf32, #tpu.memory_space<vmem>>, vector<160x128xf32>
    tpu.vector_store %arg3[%swap3A, %swap3A_5], %mul3A {strides = array<i32>} : memref<160x128xf32, #tpu.memory_space<vmem>>, vector<160x128xf32>,
    return
  }
  func.func @transform_0(%arg0: i32) -> (i32, i32) {
    %c0_i32 = arith.constant 0 : i32
    %c0_i32_0 = arith.constant 0 : i32
    return %arg0, %c0_i32 : i32, i32
  }
  func.func @transform_1(%arg0: i32) -> (i32, i32) {
    %c0_i32 = arith.constant 0 : i32
    %c0_i32_0 = arith.constant 0 : i32
    return %arg0, %c0_i32 : i32, i32
  }
  func.func @transform_2(%arg0: i32) -> (i32, i32) {
    %c0_i32 = arith.constant 0 : i32
    %c0_i32_0 = arith.constant 0 : i32
    return %arg0, %c0_i32 : i32, i32
  }
}

module attributes {stable_mosaic.version = 14 : i64} {
  func.func @_tc2_body(%arg0: i32, %arg1: memref<160x128xf32, #tpu.memory_space<vmem>>, %arg2: memref<160x128xf32, #tpu.memory_space<vmem>>, %arg3: memref<160x128xf32, #tpu.memory_space<vmem>>, %arg4: memref<160x128xf32, #tpu.memory_space<vmem>>, %arg5: memref<1x16xf32, #tpu.memory_space<vmem>>, %arg6: memref<160x128xf32, #tpu.memory_space<vmem>>) attributes {dimension_semantics = [#tpu.dimension_semantics<arbitrary>], iteration_bounds = array<i64: 8>, scalar_prefetch = 0 : i64, scratch_operands = 0 : i64, tpu.core_type = #tpu.core_type<tc>, window_params = [{transform_indices = @transform_0, window_bounds = array<i64: 160, 128>}, {transform_indices = @transform_1, window_bounds = array<i64: 160, 128>}, {transform_indices = @transform_2, window_bounds = array<i64: 160, 128>}, {transform_indices = @transform_3, window_bounds = array<i64: 160, 128>}, {pipeline_mode = #tpu.pipeline_mode<synchronous>, transform_indices = @transform_4, window_bounds = array<i64: 1, 16>}, {transform_indices = @transform_5, window_bounds = array<i64: 160, 128>}]} {
    %get3A = arith.constant 0 : index
    %get3A_0 = arith.constant 0 : index
    %get3A_1 = vector.load %arg4[%get3A, %get3A_0] : memref<160x128xf32, #tpu.memory_space<vmem>>, vector<160x128xf32>
    %get3A_2 = arith.constant 0 : index
    %get3A_3 = arith.constant 0 : index
    %get3A_4 = vector.load %arg5[%get3A_2, %get3A_3] : memref<1x16xf32, #tpu.memory_space<vmem>>, vector<1x16xf32>
    %concatenate3A = tpu.concatenate %get3A_4, %get3A_4, %get3A_4, %get3A_4, %get3A_4, %get3A_4, %get3A_4, %get3A_4 in 1 : vector<1x16xf32>, vector<1x16xf32>, vector<1x16xf32>, vector<1x16xf32>, vector<1x16xf32>, vector<1x16xf32>, vector<1x16xf32>, vector<1x16xf32> -> vector<1x128xf32>
    %get3A_5 = arith.constant 0 : index
    %get3A_6 = arith.constant 0 : index
    %get3A_7 = vector.load %arg1[%get3A_5, %get3A_6] : memref<160x128xf32, #tpu.memory_space<vmem>>, vector<160x128xf32>
    %get3A_8 = arith.constant 0 : index
    %get3A_9 = arith.constant 0 : index
    %get3A_10 = vector.load %arg2[%get3A_8, %get3A_9] : memref<160x128xf32, #tpu.memory_space<vmem>>, vector<160x128xf32>
    %add3A = arith.addf %get3A_7, %get3A_10 : vector<160x128xf32>
    %get3A_11 = arith.constant 0 : index
    %get3A_12 = arith.constant 0 : index
    %get3A_13 = vector.load %arg3[%get3A_11, %get3A_12] : memref<160x128xf32, #tpu.memory_space<vmem>>, vector<160x128xf32>
    %add3A_14 = arith.addf %add3A, %get3A_13 : vector<160x128xf32>
    %mul3A = arith.mulf %get3A_1, %add3A_14 : vector<160x128xf32>
    %add3A_15 = vector.broadcast %concatenate3A : vector<1x128xf32> to vector<160x128xf32>
    %add3A_16 = arith.addf %mul3A, %add3A_15 : vector<160x128xf32>
    %max3A = arith.constant 0.000000e+00 : f32
    %max3A_17 = vector.broadcast %max3A : f32 to vector<160x128xf32>
    %max3A_18 = arith.maximumf %add3A_16, %max3A_17 : vector<160x128xf32>
    %mul3A_19 = arith.mulf %max3A_18, %get3A_1 : vector<160x128xf32>
    %swap3A = arith.constant 0 : index
    %swap3A_20 = arith.constant 0 : index
    %swap3A_21 = vector.load %arg6[%swap3A, %swap3A_20] : memref<160x128xf32, #tpu.memory_space<vmem>>, vector<160x128xf32>
    tpu.vector_store %arg6[%swap3A, %swap3A_20], %mul3A_19 {strides = array<i32>} : memref<160x128xf32, #tpu.memory_space<vmem>>, vector<160x128xf32>,
    return
  }
  func.func @transform_0(%arg0: i32) -> (i32, i32) {
    %c0_i32 = arith.constant 0 : i32
    %c0_i32_0 = arith.constant 0 : i32
    return %arg0, %c0_i32 : i32, i32
  }
  func.func @transform_1(%arg0: i32) -> (i32, i32) {
    %add3A = arith.constant 8 : i32
    %add3A_0 = arith.addi %arg0, %add3A : i32
    %c0_i32 = arith.constant 0 : i32
    %c0_i32_1 = arith.constant 0 : i32
    return %add3A_0, %c0_i32 : i32, i32
  }
  func.func @transform_2(%arg0: i32) -> (i32, i32) {
    %c0_i32 = arith.constant 0 : i32
    %c0_i32_0 = arith.constant 0 : i32
    return %arg0, %c0_i32 : i32, i32
  }
  func.func @transform_3(%arg0: i32) -> (i32, i32) {
    %c0_i32 = arith.constant 0 : i32
    %c0_i32_0 = arith.constant 0 : i32
    return %arg0, %c0_i32 : i32, i32
  }
  func.func @transform_4(%arg0: i32) -> (i32, i32) {
    %c0_i32 = arith.constant 0 : i32
    %c0_i32_0 = arith.constant 0 : i32
    %c0_i32_1 = arith.constant 0 : i32
    return %c0_i32, %c0_i32_0 : i32, i32
  }
  func.func @transform_5(%arg0: i32) -> (i32, i32) {
    %c0_i32 = arith.constant 0 : i32
    %c0_i32_0 = arith.constant 0 : i32
    return %arg0, %c0_i32 : i32, i32
  }
}

module attributes {stable_mosaic.version = 14 : i64} {
  func.func @_tc3_body(%arg0: i32, %arg1: memref<160x128xf32, #tpu.memory_space<vmem>>, %arg2: memref<160x128xf32, #tpu.memory_space<vmem>>, %arg3: memref<160x128xf32, #tpu.memory_space<vmem>>, %arg4: memref<160x128xf32, #tpu.memory_space<vmem>>, %arg5: memref<128x16xf32, #tpu.memory_space<vmem>>, %arg6: memref<1x2xf32, #tpu.memory_space<vmem>>, %arg7: memref<160x16xf32, #tpu.memory_space<vmem>>) attributes {dimension_semantics = [#tpu.dimension_semantics<arbitrary>], iteration_bounds = array<i64: 8>, scalar_prefetch = 0 : i64, scratch_operands = 0 : i64, tpu.core_type = #tpu.core_type<tc>, window_params = [{transform_indices = @transform_0, window_bounds = array<i64: 160, 128>}, {transform_indices = @transform_1, window_bounds = array<i64: 160, 128>}, {transform_indices = @transform_2, window_bounds = array<i64: 160, 128>}, {transform_indices = @transform_3, window_bounds = array<i64: 160, 128>}, {pipeline_mode = #tpu.pipeline_mode<synchronous>, transform_indices = @transform_4, window_bounds = array<i64: 128, 16>}, {pipeline_mode = #tpu.pipeline_mode<synchronous>, transform_indices = @transform_5, window_bounds = array<i64: 1, 2>}, {transform_indices = @transform_6, window_bounds = array<i64: 160, 16>}]} {
    %iota3A = tpu.iota {dimensions = array<i32: 0>} : vector<16x16xi32>
    %iota3A_0 = tpu.iota {dimensions = array<i32: 1>} : vector<16x16xi32>
    %jit3A = arith.constant 2 : i32
    %div3A = vector.broadcast %jit3A : i32 to vector<16x16xi32>
    %div3A_1 = arith.divsi %iota3A, %div3A : vector<16x16xi32>
    %sign3A = arith.constant 0 : i32
    %sign3A_2 = vector.broadcast %sign3A : i32 to vector<16x16xi32>
    %sign3A_3 = arith.cmpi sgt, %iota3A, %sign3A_2 : vector<16x16xi32>
    %sign3A_4 = arith.extui %sign3A_3 : vector<16x16xi1> to vector<16x16xi32>
    %sign3A_5 = arith.constant 0 : i32
    %sign3A_6 = vector.broadcast %sign3A_5 : i32 to vector<16x16xi32>
    %sign3A_7 = arith.cmpi slt, %iota3A, %sign3A_6 : vector<16x16xi32>
    %sign3A_8 = arith.extui %sign3A_7 : vector<16x16xi1> to vector<16x16xi32>
    %sign3A_9 = arith.subi %sign3A_4, %sign3A_8 : vector<16x16xi32>
    %sign3A_10 = arith.constant 0 : i32
    %sign3A_11 = arith.cmpi sgt, %jit3A, %sign3A_10 : i32
    %sign3A_12 = arith.extui %sign3A_11 : i1 to i32
    %sign3A_13 = arith.constant 0 : i32
    %sign3A_14 = arith.cmpi slt, %jit3A, %sign3A_13 : i32
    %sign3A_15 = arith.extui %sign3A_14 : i1 to i32
    %sign3A_16 = arith.subi %sign3A_12, %sign3A_15 : i32
    %ne3A = vector.broadcast %sign3A_16 : i32 to vector<16x16xi32>
    %ne3A_17 = arith.cmpi ne, %sign3A_9, %ne3A : vector<16x16xi32>
    %rem3A = vector.broadcast %jit3A : i32 to vector<16x16xi32>
    %rem3A_18 = arith.remsi %iota3A, %rem3A : vector<16x16xi32>
    %ne3A_19 = arith.constant 0 : i32
    %ne3A_20 = vector.broadcast %ne3A_19 : i32 to vector<16x16xi32>
    %ne3A_21 = arith.cmpi ne, %rem3A_18, %ne3A_20 : vector<16x16xi32>
    %and3A = arith.andi %ne3A_17, %ne3A_21 : vector<16x16xi1>
    %sub3A = arith.constant 1 : i32
    %sub3A_22 = vector.broadcast %sub3A : i32 to vector<16x16xi32>
    %sub3A_23 = arith.subi %div3A_1, %sub3A_22 : vector<16x16xi32>
    %select_n3A = arith.select %and3A, %sub3A_23, %div3A_1 : vector<16x16xi1>, vector<16x16xi32>
    %jit3A_24 = arith.constant 2 : i32
    %div3A_25 = vector.broadcast %jit3A_24 : i32 to vector<16x16xi32>
    %div3A_26 = arith.divsi %iota3A_0, %div3A_25 : vector<16x16xi32>
    %sign3A_27 = arith.constant 0 : i32
    %sign3A_28 = vector.broadcast %sign3A_27 : i32 to vector<16x16xi32>
    %sign3A_29 = arith.cmpi sgt, %iota3A_0, %sign3A_28 : vector<16x16xi32>
    %sign3A_30 = arith.extui %sign3A_29 : vector<16x16xi1> to vector<16x16xi32>
    %sign3A_31 = arith.constant 0 : i32
    %sign3A_32 = vector.broadcast %sign3A_31 : i32 to vector<16x16xi32>
    %sign3A_33 = arith.cmpi slt, %iota3A_0, %sign3A_32 : vector<16x16xi32>
    %sign3A_34 = arith.extui %sign3A_33 : vector<16x16xi1> to vector<16x16xi32>
    %sign3A_35 = arith.subi %sign3A_30, %sign3A_34 : vector<16x16xi32>
    %sign3A_36 = arith.constant 0 : i32
    %sign3A_37 = arith.cmpi sgt, %jit3A_24, %sign3A_36 : i32
    %sign3A_38 = arith.extui %sign3A_37 : i1 to i32
    %sign3A_39 = arith.constant 0 : i32
    %sign3A_40 = arith.cmpi slt, %jit3A_24, %sign3A_39 : i32
    %sign3A_41 = arith.extui %sign3A_40 : i1 to i32
    %sign3A_42 = arith.subi %sign3A_38, %sign3A_41 : i32
    %ne3A_43 = vector.broadcast %sign3A_42 : i32 to vector<16x16xi32>
    %ne3A_44 = arith.cmpi ne, %sign3A_35, %ne3A_43 : vector<16x16xi32>
    %rem3A_45 = vector.broadcast %jit3A_24 : i32 to vector<16x16xi32>
    %rem3A_46 = arith.remsi %iota3A_0, %rem3A_45 : vector<16x16xi32>
    %ne3A_47 = arith.constant 0 : i32
    %ne3A_48 = vector.broadcast %ne3A_47 : i32 to vector<16x16xi32>
    %ne3A_49 = arith.cmpi ne, %rem3A_46, %ne3A_48 : vector<16x16xi32>
    %and3A_50 = arith.andi %ne3A_44, %ne3A_49 : vector<16x16xi1>
    %sub3A_51 = arith.constant 1 : i32
    %sub3A_52 = vector.broadcast %sub3A_51 : i32 to vector<16x16xi32>
    %sub3A_53 = arith.subi %div3A_26, %sub3A_52 : vector<16x16xi32>
    %select_n3A_54 = arith.select %and3A_50, %sub3A_53, %div3A_26 : vector<16x16xi1>, vector<16x16xi32>
    %eq3A = arith.cmpi eq, %select_n3A, %select_n3A_54 : vector<16x16xi32>
    %ne3A_55 = arith.cmpi ne, %iota3A, %iota3A_0 : vector<16x16xi32>
    %and3A_56 = arith.andi %eq3A, %ne3A_55 : vector<16x16xi1>
    %convert_element_type3A = arith.extui %and3A_56 : vector<16x16xi1> to vector<16x16xi32>
    %convert_element_type3A_57 = arith.sitofp %convert_element_type3A : vector<16x16xi32> to vector<16x16xf32>
    %get3A = arith.constant 0 : index
    %get3A_58 = arith.constant 0 : index
    %get3A_59 = vector.load %arg4[%get3A, %get3A_58] : memref<160x128xf32, #tpu.memory_space<vmem>>, vector<160x128xf32>
    %get3A_60 = arith.constant 0 : index
    %get3A_61 = arith.constant 0 : index
    %get3A_62 = vector.load %arg1[%get3A_60, %get3A_61] : memref<160x128xf32, #tpu.memory_space<vmem>>, vector<160x128xf32>
    %get3A_63 = arith.constant 0 : index
    %get3A_64 = arith.constant 0 : index
    %get3A_65 = vector.load %arg2[%get3A_63, %get3A_64] : memref<160x128xf32, #tpu.memory_space<vmem>>, vector<160x128xf32>
    %add3A = arith.addf %get3A_62, %get3A_65 : vector<160x128xf32>
    %get3A_66 = arith.constant 0 : index
    %get3A_67 = arith.constant 0 : index
    %get3A_68 = vector.load %arg3[%get3A_66, %get3A_67] : memref<160x128xf32, #tpu.memory_space<vmem>>, vector<160x128xf32>
    %add3A_69 = arith.addf %add3A, %get3A_68 : vector<160x128xf32>
    %mul3A = arith.mulf %get3A_59, %add3A_69 : vector<160x128xf32>
    %get3A_70 = arith.constant 0 : index
    %get3A_71 = arith.constant 0 : index
    %get3A_72 = vector.load %arg6[%get3A_70, %get3A_71] : memref<1x2xf32, #tpu.memory_space<vmem>>, vector<1x2xf32>
    %concatenate3A = tpu.concatenate %get3A_72, %get3A_72, %get3A_72, %get3A_72, %get3A_72, %get3A_72, %get3A_72, %get3A_72 in 1 : vector<1x2xf32>, vector<1x2xf32>, vector<1x2xf32>, vector<1x2xf32>, vector<1x2xf32>, vector<1x2xf32>, vector<1x2xf32>, vector<1x2xf32> -> vector<1x16xf32>
    %get3A_73 = arith.constant 0 : index
    %get3A_74 = arith.constant 0 : index
    %get3A_75 = vector.load %arg5[%get3A_73, %get3A_74] : memref<128x16xf32, #tpu.memory_space<vmem>>, vector<128x16xf32>
    %dot_general3A = arith.constant dense<0.000000e+00> : vector<160x16xf32>
    %dot_general3A_76 = tpu.matmul %mul3A, %get3A_75, %dot_general3A {dimension_numbers = #tpu.dot_dimension_numbers<[1], [0], [0], [1], [0, 0, 1, 1], [], []>, precision = #tpu.contract_precision<fp32>, transpose_lhs_hint = false} : vector<160x128xf32>, vector<128x16xf32>, vector<160x16xf32> -> vector<160x16xf32>
    %add3A_77 = vector.broadcast %concatenate3A : vector<1x16xf32> to vector<160x16xf32>
    %add3A_78 = arith.addf %dot_general3A_76, %add3A_77 : vector<160x16xf32>
    %dot_general3A_79 = arith.constant dense<0.000000e+00> : vector<160x16xf32>
    %dot_general3A_80 = tpu.matmul %add3A_78, %convert_element_type3A_57, %dot_general3A_79 {dimension_numbers = #tpu.dot_dimension_numbers<[1], [0], [0], [1], [0, 0, 1, 1], [], []>, precision = #tpu.contract_precision<fp32>, transpose_lhs_hint = false} : vector<160x16xf32>, vector<16x16xf32>, vector<160x16xf32> -> vector<160x16xf32>
    %max3A = arith.maximumf %add3A_78, %dot_general3A_80 : vector<160x16xf32>
    %sub3A_81 = arith.subf %add3A_78, %max3A : vector<160x16xf32>
    %sub3A_82 = arith.subf %add3A_78, %max3A : vector<160x16xf32>
    %exp3A = math.exp %sub3A_82 : vector<160x16xf32>
    %sub3A_83 = arith.subf %dot_general3A_80, %max3A : vector<160x16xf32>
    %exp3A_84 = math.exp %sub3A_83 : vector<160x16xf32>
    %add3A_85 = arith.addf %exp3A, %exp3A_84 : vector<160x16xf32>
    %log3A = math.log %add3A_85 : vector<160x16xf32>
    %sub3A_86 = arith.subf %sub3A_81, %log3A : vector<160x16xf32>
    %swap3A = arith.constant 0 : index
    %swap3A_87 = arith.constant 0 : index
    %swap3A_88 = vector.load %arg7[%swap3A, %swap3A_87] : memref<160x16xf32, #tpu.memory_space<vmem>>, vector<160x16xf32>
    tpu.vector_store %arg7[%swap3A, %swap3A_87], %sub3A_86 {strides = array<i32>} : memref<160x16xf32, #tpu.memory_space<vmem>>, vector<160x16xf32>,
    return
  }
  func.func @transform_0(%arg0: i32) -> (i32, i32) {
    %c0_i32 = arith.constant 0 : i32
    %c0_i32_0 = arith.constant 0 : i32
    return %arg0, %c0_i32 : i32, i32
  }
  func.func @transform_1(%arg0: i32) -> (i32, i32) {
    %add3A = arith.constant 8 : i32
    %add3A_0 = arith.addi %arg0, %add3A : i32
    %c0_i32 = arith.constant 0 : i32
    %c0_i32_1 = arith.constant 0 : i32
    return %add3A_0, %c0_i32 : i32, i32
  }
  func.func @transform_2(%arg0: i32) -> (i32, i32) {
    %c0_i32 = arith.constant 0 : i32
    %c0_i32_0 = arith.constant 0 : i32
    return %arg0, %c0_i32 : i32, i32
  }
  func.func @transform_3(%arg0: i32) -> (i32, i32) {
    %c0_i32 = arith.constant 0 : i32
    %c0_i32_0 = arith.constant 0 : i32
    return %arg0, %c0_i32 : i32, i32
  }
  func.func @transform_4(%arg0: i32) -> (i32, i32) {
    %c0_i32 = arith.constant 0 : i32
    %c0_i32_0 = arith.constant 0 : i32
    %c0_i32_1 = arith.constant 0 : i32
    return %c0_i32, %c0_i32_0 : i32, i32
  }
  func.func @transform_5(%arg0: i32) -> (i32, i32) {
    %c0_i32 = arith.constant 0 : i32
    %c0_i32_0 = arith.constant 0 : i32
    %c0_i32_1 = arith.constant 0 : i32
    return %c0_i32, %c0_i32_0 : i32, i32
  }
  func.func @transform_6(%arg0: i32) -> (i32, i32) {
    %c0_i32 = arith.constant 0 : i32
    %c0_i32_0 = arith.constant 0 : i32
    return %arg0, %c0_i32 : i32, i32
  }
}

</mosaic_0001>

<sc_bundles>
// kernel: kernel.12.cloned.1.call-start
scs
__scs_entry_jumppad:
0x0: {  	(pc) =	sbr.rel $0x88, $3  }
0x1: {  	(tag) =	ssettag $0x0;
	lr =	simm.s32 $0x1  }
0x2: {  	[smem:$0x3F9B] =	sst lr;
	_ =	strace $0xD0000000  }
0x3: {  	_ = 	snop  }
0x4: {  	_ = 	snop  }
0x5: {  	_ = 	snop  }
0x6: {  	_ = 	snop  }
0x7: {  	_ = 	snop  }
__scs_overlays_trampoline_lowered:
0x8: {  	[smem:$0x3FAA] =	sst s0  }
0x9: {  	[smem:$0x3FAB] =	sst s1  }
0xa: {  	[smem:$0x3FAC] =	sst s2  }
0xb: {  	[smem:$0x3FAD] =	sst s3  }
0xc: {  	[smem:$0x3FAE] =	sst s4  }
0xd: {  	[smem:$0x3FAF] =	sst s5  }
0xe: {  	[smem:$0x3FB0] =	sst s6  }
0xf: {  	[smem:$0x3FB1] =	sst s7  }
0x10: {  	[smem:$0x3FB2] =	sst s8  }
0x11: {  	[smem:$0x3FB3] =	sst s9;
	s0 =	simm.s32 @!p0 $0x0  }
0x12: {  	s1 =	sld [smem:$0x3F99];
	s0 =	simm.s32 @p0 $0x1  }
0x13: {  	[smem:$0x3FB4] =	sst s0;
	s0 =	simm.s32 @!p1 $0x0  }
0x14: {  	s2 =	sld [smem:$0x3F98];
	s0 =	simm.s32 @p1 $0x1  }
0x15: {  	[smem:$0x3FB5] =	sst s0;
	s0 =	simm.s32 @!p2 $0x0  }
0x16: {  	s3 =	sld [smem:$0x3FDB];
	s0 =	simm.s32 @p2 $0x1  }
0x17: {  	s4 =	simm.s32 $0x1BF5;
	[smem:$0x3FB7] =	sst s0  }
0x18: {  	s0 =	sld [smem:$0x3F9A];
	_ =	swait.ge [sflag:s4], $0x0  }
0x19: {  	s7 =	sld [smem:$0x3F9B]  }
0x1a: {  	s8 =	sadd.s32 $0xFFFFE003, lr  }
0x1b: {  	s9 =	sadd.s32 $0xFFFFFEF7, lr;
	s5 =	simm.s32 $0xFFFFFFFF;
	p2 =	slt.u32 s8, $0xFFFFF086  }
0x1c: {  	p1 =	slt.u32 s9, $0xF7A;
	s5 =	simm.s32 @!p2 $0x0  }
0x1d: {  	s5 =	simm.s32 @p1 $0x1;
	p0 =	seq.s32 s7, s2  }
0x1e: {  	s7 =	smul.u32 @!p0 $0xF7A, s2;
	p2 =	seq.s32 @!p0 s5, $0x0  }
0x1f: {  	s9 =	smul.u32 $0xF7A, s1;
	s8 =	simm.s32 @!p0 $0x1BF5;
	p2 =	por !p2, p0  }
0x20: {  	[sflag:s8] =	ssyncset.s32 @!p0 $0xFFFFF086;
	s6 =	sadd.s32 @!p0 s3, s7;
	s7 =	simm.s32 @!p0 $0x108  }
0x21: {  	s3 =	sadd.s32 s3, s9;
	s6 =	sadd.s32 @!p0 $0x88, s6;
	s7 =	simm.s32 @p2 $0x1082  }
0x22: {  	[simem:s7], [sflag:s8] =	dma.local @!p0 [hbm:s6], $0xF7A  }
0x23: {  	s9 =	sor.u32 $0xD0000000, s2;
	s6 =	simm.s32 $0x108;
	_ =	swait.ge @!p0 [sflag:s8], $0x0  }
0x24: {  	s3 =	sadd.s32 $0x88, s3;
	s6 =	simm.s32 @!p1 $0x1082;
	[sflag:s4] =	ssyncset.s32 $0xFFFFF086  }
0x25: {  	[simem:s6], [sflag:s4] =	dma.local [hbm:s3], $0xF7A  }
0x26: {  	[smem:$0x3F9B] =	sst s1;
	(tag) =	ssettag s2;
	_ =	strace s9  }
0x27: {  	s1 =	sld [smem:$0x3FAB]  }
0x28: {  	s2 =	sld [smem:$0x3FAC]  }
0x29: {  	s4 =	sld [smem:$0x3FAE]  }
0x2a: {  	p0 =	seq.s32 s5, $0x0;
	s5 =	sld [smem:$0x3FAF]  }
0x2b: {  	s6 =	sld [smem:$0x3FB0]  }
0x2c: {  	s7 =	sld [smem:$0x3FB1]  }
0x2d: {  	s3 =	simm.s32 $0x108;
	s8 =	sld [smem:$0x3FB2]  }
0x2e: {  	s3 =	simm.s32 @!p0 $0x1082;
	s9 =	sld [smem:$0x3FB3]  }
0x2f: {  	lr =	sadd.s32 s0, s3;
	s0 =	sld [smem:$0x3FAA]  }
0x30: {  	s3 =	sld [smem:$0x3FAD]  }
0x31: {  	[smem:$0x3FB6] =	sst s10  }
0x32: {  	s10 =	sld [smem:$0x3FB4];
	_ =	sdelay $0x3  }
0x33: {  	p0 =	seq.s32 s10, $0x1;
	s10 =	sld [smem:$0x3FB6];
	_ =	sdelay $0x3  }
0x34: {  	[smem:$0x3FB6] =	sst s10  }
0x35: {  	s10 =	sld [smem:$0x3FB5];
	_ =	sdelay $0x3  }
0x36: {  	p1 =	seq.s32 s10, $0x1;
	s10 =	sld [smem:$0x3FB6];
	_ =	sdelay $0x3  }
0x37: {  	[smem:$0x3FB6] =	sst s10  }
0x38: {  	s10 =	sld [smem:$0x3FB7]  }
0x39: {  	_ = 	snop;
	(pc) =	sbr.ind lr, $3  }
0x3a: {  	_ = 	snop  }
0x3b: {  	_ = 	snop  }
0x3c: {  	p2 =	seq.s32 s10, $0x1;
	s10 =	sld [smem:$0x3FB6]  }
0x3d: {  	_ =	shalt  }
0x3e: {  	_ =	shalt  }
0x3f: {  	_ =	shalt  }
0x40: {  	_ =	shalt  }
0x41: {  	_ =	shalt  }
0x42: {  	_ =	shalt  }
0x43: {  	_ =	shalt  }
0x44: {  	_ =	shalt  }
0x45: {  	_ =	shalt  }
0x46: {  	_ =	shalt  }
0x47: {  	_ =	shalt  }
0x48: {  	_ =	shalt  }
0x49: {  	_ =	shalt  }
0x4a: {  	_ =	shalt  }
0x4b: {  	_ =	shalt  }
0x4c: {  	_ =	shalt  }
0x4d: {  	_ =	shalt  }
0x4e: {  	_ =	shalt  }
0x4f: {  	_ =	shalt  }
0x50: {  	_ =	shalt  }
0x51: {  	_ =	shalt  }
0x52: {  	_ =	shalt  }
0x53: {  	_ =	shalt  }
0x54: {  	_ =	shalt  }
0x55: {  	_ =	shalt  }
0x56: {  	_ =	shalt  }
0x57: {  	_ =	shalt  }
0x58: {  	_ =	shalt  }
0x59: {  	_ =	shalt  }
0x5a: {  	_ =	shalt  }
0x5b: {  	_ =	shalt  }
0x5c: {  	_ =	shalt  }
0x5d: {  	_ =	shalt  }
0x5e: {  	_ =	shalt  }
0x5f: {  	_ =	shalt  }
0x60: {  	_ =	shalt  }
0x61: {  	_ =	shalt  }
0x62: {  	_ =	shalt  }
0x63: {  	_ =	shalt  }
0x64: {  	_ =	shalt  }
0x65: {  	_ =	shalt  }
0x66: {  	_ =	shalt  }
0x67: {  	_ =	shalt  }
0x68: {  	_ =	shalt  }
0x69: {  	_ =	shalt  }
0x6a: {  	_ =	shalt  }
0x6b: {  	_ =	shalt  }
0x6c: {  	_ =	shalt  }
0x6d: {  	_ =	shalt  }
0x6e: {  	_ =	shalt  }
0x6f: {  	_ =	shalt  }
0x70: {  	_ =	shalt  }
0x71: {  	_ =	shalt  }
0x72: {  	_ =	shalt  }
0x73: {  	_ =	shalt  }
0x74: {  	_ =	shalt  }
0x75: {  	_ =	shalt  }
0x76: {  	_ =	shalt  }
0x77: {  	_ =	shalt  }
0x78: {  	_ =	shalt  }
0x79: {  	_ =	shalt  }
0x7a: {  	_ =	shalt  }
0x7b: {  	_ =	shalt  }
0x7c: {  	_ =	shalt  }
0x7d: {  	_ =	shalt  }
0x7e: {  	_ =	shalt  }
0x7f: {  	_ =	shalt  }
0x80: {  	_ =	shalt  }
0x81: {  	_ =	shalt  }
0x82: {  	_ =	shalt  }
0x83: {  	_ =	shalt  }
0x84: {  	_ =	shalt  }
0x85: {  	_ =	shalt  }
0x86: {  	_ =	shalt  }
0x87: {  	_ =	shalt  }
.Lfunc_end0:
.L_simem_size_0:
called_computation.1_lowered:
.L_overlay_start_0:
0x88: {  	s2 =	sld [smem:$0x3FD9]  }
0x89: {  	s3 =	sld [smem:$0x3FFE];
	_ =	sdelay $0x1  }
0x8a: {  	s1 =	srdreg.scid  }
0x8b: {  	s0 =	sand.u32 $0x1, s1  }
0x8c: {  	s16 =	sshll.u32 s0, $0xA;
	s2 =	sadd.s32 s3, s2  }
0x8d: {  	s2 =	sadd.s32 s2, s16  }
0x8e: {  	[smem:$0x3FC2] =	sst s2  }
0x8f: {  	_ = 	snop  }
0x90: {  	(tm) =	ssettm $0x1  }
0x91: {  	s17 =	sld [smem:$0x3FFB];
	_ =	sdelay $0x3  }
0x92: {  	_ =	strace s17  }
0x93: {  	s2 =	sld [smem:$0x3FFC];
	_ =	sdelay $0x3  }
0x94: {  	_ =	strace s2  }
0x95: {  	s2 =	sld [smem:$0x3FFD];
	_ =	sdelay $0x3  }
0x96: {  	_ =	strace s2  }
0x97: {  	_ =	strace $0x8FFFFFFF  }
0x98: {  	s18 =	sld [smem:$0x3FDB];
	_ =	sdelay $0x1  }
0x99: {  	s19 =	simm.s32 $_scs_section_size  }
0x9a: {  	s4 =	simm.s32 $_size__tile_overlayer_lowered;
	s5 =	simm.s32 $_tile_overlayer_lowered  }
0x9b: {  	s22 =	simm.s32 $0x1BFF;
	s21 =	sshll.u32 s5, $0x1;
	s2 =	sadd.s32 s19, s18  }
0x9c: {  	s6 =	simm.s32 $0x0;
	s20 =	sshll.u32 s4, $0x1;
	s4 =	sadd.s32 s21, s2  }
0x9d: {  	[timem:s6], [sflag:s22] =	dma.local [hbm:s4], s20  }
0x9e: {  	_ =	swait.ge [sflag:s22], s20  }
0x9f: {  	s3 =	ssub.s32 $0x0, s20;
	[sflag:s22] =	ssyncset.done $0x0  }
0xa0: {  	[sflag:s22] =	ssyncadd.s32 s3;
	_ =	sdelay $0x1  }
0xa1: {  	s23 =	simm.s32 $0x1B8B  }
0xa2: {  	_ =	swait.ge [sflag:s23], $0x1  }
0xa3: {  	[sflag:s23] =	ssyncset.done $0x0  }
0xa4: {  	s25 =	simm.s32 $0x1B8E;
	s24 =	sld [smem:$0x3FFE];
	[sflag:s23] =	ssyncadd.s32 $0xFFFFFFFF  }
0xa5: {  	s26 =	simm.s32 $execute0_lowered;
	[smem:$0x3FD2] =	sst s25  }
0xa6: {  	s4 =	sshll.u32 s26, $0x1;
	_ =	strace $0x80000049;
	[dreg:$0x1] =	wrdreg $0xFFFFFFFF  }
0xa7: {  	s28 =	simm.s32 $_size_execute0_lowered;
	s2 =	sadd.s32 s2, s4;
	[dreg:$0x0] =	wrdreg $0x0  }
0xa8: {  	s4 =	sshll.u32 s28, $0x1;
	[dreg:$0x2] =	wrdreg s2  }
0xa9: {  	[dreg:$0x3] =	wrdreg s4  }
0xaa: {  	[dreg:$0x4] =	wrdreg $0xC0  }
0xab: {  	_ =	task [dreg:s6], $0x5FFFF  }
0xac: {  	[dreg:$0x1] =	wrdreg $0xFFFFFFFF  }
0xad: {  	[dreg:$0x0] =	wrdreg $0x60  }
0xae: {  	[dreg:$0x2] =	wrdreg s24  }
0xaf: {  	[dreg:$0x3] =	wrdreg $0x198200  }
0xb0: {  	[dreg:$0x4] =	wrdreg $0x170200  }
0xb1: {  	[dreg:$0x5] =	wrdreg $0x9  }
0xb2: {  	_ =	task.clear_ibuf [dreg:s6], $0x6FFFF;
	_ =	strace $0x90000049  }
0xb3: {  	s29 =	simm.s32 $0x9;
	_ =	strace $0x8000004B  }
0xb4: {  	_ =	swait.ge [sflag:s29], $0x1  }
0xb5: {  	[sflag:s29] =	ssyncadd.s32 $0xFFFFFFFF  }
0xb6: {  	_ =	strace $0x9000004B  }
0xb7: {  	_ =	sfence  }
0xb8: {  	s30 =	sld [smem:$0x0];
	_ =	sdelay $0x2  }
0xb9: {  	s31 =	sshll.u32 s1, $0xD;
	s1 =	sshrl.u32 s1, $0x2  }
0xba: {  	s3 =	sand.u32 $0x4000, s31;
	s1 =	sadd.s32 s1, s30  }
0xbb: {  	s0 =	sor.u32 s3, s0;
	s1 =	sshll.u32 s1, $0x11  }
0xbc: {  	s0 =	sor.u32 s1, s0  }
0xbd: {  	s0 =	sadd.s32 $0x8F2B, s0  }
0xbe: {  	[sflag:s0] =	ssyncadd.remote.s32 $0x1  }
0xbf: {  	_ =	sfence.sel $0xFFFF  }
0xc0: {  	[dreg:$0x0] =	wrdreg $0xFFFFFFFF;
	(pc) =	sbr.abs _section_cstart, $3  }
0xc1: {  	[dreg:$0x1] =	wrdreg $0xFFFFFFFF  }
0xc2: {  	_ =	task.clear_ibuf [dreg:s6], $0x2FFFF;
	_ =	strace $0x9FFFFFFF  }
0xc3: {  	(tm) =	ssettm $0x7FFFFFFF  }
tec
execute0_lowered:
.L_overlay_start_1:
0x0: {  	(tag) =	ssettag $0x1  }
0x1: {  	s0 =	srdreg.scid;
	s1 =	rddreg [dreg:$0x0]  }
0x2: {  	s11 =	stileid.u32;
	s2 =	rddreg [dreg:$0x1];
	s13 =	simm.s32 $0x2710  }
0x3: {  	s16 =	simm.s32 $0x7;
	s17 =	simm.s32 $0x1;
	s18 =	simm.s32 $0x2  }
0x4: {  	s19 =	simm.s32 $0x7D0;
	s20 =	simm.s32 $0x4E20;
	s21 =	simm.s32 $0x3  }
0x5: {  	s22 =	simm.s32 $0xCB20;
	s23 =	simm.s32 $0x4;
	s24 =	simm.s32 $0x5  }
0x6: {  	s28 =	simm.s32 $0x6;
	s29 =	simm.s32 $0x1770;
	s7 =	smul.u32 $0x2710, s11  }
0x7: {  	s30 =	simm.s32 $0x36B0;
	s31 =	simm.s32 $0x1F40;
	s9 =	smul.u32 $0x500, s11  }
0x8: {  	s15 =	simm.s32 $0x0;
	s0 =	sand.u32 $0x1, s0;
	s10 =	smul.u32 $0xA000, s11  }
0x9: {  	s3 =	sshll.u32 s0, $0x4;
	s6 =	smul.u32 $0x5000, s0;
	s0 =	ssub.s32 $0x2, s0  }
0xa: {  	s4 =	sor.u32 s11, s3;
	s3 =	rddreg [dreg:$0x2];
	s8 =	sshrl.u32 s7, $0x3  }
0xb: {  	s26 =	sshrl.u32 s0, $0x1;
	s14 =	sadd.s32 s7, s2;
	s7 =	sshll.u32 s11, $0x6  }
0xc: {  	s10 =	sshrl.u32 s10, $0x2;
	s5 =	smul.u32 $0x2710, s4;
	s4 =	simm.s32 $0x0  }
0xd: {  	s8 =	sadd.s32 s8, s1;
	s6 =	sadd.s32 s9, s6;
	s0 =	ssub.s32 s0, s26  }
0xe: {  	s9 =	sor.u32 $0x1C02, s7;
	s10 =	sadd.s32 s10, s3;
	s14 =	sshrl.u32 s14, $0x3  }
0xf: {  	[smem:$0x7FF] =	sst s4;
	s8 =	sadd.s32 $0x16400, s8;
	s5 =	sshrl.u32 s5, $0x3  }
0x10: {  	s12 =	smax.u32 s0, $0x1;
	s0 =	simm.s32 $0x4650;
	s25 =	sadd.s32 s5, s1  }
0x11: {  	_ =	strace $0x8000004A;
	s1 =	sadd.s32 s6, s1;
	s5 =	sadd.s32 $0x2A00, s25  }
0x12: {  	v0 =	vimm.f32 $0.0e+00;
	s6 =	sadd.s32 $0xC640, s25;
	s11 =	sadd.s32 $0x1B400, s1;
	s1 =	simm.s32 $0x3E80  }
.LBB2_1:
0x13: {  	[tilespmem:s4], [sflag:$0x1] =	stream.linear.gather [hbm4b:s5+s4], $0x2710, $0x38;
	[tilespmem:$0x1BF30] =	vst v63  }
0x14: {  	s25 =	simm.s32 $0x40;
	s26 =	simm.s32 $0x0  }
0x15: {  	[tilespmem:s13], [sflag:$0x1] =	stream.linear.gather [hbm4b:s6+s4], $0x2710, $0x38;
	[tilespmem:$0x1BF30] =	vst v63  }
0x16: {  	[spmem:s14], [sflag:s9] =	dma.local [hbm:s8], $0x4E2  }
.LBB2_2:
0x17: {  	p0 =	sne.s32 s25, $0x9FC0;
	[tilespmem:s26+$0x14820] =	vst v0;
	s26 =	smov.u32 s25;
	s25 =	sadd.s32 $0x40, s25  }
.Ltmp0:
0x18: {  	(pc) =	sbr.rel @p0 .LBB2_2-.Ltmp0, $2  }
0x19: {  	_ =	sdelay $0x2  }
0x1a: {  	s26 =	sshra.s32 s26, $0x2  }
0x1b: {  	[tilespmem:s26+$0x14820] =	vst v0;
	s25 =	simm.s32 $0x14820  }
0x1c: {  	[spmem:s10] =	stream.linear.scatter [tilespmem:s25], [sflag:$0x7], $0x2800, $0x38;
	[tilespmem:$0x1BF30] =	vst v63  }
0x1d: {  	_ =	swait.ge [sflag:s16], $0x2800  }
0x1e: {  	[sflag:s16] =	ssyncset.done $0x0  }
0x1f: {  	[sflag:s16] =	ssyncadd.s32 $0xFFFFD800  }
0x20: {  	_ =	swait.ge [sflag:s17], $0x2710  }
0x21: {  	[sflag:s17] =	ssyncset.done $0x0  }
0x22: {  	[sflag:s17] =	ssyncadd.s32 $0xFFFFD8F0  }
0x23: {  	_ =	swait.ge [sflag:s17], $0x2710  }
0x24: {  	[sflag:s17] =	ssyncset.done $0x0  }
0x25: {  	[sflag:s17] =	ssyncadd.s32 $0xFFFFD8F0  }
0x26: {  	_ =	swait.ge [sflag:s18], $0x4E2  }
0x27: {  	[sflag:s18] =	ssyncset.done $0x0  }
0x28: {  	[sflag:s18] =	ssyncadd.s32 $0xFFFFFB1E  }
0x29: {  	[bflag:$0x0] =	sbarrier.arrive $0xFFFF  }
0x2a: {  	[tilespmem:s20], [sflag:$0x3] =	stream.indirect.gather [spmem:s2], $0x10, s4, s19, $0xb8;
	[tilespmem:$0x1BF30] =	vst v63  }
0x2b: {  	_ =	swait.ge [sflag:s21], $0x7D00  }
0x2c: {  	[sflag:s21] =	ssyncset.done $0x0  }
0x2d: {  	[sflag:s21] =	ssyncadd.s32 $0xFFFF8300  }
0x2e: {  	[tilespmem:s22], [sflag:$0x4] =	stream.indirect.gather [spmem:s2], $0x10, s19, s19, $0xb8;
	[tilespmem:$0x1BF30] =	vst v63  }
0x2f: {  	_ = 	snop  }
0x30: {  	[spmem:s3] =	stream.indirect.scatter.add.f32 [tilespmem:s20], [sflag:$0x5], $0x10, s13, s19, $0xb8;
	[tilespmem:$0x1BF30] =	vst v63  }
0x31: {  	_ =	swait.ge [sflag:s23], $0x7D00  }
0x32: {  	[sflag:s23] =	ssyncset.done $0x0  }
0x33: {  	[sflag:s23] =	ssyncadd.s32 $0xFFFF8300  }
0x34: {  	_ =	swait.ge [sflag:s24], $0x7D00  }
0x35: {  	[sflag:s24] =	ssyncset.done $0x0  }
0x36: {  	s26 =	simm.s32 $0xFA0;
	[sflag:s24] =	ssyncadd.s32 $0xFFFF8300  }
0x37: {  	[tilespmem:s20], [sflag:$0x3] =	stream.indirect.gather [spmem:s2], $0x10, s26, s19, $0xb8;
	[tilespmem:$0x1BF30] =	vst v63  }
0x38: {  	s26 =	simm.s32 $0x2EE0  }
0x39: {  	[spmem:s3] =	stream.indirect.scatter.add.f32 [tilespmem:s22], [sflag:$0x6], $0x10, s26, s19, $0xb8;
	[tilespmem:$0x1BF30] =	vst v63  }
0x3a: {  	_ =	swait.ge [sflag:s21], $0x7D00  }
0x3b: {  	[sflag:s21] =	ssyncset.done $0x0  }
0x3c: {  	[sflag:s21] =	ssyncadd.s32 $0xFFFF8300  }
0x3d: {  	_ =	swait.ge [sflag:s28], $0x7D00  }
0x3e: {  	[sflag:s28] =	ssyncset.done $0x0  }
0x3f: {  	[sflag:s28] =	ssyncadd.s32 $0xFFFF8300  }
0x40: {  	[tilespmem:s22], [sflag:$0x4] =	stream.indirect.gather [spmem:s2], $0x10, s29, s19, $0xb8;
	[tilespmem:$0x1BF30] =	vst v63  }
0x41: {  	_ = 	snop  }
0x42: {  	[spmem:s3] =	stream.indirect.scatter.add.f32 [tilespmem:s20], [sflag:$0x5], $0x10, s30, s19, $0xb8;
	[tilespmem:$0x1BF30] =	vst v63  }
0x43: {  	_ =	swait.ge [sflag:s23], $0x7D00  }
0x44: {  	[sflag:s23] =	ssyncset.done $0x0  }
0x45: {  	[sflag:s23] =	ssyncadd.s32 $0xFFFF8300  }
0x46: {  	_ =	swait.ge [sflag:s24], $0x7D00  }
0x47: {  	[sflag:s24] =	ssyncset.done $0x0  }
0x48: {  	[sflag:s24] =	ssyncadd.s32 $0xFFFF8300  }
0x49: {  	[tilespmem:s20], [sflag:$0x3] =	stream.indirect.gather [spmem:s2], $0x10, s31, s19, $0xb8;
	[tilespmem:$0x1BF30] =	vst v63  }
0x4a: {  	_ = 	snop  }
0x4b: {  	[spmem:s3] =	stream.indirect.scatter.add.f32 [tilespmem:s22], [sflag:$0x6], $0x10, s1, s19, $0xb8;
	[tilespmem:$0x1BF30] =	vst v63  }
0x4c: {  	_ =	swait.ge [sflag:s21], $0x7D00  }
0x4d: {  	[sflag:s21] =	ssyncset.done $0x0  }
0x4e: {  	[sflag:s21] =	ssyncadd.s32 $0xFFFF8300  }
0x4f: {  	_ =	swait.ge [sflag:s28], $0x7D00  }
0x50: {  	[sflag:s28] =	ssyncset.done $0x0  }
0x51: {  	[sflag:s28] =	ssyncadd.s32 $0xFFFF8300  }
0x52: {  	[spmem:s3] =	stream.indirect.scatter.add.f32 [tilespmem:s20], [sflag:$0x5], $0x10, s0, s19, $0xb8;
	[tilespmem:$0x1BF30] =	vst v63  }
0x53: {  	_ =	swait.ge [sflag:s24], $0x7D00  }
0x54: {  	s15 =	sadd.s32 $0x1, s15;
	[sflag:s24] =	ssyncset.done $0x0  }
0x55: {  	s25 =	sor.u32 $0x1C07, s7;
	p0 =	sne.s32 s15, s12;
	[sflag:s24] =	ssyncadd.s32 $0xFFFF8300  }
.Ltmp1:
0x56: {  	s26 =	sshrl.u32 s10, $0x3;
	[bflag:$0x0] =	sbarrier.arrive $0xFFFF;
	(pc) =	sbr.rel @p0 .LBB2_1-.Ltmp1, $4  }
0x57: {  	[hbm:s11], [sflag:s25] =	dma.local [spmem:s26], $0x500  }
0x58: {  	_ =	swait.ge [sflag:s16], $0x500  }
0x59: {  	[sflag:s16] =	ssyncset.done $0x0  }
0x5a: {  	[sflag:s16] =	ssyncadd.s32 $0xFFFFFB00  }
0x5b: {  	_ =	sfence.sel $0x180000  }
0x5c: {  	[bflag:$0x0] =	sbarrier.arrive $0xFFFF  }
0x5d: {  	_ =	strace $0x9000004A  }
0x5e: {  	s0 =	stileid.u32;
	[bflag:$0x2] =	sbarrier.arrive $0xFFFF  }
0x5f: {  	p0 =	sne.s32 s0, $0x0;
	s0 =	rddreg [dreg:$0x3]  }
0x60: {  	s0 =	sadd.s32 @!p0 $0x100000, s0  }
0x61: {  	[sflag:s0] =	ssyncadd.tile.s32 @!p0 $0x1;
	_ =	shalt  }
.Lfunc_end2:
_tile_overlayer_lowered:
.L_overlay_start_2:
0x62: {  	(tag) =	ssettag $0x2  }
0x63: {  	s0 =	rddreg [dreg:$0x0];
	s2 =	stileid.u32  }
0x64: {  	s1 =	rddreg [dreg:$0x1];
	p0 =	sne.s32 s2, $0x0  }
0x65: {  	s3 =	rddreg [dreg:$0x2];
	[bflag:$0x3] =	sbarrier.arrive $0xFFFF;
	s2 =	simm.s32 @!p0 $0x1C07  }
0x66: {  	[timem:s3], [sflag:s2] =	dma.local @!p0 [hbm:s0], s1  }
0x67: {  	s0 =	simm.s32 @!p0 $0x7  }
0x68: {  	_ =	swait.ge @!p0 [sflag:s0], s1  }
0x69: {  	s1 =	ssub.s32 @!p0 $0x0, s1;
	[sflag:s0] =	ssyncset.done @!p0 $0x0  }
0x6a: {  	[sflag:s0] =	ssyncadd.s32 @!p0 s1  }
0x6b: {  	[bflag:$0x3] =	sbarrier.arrive $0xFFFF  }
0x6c: {  	_ =	shalt  }

// kernel: kernel.15.cloned.1.call-start
scs
__scs_entry_jumppad:
0x0: {  	(pc) =	sbr.rel $0x88, $3  }
0x1: {  	(tag) =	ssettag $0x0;
	lr =	simm.s32 $0x1  }
0x2: {  	[smem:$0x3F9B] =	sst lr;
	_ =	strace $0xD0000000  }
0x3: {  	_ = 	snop  }
0x4: {  	_ = 	snop  }
0x5: {  	_ = 	snop  }
0x6: {  	_ = 	snop  }
0x7: {  	_ = 	snop  }
__scs_overlays_trampoline_lowered:
0x8: {  	[smem:$0x3FAA] =	sst s0  }
0x9: {  	[smem:$0x3FAB] =	sst s1  }
0xa: {  	[smem:$0x3FAC] =	sst s2  }
0xb: {  	[smem:$0x3FAD] =	sst s3  }
0xc: {  	[smem:$0x3FAE] =	sst s4  }
0xd: {  	[smem:$0x3FAF] =	sst s5  }
0xe: {  	[smem:$0x3FB0] =	sst s6  }
0xf: {  	[smem:$0x3FB1] =	sst s7  }
0x10: {  	[smem:$0x3FB2] =	sst s8  }
0x11: {  	[smem:$0x3FB3] =	sst s9;
	s0 =	simm.s32 @!p0 $0x0  }
0x12: {  	s1 =	sld [smem:$0x3F99];
	s0 =	simm.s32 @p0 $0x1  }
0x13: {  	[smem:$0x3FB4] =	sst s0;
	s0 =	simm.s32 @!p1 $0x0  }
0x14: {  	s2 =	sld [smem:$0x3F98];
	s0 =	simm.s32 @p1 $0x1  }
0x15: {  	[smem:$0x3FB5] =	sst s0;
	s0 =	simm.s32 @!p2 $0x0  }
0x16: {  	s3 =	sld [smem:$0x3FDB];
	s0 =	simm.s32 @p2 $0x1  }
0x17: {  	s4 =	simm.s32 $0x1BF5;
	[smem:$0x3FB7] =	sst s0  }
0x18: {  	s0 =	sld [smem:$0x3F9A];
	_ =	swait.ge [sflag:s4], $0x0  }
0x19: {  	s7 =	sld [smem:$0x3F9B]  }
0x1a: {  	s8 =	sadd.s32 $0xFFFFE003, lr  }
0x1b: {  	s9 =	sadd.s32 $0xFFFFFEF7, lr;
	s5 =	simm.s32 $0xFFFFFFFF;
	p2 =	slt.u32 s8, $0xFFFFF086  }
0x1c: {  	p1 =	slt.u32 s9, $0xF7A;
	s5 =	simm.s32 @!p2 $0x0  }
0x1d: {  	s5 =	simm.s32 @p1 $0x1;
	p0 =	seq.s32 s7, s2  }
0x1e: {  	s7 =	smul.u32 @!p0 $0xF7A, s2;
	p2 =	seq.s32 @!p0 s5, $0x0  }
0x1f: {  	s9 =	smul.u32 $0xF7A, s1;
	s8 =	simm.s32 @!p0 $0x1BF5;
	p2 =	por !p2, p0  }
0x20: {  	[sflag:s8] =	ssyncset.s32 @!p0 $0xFFFFF086;
	s6 =	sadd.s32 @!p0 s3, s7;
	s7 =	simm.s32 @!p0 $0x108  }
0x21: {  	s3 =	sadd.s32 s3, s9;
	s6 =	sadd.s32 @!p0 $0x88, s6;
	s7 =	simm.s32 @p2 $0x1082  }
0x22: {  	[simem:s7], [sflag:s8] =	dma.local @!p0 [hbm:s6], $0xF7A  }
0x23: {  	s9 =	sor.u32 $0xD0000000, s2;
	s6 =	simm.s32 $0x108;
	_ =	swait.ge @!p0 [sflag:s8], $0x0  }
0x24: {  	s3 =	sadd.s32 $0x88, s3;
	s6 =	simm.s32 @!p1 $0x1082;
	[sflag:s4] =	ssyncset.s32 $0xFFFFF086  }
0x25: {  	[simem:s6], [sflag:s4] =	dma.local [hbm:s3], $0xF7A  }
0x26: {  	[smem:$0x3F9B] =	sst s1;
	(tag) =	ssettag s2;
	_ =	strace s9  }
0x27: {  	s1 =	sld [smem:$0x3FAB]  }
0x28: {  	s2 =	sld [smem:$0x3FAC]  }
0x29: {  	s4 =	sld [smem:$0x3FAE]  }
0x2a: {  	p0 =	seq.s32 s5, $0x0;
	s5 =	sld [smem:$0x3FAF]  }
0x2b: {  	s6 =	sld [smem:$0x3FB0]  }
0x2c: {  	s7 =	sld [smem:$0x3FB1]  }
0x2d: {  	s3 =	simm.s32 $0x108;
	s8 =	sld [smem:$0x3FB2]  }
0x2e: {  	s3 =	simm.s32 @!p0 $0x1082;
	s9 =	sld [smem:$0x3FB3]  }
0x2f: {  	lr =	sadd.s32 s0, s3;
	s0 =	sld [smem:$0x3FAA]  }
0x30: {  	s3 =	sld [smem:$0x3FAD]  }
0x31: {  	[smem:$0x3FB6] =	sst s10  }
0x32: {  	s10 =	sld [smem:$0x3FB4];
	_ =	sdelay $0x3  }
0x33: {  	p0 =	seq.s32 s10, $0x1;
	s10 =	sld [smem:$0x3FB6];
	_ =	sdelay $0x3  }
0x34: {  	[smem:$0x3FB6] =	sst s10  }
0x35: {  	s10 =	sld [smem:$0x3FB5];
	_ =	sdelay $0x3  }
0x36: {  	p1 =	seq.s32 s10, $0x1;
	s10 =	sld [smem:$0x3FB6];
	_ =	sdelay $0x3  }
0x37: {  	[smem:$0x3FB6] =	sst s10  }
0x38: {  	s10 =	sld [smem:$0x3FB7]  }
0x39: {  	_ = 	snop;
	(pc) =	sbr.ind lr, $3  }
0x3a: {  	_ = 	snop  }
0x3b: {  	_ = 	snop  }
0x3c: {  	p2 =	seq.s32 s10, $0x1;
	s10 =	sld [smem:$0x3FB6]  }
0x3d: {  	_ =	shalt  }
0x3e: {  	_ =	shalt  }
0x3f: {  	_ =	shalt  }
0x40: {  	_ =	shalt  }
0x41: {  	_ =	shalt  }
0x42: {  	_ =	shalt  }
0x43: {  	_ =	shalt  }
0x44: {  	_ =	shalt  }
0x45: {  	_ =	shalt  }
0x46: {  	_ =	shalt  }
0x47: {  	_ =	shalt  }
0x48: {  	_ =	shalt  }
0x49: {  	_ =	shalt  }
0x4a: {  	_ =	shalt  }
0x4b: {  	_ =	shalt  }
0x4c: {  	_ =	shalt  }
0x4d: {  	_ =	shalt  }
0x4e: {  	_ =	shalt  }
0x4f: {  	_ =	shalt  }
0x50: {  	_ =	shalt  }
0x51: {  	_ =	shalt  }
0x52: {  	_ =	shalt  }
0x53: {  	_ =	shalt  }
0x54: {  	_ =	shalt  }
0x55: {  	_ =	shalt  }
0x56: {  	_ =	shalt  }
0x57: {  	_ =	shalt  }
0x58: {  	_ =	shalt  }
0x59: {  	_ =	shalt  }
0x5a: {  	_ =	shalt  }
0x5b: {  	_ =	shalt  }
0x5c: {  	_ =	shalt  }
0x5d: {  	_ =	shalt  }
0x5e: {  	_ =	shalt  }
0x5f: {  	_ =	shalt  }
0x60: {  	_ =	shalt  }
0x61: {  	_ =	shalt  }
0x62: {  	_ =	shalt  }
0x63: {  	_ =	shalt  }
0x64: {  	_ =	shalt  }
0x65: {  	_ =	shalt  }
0x66: {  	_ =	shalt  }
0x67: {  	_ =	shalt  }
0x68: {  	_ =	shalt  }
0x69: {  	_ =	shalt  }
0x6a: {  	_ =	shalt  }
0x6b: {  	_ =	shalt  }
0x6c: {  	_ =	shalt  }
0x6d: {  	_ =	shalt  }
0x6e: {  	_ =	shalt  }
0x6f: {  	_ =	shalt  }
0x70: {  	_ =	shalt  }
0x71: {  	_ =	shalt  }
0x72: {  	_ =	shalt  }
0x73: {  	_ =	shalt  }
0x74: {  	_ =	shalt  }
0x75: {  	_ =	shalt  }
0x76: {  	_ =	shalt  }
0x77: {  	_ =	shalt  }
0x78: {  	_ =	shalt  }
0x79: {  	_ =	shalt  }
0x7a: {  	_ =	shalt  }
0x7b: {  	_ =	shalt  }
0x7c: {  	_ =	shalt  }
0x7d: {  	_ =	shalt  }
0x7e: {  	_ =	shalt  }
0x7f: {  	_ =	shalt  }
0x80: {  	_ =	shalt  }
0x81: {  	_ =	shalt  }
0x82: {  	_ =	shalt  }
0x83: {  	_ =	shalt  }
0x84: {  	_ =	shalt  }
0x85: {  	_ =	shalt  }
0x86: {  	_ =	shalt  }
0x87: {  	_ =	shalt  }
.Lfunc_end0:
.L_simem_size_0:
called_computation.2_lowered:
.L_overlay_start_0:
0x88: {  	s2 =	sld [smem:$0x3FD9]  }
0x89: {  	s3 =	sld [smem:$0x3FFE];
	_ =	sdelay $0x1  }
0x8a: {  	s1 =	srdreg.scid  }
0x8b: {  	s0 =	sand.u32 $0x1, s1  }
0x8c: {  	s16 =	sshll.u32 s0, $0xA;
	s2 =	sadd.s32 s3, s2  }
0x8d: {  	s2 =	sadd.s32 s2, s16  }
0x8e: {  	[smem:$0x3FC2] =	sst s2  }
0x8f: {  	_ = 	snop  }
0x90: {  	(tm) =	ssettm $0x1  }
0x91: {  	s17 =	sld [smem:$0x3FFB];
	_ =	sdelay $0x3  }
0x92: {  	_ =	strace s17  }
0x93: {  	s2 =	sld [smem:$0x3FFC];
	_ =	sdelay $0x3  }
0x94: {  	_ =	strace s2  }
0x95: {  	s2 =	sld [smem:$0x3FFD];
	_ =	sdelay $0x3  }
0x96: {  	_ =	strace s2  }
0x97: {  	_ =	strace $0x8FFFFFFF  }
0x98: {  	s18 =	sld [smem:$0x3FDB];
	_ =	sdelay $0x1  }
0x99: {  	s19 =	simm.s32 $_scs_section_size  }
0x9a: {  	s4 =	simm.s32 $_size__tile_overlayer_lowered;
	s5 =	simm.s32 $_tile_overlayer_lowered  }
0x9b: {  	s22 =	simm.s32 $0x1BFF;
	s21 =	sshll.u32 s5, $0x1;
	s2 =	sadd.s32 s19, s18  }
0x9c: {  	s6 =	simm.s32 $0x0;
	s20 =	sshll.u32 s4, $0x1;
	s4 =	sadd.s32 s21, s2  }
0x9d: {  	[timem:s6], [sflag:s22] =	dma.local [hbm:s4], s20  }
0x9e: {  	_ =	swait.ge [sflag:s22], s20  }
0x9f: {  	s3 =	ssub.s32 $0x0, s20;
	[sflag:s22] =	ssyncset.done $0x0  }
0xa0: {  	[sflag:s22] =	ssyncadd.s32 s3;
	_ =	sdelay $0x1  }
0xa1: {  	s23 =	simm.s32 $0x1B8B  }
0xa2: {  	_ =	swait.ge [sflag:s23], $0x1  }
0xa3: {  	[sflag:s23] =	ssyncset.done $0x0  }
0xa4: {  	s25 =	simm.s32 $0x1B8E;
	s24 =	sld [smem:$0x3FFE];
	[sflag:s23] =	ssyncadd.s32 $0xFFFFFFFF  }
0xa5: {  	s26 =	simm.s32 $execute0_lowered;
	[smem:$0x3FD2] =	sst s25  }
0xa6: {  	s4 =	sshll.u32 s26, $0x1;
	_ =	strace $0x8000004C;
	[dreg:$0x1] =	wrdreg $0xFFFFFFFF  }
0xa7: {  	s28 =	simm.s32 $_size_execute0_lowered;
	s2 =	sadd.s32 s2, s4;
	[dreg:$0x0] =	wrdreg $0x0  }
0xa8: {  	s4 =	sshll.u32 s28, $0x1;
	[dreg:$0x2] =	wrdreg s2  }
0xa9: {  	[dreg:$0x3] =	wrdreg s4  }
0xaa: {  	[dreg:$0x4] =	wrdreg $0xC0  }
0xab: {  	_ =	task [dreg:s6], $0x5FFFF  }
0xac: {  	[dreg:$0x1] =	wrdreg $0xFFFFFFFF  }
0xad: {  	[dreg:$0x0] =	wrdreg $0x60  }
0xae: {  	[dreg:$0x2] =	wrdreg s24  }
0xaf: {  	[dreg:$0x3] =	wrdreg $0x198200  }
0xb0: {  	[dreg:$0x4] =	wrdreg $0x170200  }
0xb1: {  	[dreg:$0x5] =	wrdreg $0x9  }
0xb2: {  	_ =	task.clear_ibuf [dreg:s6], $0x6FFFF;
	_ =	strace $0x9000004C  }
0xb3: {  	s29 =	simm.s32 $0x9;
	_ =	strace $0x8000004E  }
0xb4: {  	_ =	swait.ge [sflag:s29], $0x1  }
0xb5: {  	[sflag:s29] =	ssyncadd.s32 $0xFFFFFFFF  }
0xb6: {  	_ =	strace $0x9000004E  }
0xb7: {  	_ =	sfence  }
0xb8: {  	s30 =	sld [smem:$0x0];
	_ =	sdelay $0x2  }
0xb9: {  	s31 =	sshll.u32 s1, $0xD;
	s1 =	sshrl.u32 s1, $0x2  }
0xba: {  	s3 =	sand.u32 $0x4000, s31;
	s1 =	sadd.s32 s1, s30  }
0xbb: {  	s0 =	sor.u32 s3, s0;
	s1 =	sshll.u32 s1, $0x11  }
0xbc: {  	s0 =	sor.u32 s1, s0  }
0xbd: {  	s0 =	sadd.s32 $0x8F2B, s0  }
0xbe: {  	[sflag:s0] =	ssyncadd.remote.s32 $0x1  }
0xbf: {  	_ =	sfence.sel $0xFFFF  }
0xc0: {  	[dreg:$0x0] =	wrdreg $0xFFFFFFFF;
	(pc) =	sbr.abs _section_cstart, $3  }
0xc1: {  	[dreg:$0x1] =	wrdreg $0xFFFFFFFF  }
0xc2: {  	_ =	task.clear_ibuf [dreg:s6], $0x2FFFF;
	_ =	strace $0x9FFFFFFF  }
0xc3: {  	(tm) =	ssettm $0x7FFFFFFF  }
tec
execute0_lowered:
.L_overlay_start_1:
0x0: {  	(tag) =	ssettag $0x1  }
0x1: {  	s0 =	srdreg.scid;
	s1 =	rddreg [dreg:$0x0]  }
0x2: {  	s11 =	stileid.u32;
	s2 =	rddreg [dreg:$0x1];
	s13 =	simm.s32 $0x2710  }
0x3: {  	s16 =	simm.s32 $0x7;
	s17 =	simm.s32 $0x1;
	s18 =	simm.s32 $0x2  }
0x4: {  	s19 =	simm.s32 $0x7D0;
	s20 =	simm.s32 $0x4E20;
	s21 =	simm.s32 $0x3  }
0x5: {  	s22 =	simm.s32 $0xCB20;
	s23 =	simm.s32 $0x4;
	s24 =	simm.s32 $0x5  }
0x6: {  	s28 =	simm.s32 $0x6;
	s29 =	simm.s32 $0x1770;
	s7 =	smul.u32 $0x2710, s11  }
0x7: {  	s30 =	simm.s32 $0x36B0;
	s31 =	simm.s32 $0x1F40;
	s9 =	smul.u32 $0x500, s11  }
0x8: {  	s15 =	simm.s32 $0x0;
	s0 =	sand.u32 $0x1, s0;
	s10 =	smul.u32 $0xA000, s11  }
0x9: {  	s3 =	sshll.u32 s0, $0x4;
	s6 =	smul.u32 $0x5000, s0;
	s0 =	ssub.s32 $0x2, s0  }
0xa: {  	s4 =	sor.u32 s11, s3;
	s3 =	rddreg [dreg:$0x2];
	s8 =	sshrl.u32 s7, $0x3  }
0xb: {  	s26 =	sshrl.u32 s0, $0x1;
	s14 =	sadd.s32 s7, s2;
	s7 =	sshll.u32 s11, $0x6  }
0xc: {  	s10 =	sshrl.u32 s10, $0x2;
	s5 =	smul.u32 $0x2710, s4;
	s4 =	simm.s32 $0x0  }
0xd: {  	s8 =	sadd.s32 s8, s1;
	s6 =	sadd.s32 s9, s6;
	s0 =	ssub.s32 s0, s26  }
0xe: {  	s9 =	sor.u32 $0x1C02, s7;
	s10 =	sadd.s32 s10, s3;
	s14 =	sshrl.u32 s14, $0x3  }
0xf: {  	[smem:$0x7FF] =	sst s4;
	s8 =	sadd.s32 $0x16400, s8;
	s5 =	sshrl.u32 s5, $0x3  }
0x10: {  	s12 =	smax.u32 s0, $0x1;
	s0 =	simm.s32 $0x4650;
	s25 =	sadd.s32 s5, s1  }
0x11: {  	_ =	strace $0x8000004D;
	s1 =	sadd.s32 s6, s1;
	s5 =	sadd.s32 $0x2A00, s25  }
0x12: {  	v0 =	vimm.f32 $0.0e+00;
	s6 =	sadd.s32 $0xC640, s25;
	s11 =	sadd.s32 $0x1B400, s1;
	s1 =	simm.s32 $0x3E80  }
.LBB2_1:
0x13: {  	[tilespmem:s4], [sflag:$0x1] =	stream.linear.gather [hbm4b:s5+s4], $0x2710, $0x38;
	[tilespmem:$0x1BF30] =	vst v63  }
0x14: {  	s25 =	simm.s32 $0x40;
	s26 =	simm.s32 $0x0  }
0x15: {  	[tilespmem:s13], [sflag:$0x1] =	stream.linear.gather [hbm4b:s6+s4], $0x2710, $0x38;
	[tilespmem:$0x1BF30] =	vst v63  }
0x16: {  	[spmem:s14], [sflag:s9] =	dma.local [hbm:s8], $0x4E2  }
.LBB2_2:
0x17: {  	p0 =	sne.s32 s25, $0x9FC0;
	[tilespmem:s26+$0x14820] =	vst v0;
	s26 =	smov.u32 s25;
	s25 =	sadd.s32 $0x40, s25  }
.Ltmp0:
0x18: {  	(pc) =	sbr.rel @p0 .LBB2_2-.Ltmp0, $2  }
0x19: {  	_ =	sdelay $0x2  }
0x1a: {  	s26 =	sshra.s32 s26, $0x2  }
0x1b: {  	[tilespmem:s26+$0x14820] =	vst v0;
	s25 =	simm.s32 $0x14820  }
0x1c: {  	[spmem:s10] =	stream.linear.scatter [tilespmem:s25], [sflag:$0x7], $0x2800, $0x38;
	[tilespmem:$0x1BF30] =	vst v63  }
0x1d: {  	_ =	swait.ge [sflag:s16], $0x2800  }
0x1e: {  	[sflag:s16] =	ssyncset.done $0x0  }
0x1f: {  	[sflag:s16] =	ssyncadd.s32 $0xFFFFD800  }
0x20: {  	_ =	swait.ge [sflag:s17], $0x2710  }
0x21: {  	[sflag:s17] =	ssyncset.done $0x0  }
0x22: {  	[sflag:s17] =	ssyncadd.s32 $0xFFFFD8F0  }
0x23: {  	_ =	swait.ge [sflag:s17], $0x2710  }
0x24: {  	[sflag:s17] =	ssyncset.done $0x0  }
0x25: {  	[sflag:s17] =	ssyncadd.s32 $0xFFFFD8F0  }
0x26: {  	_ =	swait.ge [sflag:s18], $0x4E2  }
0x27: {  	[sflag:s18] =	ssyncset.done $0x0  }
0x28: {  	[sflag:s18] =	ssyncadd.s32 $0xFFFFFB1E  }
0x29: {  	[bflag:$0x0] =	sbarrier.arrive $0xFFFF  }
0x2a: {  	[tilespmem:s20], [sflag:$0x3] =	stream.indirect.gather [spmem:s2], $0x10, s4, s19, $0xb8;
	[tilespmem:$0x1BF30] =	vst v63  }
0x2b: {  	_ =	swait.ge [sflag:s21], $0x7D00  }
0x2c: {  	[sflag:s21] =	ssyncset.done $0x0  }
0x2d: {  	[sflag:s21] =	ssyncadd.s32 $0xFFFF8300  }
0x2e: {  	[tilespmem:s22], [sflag:$0x4] =	stream.indirect.gather [spmem:s2], $0x10, s19, s19, $0xb8;
	[tilespmem:$0x1BF30] =	vst v63  }
0x2f: {  	_ = 	snop  }
0x30: {  	[spmem:s3] =	stream.indirect.scatter.add.f32 [tilespmem:s20], [sflag:$0x5], $0x10, s13, s19, $0xb8;
	[tilespmem:$0x1BF30] =	vst v63  }
0x31: {  	_ =	swait.ge [sflag:s23], $0x7D00  }
0x32: {  	[sflag:s23] =	ssyncset.done $0x0  }
0x33: {  	[sflag:s23] =	ssyncadd.s32 $0xFFFF8300  }
0x34: {  	_ =	swait.ge [sflag:s24], $0x7D00  }
0x35: {  	[sflag:s24] =	ssyncset.done $0x0  }
0x36: {  	s26 =	simm.s32 $0xFA0;
	[sflag:s24] =	ssyncadd.s32 $0xFFFF8300  }
0x37: {  	[tilespmem:s20], [sflag:$0x3] =	stream.indirect.gather [spmem:s2], $0x10, s26, s19, $0xb8;
	[tilespmem:$0x1BF30] =	vst v63  }
0x38: {  	s26 =	simm.s32 $0x2EE0  }
0x39: {  	[spmem:s3] =	stream.indirect.scatter.add.f32 [tilespmem:s22], [sflag:$0x6], $0x10, s26, s19, $0xb8;
	[tilespmem:$0x1BF30] =	vst v63  }
0x3a: {  	_ =	swait.ge [sflag:s21], $0x7D00  }
0x3b: {  	[sflag:s21] =	ssyncset.done $0x0  }
0x3c: {  	[sflag:s21] =	ssyncadd.s32 $0xFFFF8300  }
0x3d: {  	_ =	swait.ge [sflag:s28], $0x7D00  }
0x3e: {  	[sflag:s28] =	ssyncset.done $0x0  }
0x3f: {  	[sflag:s28] =	ssyncadd.s32 $0xFFFF8300  }
0x40: {  	[tilespmem:s22], [sflag:$0x4] =	stream.indirect.gather [spmem:s2], $0x10, s29, s19, $0xb8;
	[tilespmem:$0x1BF30] =	vst v63  }
0x41: {  	_ = 	snop  }
0x42: {  	[spmem:s3] =	stream.indirect.scatter.add.f32 [tilespmem:s20], [sflag:$0x5], $0x10, s30, s19, $0xb8;
	[tilespmem:$0x1BF30] =	vst v63  }
0x43: {  	_ =	swait.ge [sflag:s23], $0x7D00  }
0x44: {  	[sflag:s23] =	ssyncset.done $0x0  }
0x45: {  	[sflag:s23] =	ssyncadd.s32 $0xFFFF8300  }
0x46: {  	_ =	swait.ge [sflag:s24], $0x7D00  }
0x47: {  	[sflag:s24] =	ssyncset.done $0x0  }
0x48: {  	[sflag:s24] =	ssyncadd.s32 $0xFFFF8300  }
0x49: {  	[tilespmem:s20], [sflag:$0x3] =	stream.indirect.gather [spmem:s2], $0x10, s31, s19, $0xb8;
	[tilespmem:$0x1BF30] =	vst v63  }
0x4a: {  	_ = 	snop  }
0x4b: {  	[spmem:s3] =	stream.indirect.scatter.add.f32 [tilespmem:s22], [sflag:$0x6], $0x10, s1, s19, $0xb8;
	[tilespmem:$0x1BF30] =	vst v63  }
0x4c: {  	_ =	swait.ge [sflag:s21], $0x7D00  }
0x4d: {  	[sflag:s21] =	ssyncset.done $0x0  }
0x4e: {  	[sflag:s21] =	ssyncadd.s32 $0xFFFF8300  }
0x4f: {  	_ =	swait.ge [sflag:s28], $0x7D00  }
0x50: {  	[sflag:s28] =	ssyncset.done $0x0  }
0x51: {  	[sflag:s28] =	ssyncadd.s32 $0xFFFF8300  }
0x52: {  	[spmem:s3] =	stream.indirect.scatter.add.f32 [tilespmem:s20], [sflag:$0x5], $0x10, s0, s19, $0xb8;
	[tilespmem:$0x1BF30] =	vst v63  }
0x53: {  	_ =	swait.ge [sflag:s24], $0x7D00  }
0x54: {  	s15 =	sadd.s32 $0x1, s15;
	[sflag:s24] =	ssyncset.done $0x0  }
0x55: {  	s25 =	sor.u32 $0x1C07, s7;
	p0 =	sne.s32 s15, s12;
	[sflag:s24] =	ssyncadd.s32 $0xFFFF8300  }
.Ltmp1:
0x56: {  	s26 =	sshrl.u32 s10, $0x3;
	[bflag:$0x0] =	sbarrier.arrive $0xFFFF;
	(pc) =	sbr.rel @p0 .LBB2_1-.Ltmp1, $4  }
0x57: {  	[hbm:s11], [sflag:s25] =	dma.local [spmem:s26], $0x500  }
0x58: {  	_ =	swait.ge [sflag:s16], $0x500  }
0x59: {  	[sflag:s16] =	ssyncset.done $0x0  }
0x5a: {  	[sflag:s16] =	ssyncadd.s32 $0xFFFFFB00  }
0x5b: {  	_ =	sfence.sel $0x180000  }
0x5c: {  	[bflag:$0x0] =	sbarrier.arrive $0xFFFF  }
0x5d: {  	_ =	strace $0x9000004D  }
0x5e: {  	s0 =	stileid.u32;
	[bflag:$0x2] =	sbarrier.arrive $0xFFFF  }
0x5f: {  	p0 =	sne.s32 s0, $0x0;
	s0 =	rddreg [dreg:$0x3]  }
0x60: {  	s0 =	sadd.s32 @!p0 $0x100000, s0  }
0x61: {  	[sflag:s0] =	ssyncadd.tile.s32 @!p0 $0x1;
	_ =	shalt  }
.Lfunc_end2:
_tile_overlayer_lowered:
.L_overlay_start_2:
0x62: {  	(tag) =	ssettag $0x2  }
0x63: {  	s0 =	rddreg [dreg:$0x0];
	s2 =	stileid.u32  }
0x64: {  	s1 =	rddreg [dreg:$0x1];
	p0 =	sne.s32 s2, $0x0  }
0x65: {  	s3 =	rddreg [dreg:$0x2];
	[bflag:$0x3] =	sbarrier.arrive $0xFFFF;
	s2 =	simm.s32 @!p0 $0x1C07  }
0x66: {  	[timem:s3], [sflag:s2] =	dma.local @!p0 [hbm:s0], s1  }
0x67: {  	s0 =	simm.s32 @!p0 $0x7  }
0x68: {  	_ =	swait.ge @!p0 [sflag:s0], s1  }
0x69: {  	s1 =	ssub.s32 @!p0 $0x0, s1;
	[sflag:s0] =	ssyncset.done @!p0 $0x0  }
0x6a: {  	[sflag:s0] =	ssyncadd.s32 @!p0 s1  }
0x6b: {  	[bflag:$0x3] =	sbarrier.arrive $0xFFFF  }
0x6c: {  	_ =	shalt  }

// kernel: kernel.9.cloned.1.call-start
scs
__scs_entry_jumppad:
0x0: {  	(pc) =	sbr.rel $0x88, $3  }
0x1: {  	(tag) =	ssettag $0x0;
	lr =	simm.s32 $0x1  }
0x2: {  	[smem:$0x3F9B] =	sst lr;
	_ =	strace $0xD0000000  }
0x3: {  	_ = 	snop  }
0x4: {  	_ = 	snop  }
0x5: {  	_ = 	snop  }
0x6: {  	_ = 	snop  }
0x7: {  	_ = 	snop  }
__scs_overlays_trampoline_lowered:
0x8: {  	[smem:$0x3FAA] =	sst s0  }
0x9: {  	[smem:$0x3FAB] =	sst s1  }
0xa: {  	[smem:$0x3FAC] =	sst s2  }
0xb: {  	[smem:$0x3FAD] =	sst s3  }
0xc: {  	[smem:$0x3FAE] =	sst s4  }
0xd: {  	[smem:$0x3FAF] =	sst s5  }
0xe: {  	[smem:$0x3FB0] =	sst s6  }
0xf: {  	[smem:$0x3FB1] =	sst s7  }
0x10: {  	[smem:$0x3FB2] =	sst s8  }
0x11: {  	[smem:$0x3FB3] =	sst s9;
	s0 =	simm.s32 @!p0 $0x0  }
0x12: {  	s1 =	sld [smem:$0x3F99];
	s0 =	simm.s32 @p0 $0x1  }
0x13: {  	[smem:$0x3FB4] =	sst s0;
	s0 =	simm.s32 @!p1 $0x0  }
0x14: {  	s2 =	sld [smem:$0x3F98];
	s0 =	simm.s32 @p1 $0x1  }
0x15: {  	[smem:$0x3FB5] =	sst s0;
	s0 =	simm.s32 @!p2 $0x0  }
0x16: {  	s3 =	sld [smem:$0x3FDB];
	s0 =	simm.s32 @p2 $0x1  }
0x17: {  	s4 =	simm.s32 $0x1BF5;
	[smem:$0x3FB7] =	sst s0  }
0x18: {  	s0 =	sld [smem:$0x3F9A];
	_ =	swait.ge [sflag:s4], $0x0  }
0x19: {  	s7 =	sld [smem:$0x3F9B]  }
0x1a: {  	s8 =	sadd.s32 $0xFFFFE003, lr  }
0x1b: {  	s9 =	sadd.s32 $0xFFFFFEF7, lr;
	s5 =	simm.s32 $0xFFFFFFFF;
	p2 =	slt.u32 s8, $0xFFFFF086  }
0x1c: {  	p1 =	slt.u32 s9, $0xF7A;
	s5 =	simm.s32 @!p2 $0x0  }
0x1d: {  	s5 =	simm.s32 @p1 $0x1;
	p0 =	seq.s32 s7, s2  }
0x1e: {  	s7 =	smul.u32 @!p0 $0xF7A, s2;
	p2 =	seq.s32 @!p0 s5, $0x0  }
0x1f: {  	s9 =	smul.u32 $0xF7A, s1;
	s8 =	simm.s32 @!p0 $0x1BF5;
	p2 =	por !p2, p0  }
0x20: {  	[sflag:s8] =	ssyncset.s32 @!p0 $0xFFFFF086;
	s6 =	sadd.s32 @!p0 s3, s7;
	s7 =	simm.s32 @!p0 $0x108  }
0x21: {  	s3 =	sadd.s32 s3, s9;
	s6 =	sadd.s32 @!p0 $0x88, s6;
	s7 =	simm.s32 @p2 $0x1082  }
0x22: {  	[simem:s7], [sflag:s8] =	dma.local @!p0 [hbm:s6], $0xF7A  }
0x23: {  	s9 =	sor.u32 $0xD0000000, s2;
	s6 =	simm.s32 $0x108;
	_ =	swait.ge @!p0 [sflag:s8], $0x0  }
0x24: {  	s3 =	sadd.s32 $0x88, s3;
	s6 =	simm.s32 @!p1 $0x1082;
	[sflag:s4] =	ssyncset.s32 $0xFFFFF086  }
0x25: {  	[simem:s6], [sflag:s4] =	dma.local [hbm:s3], $0xF7A  }
0x26: {  	[smem:$0x3F9B] =	sst s1;
	(tag) =	ssettag s2;
	_ =	strace s9  }
0x27: {  	s1 =	sld [smem:$0x3FAB]  }
0x28: {  	s2 =	sld [smem:$0x3FAC]  }
0x29: {  	s4 =	sld [smem:$0x3FAE]  }
0x2a: {  	p0 =	seq.s32 s5, $0x0;
	s5 =	sld [smem:$0x3FAF]  }
0x2b: {  	s6 =	sld [smem:$0x3FB0]  }
0x2c: {  	s7 =	sld [smem:$0x3FB1]  }
0x2d: {  	s3 =	simm.s32 $0x108;
	s8 =	sld [smem:$0x3FB2]  }
0x2e: {  	s3 =	simm.s32 @!p0 $0x1082;
	s9 =	sld [smem:$0x3FB3]  }
0x2f: {  	lr =	sadd.s32 s0, s3;
	s0 =	sld [smem:$0x3FAA]  }
0x30: {  	s3 =	sld [smem:$0x3FAD]  }
0x31: {  	[smem:$0x3FB6] =	sst s10  }
0x32: {  	s10 =	sld [smem:$0x3FB4];
	_ =	sdelay $0x3  }
0x33: {  	p0 =	seq.s32 s10, $0x1;
	s10 =	sld [smem:$0x3FB6];
	_ =	sdelay $0x3  }
0x34: {  	[smem:$0x3FB6] =	sst s10  }
0x35: {  	s10 =	sld [smem:$0x3FB5];
	_ =	sdelay $0x3  }
0x36: {  	p1 =	seq.s32 s10, $0x1;
	s10 =	sld [smem:$0x3FB6];
	_ =	sdelay $0x3  }
0x37: {  	[smem:$0x3FB6] =	sst s10  }
0x38: {  	s10 =	sld [smem:$0x3FB7]  }
0x39: {  	_ = 	snop;
	(pc) =	sbr.ind lr, $3  }
0x3a: {  	_ = 	snop  }
0x3b: {  	_ = 	snop  }
0x3c: {  	p2 =	seq.s32 s10, $0x1;
	s10 =	sld [smem:$0x3FB6]  }
0x3d: {  	_ =	shalt  }
0x3e: {  	_ =	shalt  }
0x3f: {  	_ =	shalt  }
0x40: {  	_ =	shalt  }
0x41: {  	_ =	shalt  }
0x42: {  	_ =	shalt  }
0x43: {  	_ =	shalt  }
0x44: {  	_ =	shalt  }
0x45: {  	_ =	shalt  }
0x46: {  	_ =	shalt  }
0x47: {  	_ =	shalt  }
0x48: {  	_ =	shalt  }
0x49: {  	_ =	shalt  }
0x4a: {  	_ =	shalt  }
0x4b: {  	_ =	shalt  }
0x4c: {  	_ =	shalt  }
0x4d: {  	_ =	shalt  }
0x4e: {  	_ =	shalt  }
0x4f: {  	_ =	shalt  }
0x50: {  	_ =	shalt  }
0x51: {  	_ =	shalt  }
0x52: {  	_ =	shalt  }
0x53: {  	_ =	shalt  }
0x54: {  	_ =	shalt  }
0x55: {  	_ =	shalt  }
0x56: {  	_ =	shalt  }
0x57: {  	_ =	shalt  }
0x58: {  	_ =	shalt  }
0x59: {  	_ =	shalt  }
0x5a: {  	_ =	shalt  }
0x5b: {  	_ =	shalt  }
0x5c: {  	_ =	shalt  }
0x5d: {  	_ =	shalt  }
0x5e: {  	_ =	shalt  }
0x5f: {  	_ =	shalt  }
0x60: {  	_ =	shalt  }
0x61: {  	_ =	shalt  }
0x62: {  	_ =	shalt  }
0x63: {  	_ =	shalt  }
0x64: {  	_ =	shalt  }
0x65: {  	_ =	shalt  }
0x66: {  	_ =	shalt  }
0x67: {  	_ =	shalt  }
0x68: {  	_ =	shalt  }
0x69: {  	_ =	shalt  }
0x6a: {  	_ =	shalt  }
0x6b: {  	_ =	shalt  }
0x6c: {  	_ =	shalt  }
0x6d: {  	_ =	shalt  }
0x6e: {  	_ =	shalt  }
0x6f: {  	_ =	shalt  }
0x70: {  	_ =	shalt  }
0x71: {  	_ =	shalt  }
0x72: {  	_ =	shalt  }
0x73: {  	_ =	shalt  }
0x74: {  	_ =	shalt  }
0x75: {  	_ =	shalt  }
0x76: {  	_ =	shalt  }
0x77: {  	_ =	shalt  }
0x78: {  	_ =	shalt  }
0x79: {  	_ =	shalt  }
0x7a: {  	_ =	shalt  }
0x7b: {  	_ =	shalt  }
0x7c: {  	_ =	shalt  }
0x7d: {  	_ =	shalt  }
0x7e: {  	_ =	shalt  }
0x7f: {  	_ =	shalt  }
0x80: {  	_ =	shalt  }
0x81: {  	_ =	shalt  }
0x82: {  	_ =	shalt  }
0x83: {  	_ =	shalt  }
0x84: {  	_ =	shalt  }
0x85: {  	_ =	shalt  }
0x86: {  	_ =	shalt  }
0x87: {  	_ =	shalt  }
.Lfunc_end0:
.L_simem_size_0:
called_computation_lowered:
.L_overlay_start_0:
0x88: {  	s2 =	sld [smem:$0x3FD9]  }
0x89: {  	s3 =	sld [smem:$0x3FFE];
	_ =	sdelay $0x1  }
0x8a: {  	s1 =	srdreg.scid  }
0x8b: {  	s0 =	sand.u32 $0x1, s1  }
0x8c: {  	s16 =	sshll.u32 s0, $0xA;
	s2 =	sadd.s32 s3, s2  }
0x8d: {  	s2 =	sadd.s32 s2, s16  }
0x8e: {  	[smem:$0x3FC2] =	sst s2  }
0x8f: {  	_ = 	snop  }
0x90: {  	(tm) =	ssettm $0x1  }
0x91: {  	s17 =	sld [smem:$0x3FFB];
	_ =	sdelay $0x3  }
0x92: {  	_ =	strace s17  }
0x93: {  	s2 =	sld [smem:$0x3FFC];
	_ =	sdelay $0x3  }
0x94: {  	_ =	strace s2  }
0x95: {  	s2 =	sld [smem:$0x3FFD];
	_ =	sdelay $0x3  }
0x96: {  	_ =	strace s2  }
0x97: {  	_ =	strace $0x8FFFFFFF  }
0x98: {  	s18 =	sld [smem:$0x3FDB];
	_ =	sdelay $0x1  }
0x99: {  	s19 =	simm.s32 $_scs_section_size  }
0x9a: {  	s4 =	simm.s32 $_size__tile_overlayer_lowered;
	s5 =	simm.s32 $_tile_overlayer_lowered  }
0x9b: {  	s22 =	simm.s32 $0x1BFF;
	s21 =	sshll.u32 s5, $0x1;
	s2 =	sadd.s32 s19, s18  }
0x9c: {  	s6 =	simm.s32 $0x0;
	s20 =	sshll.u32 s4, $0x1;
	s4 =	sadd.s32 s21, s2  }
0x9d: {  	[timem:s6], [sflag:s22] =	dma.local [hbm:s4], s20  }
0x9e: {  	_ =	swait.ge [sflag:s22], s20  }
0x9f: {  	s3 =	ssub.s32 $0x0, s20;
	[sflag:s22] =	ssyncset.done $0x0  }
0xa0: {  	[sflag:s22] =	ssyncadd.s32 s3;
	_ =	sdelay $0x1  }
0xa1: {  	s23 =	simm.s32 $0x1B8B  }
0xa2: {  	_ =	swait.ge [sflag:s23], $0x1  }
0xa3: {  	[sflag:s23] =	ssyncset.done $0x0  }
0xa4: {  	s25 =	simm.s32 $0x1B8E;
	s24 =	sld [smem:$0x3FFE];
	[sflag:s23] =	ssyncadd.s32 $0xFFFFFFFF  }
0xa5: {  	s26 =	simm.s32 $execute0_lowered;
	[smem:$0x3FD2] =	sst s25  }
0xa6: {  	s4 =	sshll.u32 s26, $0x1;
	_ =	strace $0x80000046;
	[dreg:$0x1] =	wrdreg $0xFFFFFFFF  }
0xa7: {  	s28 =	simm.s32 $_size_execute0_lowered;
	s2 =	sadd.s32 s2, s4;
	[dreg:$0x0] =	wrdreg $0x0  }
0xa8: {  	s4 =	sshll.u32 s28, $0x1;
	[dreg:$0x2] =	wrdreg s2  }
0xa9: {  	[dreg:$0x3] =	wrdreg s4  }
0xaa: {  	[dreg:$0x4] =	wrdreg $0xC0  }
0xab: {  	_ =	task [dreg:s6], $0x5FFFF  }
0xac: {  	[dreg:$0x1] =	wrdreg $0xFFFFFFFF  }
0xad: {  	[dreg:$0x0] =	wrdreg $0x60  }
0xae: {  	[dreg:$0x2] =	wrdreg s24  }
0xaf: {  	[dreg:$0x3] =	wrdreg $0x6EF00  }
0xb0: {  	[dreg:$0x4] =	wrdreg $0x9  }
0xb1: {  	_ =	task.clear_ibuf [dreg:s6], $0x5FFFF;
	_ =	strace $0x90000046  }
0xb2: {  	s29 =	simm.s32 $0x9;
	_ =	strace $0x80000048  }
0xb3: {  	_ =	swait.ge [sflag:s29], $0x1  }
0xb4: {  	[sflag:s29] =	ssyncadd.s32 $0xFFFFFFFF  }
0xb5: {  	_ =	strace $0x90000048  }
0xb6: {  	_ =	sfence  }
0xb7: {  	s30 =	sld [smem:$0x0];
	_ =	sdelay $0x2  }
0xb8: {  	s31 =	sshll.u32 s1, $0xD;
	s1 =	sshrl.u32 s1, $0x2  }
0xb9: {  	s3 =	sand.u32 $0x4000, s31;
	s1 =	sadd.s32 s1, s30  }
0xba: {  	s0 =	sor.u32 s3, s0;
	s1 =	sshll.u32 s1, $0x11  }
0xbb: {  	s0 =	sor.u32 s1, s0  }
0xbc: {  	s0 =	sadd.s32 $0x8F2B, s0  }
0xbd: {  	[sflag:s0] =	ssyncadd.remote.s32 $0x1  }
0xbe: {  	_ =	sfence.sel $0xFFFF  }
0xbf: {  	[dreg:$0x0] =	wrdreg $0xFFFFFFFF;
	(pc) =	sbr.abs _section_cstart, $3  }
0xc0: {  	[dreg:$0x1] =	wrdreg $0xFFFFFFFF  }
0xc1: {  	_ =	task.clear_ibuf [dreg:s6], $0x2FFFF;
	_ =	strace $0x9FFFFFFF  }
0xc2: {  	(tm) =	ssettm $0x7FFFFFFF  }
0xc3: {  	_ =	shalt  }
tec
execute0_lowered:
.L_overlay_start_1:
0x0: {  	(tag) =	ssettag $0x1  }
0x1: {  	s0 =	srdreg.scid;
	s1 =	rddreg [dreg:$0x0]  }
0x2: {  	s7 =	stileid.u32;
	s2 =	rddreg [dreg:$0x1];
	s11 =	simm.s32 $0x1  }
0x3: {  	s12 =	simm.s32 $0x7D0;
	s13 =	simm.s32 $0x4E20;
	s17 =	simm.s32 $0x2710  }
0x4: {  	s18 =	simm.s32 $0x2EE0;
	s19 =	simm.s32 $0x36B0;
	s20 =	simm.s32 $0x3E80  }
0x5: {  	s21 =	simm.s32 $0x4650;
	s22 =	simm.s32 $0x2;
	s23 =	simm.s32 $0x5870  }
0x6: {  	s24 =	simm.s32 $0x5AF0;
	s25 =	simm.s32 $0x0;
	s0 =	sand.u32 $0x1, s0  }
0x7: {  	s29 =	simm.s32 $0x0;
	s6 =	smul.u32 $0x4E20, s7;
	s3 =	sshll.u32 s0, $0x4  }
0x8: {  	s0 =	ssub.s32 $0x2, s0;
	s4 =	sor.u32 s7, s3;
	s7 =	smul.u32 $0xA00, s7  }
0x9: {  	v0 =	vimm.f32 $1.000000000e+00;
	v1 =	vimm.f32 $0.0e+00;
	v2 =	vimm.s32 $0x0;
	s3 =	simm.s32 $0x0;
	s8 =	sshrl.u32 s0, $0x1;
	s5 =	smul.u32 $0x280, s4  }
0xa: {  	v3 =	vimm.s32 $0x1;
	v4 =	vimm.s32 $0x2;
	v5 =	vimm.s32 $0x3;
	s6 =	sshrl.u32 s6, $0x3;
	[smem:$0x7FF] =	sst s3;
	s9 =	smul.u32 $0x500, s4  }
0xb: {  	v6 =	vimm.s32 $0x4;
	v7 =	vimm.s32 $0x5;
	v8 =	vimm.s32 $0x6;
	s0 =	ssub.s32 s0, s8;
	_ =	strace $0x80000047;
	s30 =	sshrl.u32 s7, $0x2  }
0xc: {  	v9 =	vimm.s32 $0x7;
	v10 =	vimm.s32 $0x8;
	v11 =	vimm.s32 $0x9;
	s8 =	smax.u32 s0, $0x1;
	s10 =	sadd.s32 s5, s1;
	s1 =	sadd.s32 s1, s6  }
0xd: {  	v12 =	vimm.s32 $0xA;
	v13 =	vimm.s32 $0xB;
	v14 =	vimm.s32 $0xC;
	s31 =	sshrl.u32 s9, $0x2;
	s5 =	sadd.s32 s30, s2;
	s4 =	sadd.s32 $0xC640, s1  }
0xe: {  	v15 =	vimm.s32 $0xD;
	v16 =	vimm.s32 $0xE;
	v17 =	vimm.s32 $0xF;
	s6 =	sadd.s32 s31, s2;
	s7 =	sadd.s32 $0x16400, s10;
	s10 =	simm.s32 $0x3  }
.LBB2_1:
0xf: {  	[tilespmem:s3], [sflag:$0x1] =	stream.linear.gather [hbm4b:s4+s3], $0x4E20, $0x38;
	[tilespmem:$0x7170] =	vst v63  }
0x10: {  	s0 =	simm.s32 $0x40;
	s1 =	simm.s32 $0x0  }
.LBB2_2:
0x11: {  	p0 =	sne.s32 s0, $0x1F00;
	[tilespmem:s1+$0x4E20] =	vst v0;
	s1 =	smov.u32 s0;
	s0 =	sadd.s32 $0x40, s0  }
.Ltmp0:
0x12: {  	(pc) =	sbr.rel @p0 .LBB2_2-.Ltmp0, $2  }
0x13: {  	_ =	sdelay $0x2  }
0x14: {  	s1 =	sshra.s32 s1, $0x2  }
0x15: {  	[tilespmem:s1+$0x4E20] =	vst v0  }
0x16: {  	[tilespmem:$0x55F0] =	vst v1  }
0x17: {  	[tilespmem:$0x5600] =	vst v1  }
0x18: {  	[tilespmem:$0x5610] =	vst v1  }
0x19: {  	[tilespmem:$0x5620] =	vst v1  }
0x1a: {  	[tilespmem:$0x5630] =	vst v1  }
0x1b: {  	[tilespmem:$0x5640] =	vst v1  }
0x1c: {  	[tilespmem:$0x5650] =	vst v1  }
0x1d: {  	[tilespmem:$0x5660] =	vst v1  }
0x1e: {  	[tilespmem:$0x5670] =	vst v1  }
0x1f: {  	[tilespmem:$0x5680] =	vst v1  }
0x20: {  	[tilespmem:$0x5690] =	vst v1  }
0x21: {  	[tilespmem:$0x56A0] =	vst v1  }
0x22: {  	[tilespmem:$0x56B0] =	vst v1  }
0x23: {  	[tilespmem:$0x56C0] =	vst v1  }
0x24: {  	[tilespmem:$0x56D0] =	vst v1  }
0x25: {  	[tilespmem:$0x56E0] =	vst v1  }
0x26: {  	[tilespmem:$0x56F0] =	vst v1  }
0x27: {  	[tilespmem:$0x5700] =	vst v1  }
0x28: {  	[tilespmem:$0x5710] =	vst v1  }
0x29: {  	[tilespmem:$0x5720] =	vst v1  }
0x2a: {  	[tilespmem:$0x5730] =	vst v1  }
0x2b: {  	[tilespmem:$0x5740] =	vst v1  }
0x2c: {  	[tilespmem:$0x5750] =	vst v1  }
0x2d: {  	[tilespmem:$0x5760] =	vst v1  }
0x2e: {  	[tilespmem:$0x5770] =	vst v1  }
0x2f: {  	[tilespmem:$0x5780] =	vst v1  }
0x30: {  	[tilespmem:$0x5790] =	vst v1  }
0x31: {  	[tilespmem:$0x57A0] =	vst v1  }
0x32: {  	[tilespmem:$0x57B0] =	vst v1  }
0x33: {  	[tilespmem:$0x57C0] =	vst v1  }
0x34: {  	[tilespmem:$0x57D0] =	vst v1  }
0x35: {  	[tilespmem:$0x57E0] =	vst v1  }
0x36: {  	[tilespmem:$0x57F0] =	vst v1  }
0x37: {  	[tilespmem:$0x5800] =	vst v1  }
0x38: {  	[tilespmem:$0x5810] =	vst v1  }
0x39: {  	[tilespmem:$0x5820] =	vst v1  }
0x3a: {  	[tilespmem:$0x5830] =	vst v1  }
0x3b: {  	[tilespmem:$0x5840] =	vst v1  }
0x3c: {  	[tilespmem:$0x5850] =	vst v1  }
0x3d: {  	s0 =	simm.s32 $0x55F0;
	[tilespmem:$0x5860] =	vst v1  }
0x3e: {  	[spmem:s5] =	stream.linear.scatter [tilespmem:s0], [sflag:$0x3], $0x280, $0x38;
	[tilespmem:$0x7170] =	vst v63  }
0x3f: {  	_ =	swait.ge [sflag:s10], $0x280  }
0x40: {  	[sflag:s10] =	ssyncset.done $0x0  }
0x41: {  	[sflag:s10] =	ssyncadd.s32 $0xFFFFFD80  }
0x42: {  	_ =	swait.ge [sflag:s11], $0x4E20  }
0x43: {  	[sflag:s11] =	ssyncset.done $0x0  }
0x44: {  	[sflag:s11] =	ssyncadd.s32 $0xFFFFB1E0  }
0x45: {  	s14 =	simm.s32 $0x0;
	[bflag:$0x0] =	sbarrier.arrive $0xFFFF  }
0x46: {  	[spmem:s2] =	stream.indirect.scatter.add.f32 [tilespmem:s13], [sflag:$0x2], $0x1, s14, s12, $0xb8;
	[tilespmem:$0x7170] =	vst v63  }
0x47: {  	_ = 	snop  }
0x48: {  	[spmem:s2] =	stream.indirect.scatter.add.f32 [tilespmem:s13], [sflag:$0x2], $0x1, s12, s12, $0xb8;
	[tilespmem:$0x7170] =	vst v63  }
0x49: {  	s15 =	simm.s32 $0xFA0  }
0x4a: {  	[spmem:s2] =	stream.indirect.scatter.add.f32 [tilespmem:s13], [sflag:$0x2], $0x1, s15, s12, $0xb8;
	[tilespmem:$0x7170] =	vst v63  }
0x4b: {  	s16 =	simm.s32 $0x1770  }
0x4c: {  	[spmem:s2] =	stream.indirect.scatter.add.f32 [tilespmem:s13], [sflag:$0x2], $0x1, s16, s12, $0xb8;
	[tilespmem:$0x7170] =	vst v63  }
0x4d: {  	s26 =	simm.s32 $0x1F40  }
0x4e: {  	[spmem:s2] =	stream.indirect.scatter.add.f32 [tilespmem:s13], [sflag:$0x2], $0x1, s26, s12, $0xb8;
	[tilespmem:$0x7170] =	vst v63  }
0x4f: {  	_ = 	snop  }
0x50: {  	[spmem:s2] =	stream.indirect.scatter.add.f32 [tilespmem:s13], [sflag:$0x2], $0x1, s17, s12, $0xb8;
	[tilespmem:$0x7170] =	vst v63  }
0x51: {  	_ = 	snop  }
0x52: {  	[spmem:s2] =	stream.indirect.scatter.add.f32 [tilespmem:s13], [sflag:$0x2], $0x1, s18, s12, $0xb8;
	[tilespmem:$0x7170] =	vst v63  }
0x53: {  	_ = 	snop  }
0x54: {  	[spmem:s2] =	stream.indirect.scatter.add.f32 [tilespmem:s13], [sflag:$0x2], $0x1, s19, s12, $0xb8;
	[tilespmem:$0x7170] =	vst v63  }
0x55: {  	_ = 	snop  }
0x56: {  	[spmem:s2] =	stream.indirect.scatter.add.f32 [tilespmem:s13], [sflag:$0x2], $0x1, s20, s12, $0xb8;
	[tilespmem:$0x7170] =	vst v63  }
0x57: {  	_ = 	snop  }
0x58: {  	[spmem:s2] =	stream.indirect.scatter.add.f32 [tilespmem:s13], [sflag:$0x2], $0x1, s21, s12, $0xb8;
	[tilespmem:$0x7170] =	vst v63  }
0x59: {  	_ =	swait.ge [sflag:s22], $0x7D0  }
0x5a: {  	[sflag:s22] =	ssyncset.done $0x0  }
0x5b: {  	[sflag:s22] =	ssyncadd.s32 $0xFFFFF830  }
0x5c: {  	_ =	swait.ge [sflag:s22], $0x7D0  }
0x5d: {  	[sflag:s22] =	ssyncset.done $0x0  }
0x5e: {  	[sflag:s22] =	ssyncadd.s32 $0xFFFFF830  }
0x5f: {  	_ =	swait.ge [sflag:s22], $0x7D0  }
0x60: {  	[sflag:s22] =	ssyncset.done $0x0  }
0x61: {  	[sflag:s22] =	ssyncadd.s32 $0xFFFFF830  }
0x62: {  	_ =	swait.ge [sflag:s22], $0x7D0  }
0x63: {  	[sflag:s22] =	ssyncset.done $0x0  }
0x64: {  	[sflag:s22] =	ssyncadd.s32 $0xFFFFF830  }
0x65: {  	_ =	swait.ge [sflag:s22], $0x7D0  }
0x66: {  	[sflag:s22] =	ssyncset.done $0x0  }
0x67: {  	[sflag:s22] =	ssyncadd.s32 $0xFFFFF830  }
0x68: {  	_ =	swait.ge [sflag:s22], $0x7D0  }
0x69: {  	[sflag:s22] =	ssyncset.done $0x0  }
0x6a: {  	[sflag:s22] =	ssyncadd.s32 $0xFFFFF830  }
0x6b: {  	_ =	swait.ge [sflag:s22], $0x7D0  }
0x6c: {  	[sflag:s22] =	ssyncset.done $0x0  }
0x6d: {  	[sflag:s22] =	ssyncadd.s32 $0xFFFFF830  }
0x6e: {  	_ =	swait.ge [sflag:s22], $0x7D0  }
0x6f: {  	[sflag:s22] =	ssyncset.done $0x0  }
0x70: {  	[sflag:s22] =	ssyncadd.s32 $0xFFFFF830  }
0x71: {  	_ =	swait.ge [sflag:s22], $0x7D0  }
0x72: {  	[sflag:s22] =	ssyncset.done $0x0  }
0x73: {  	[sflag:s22] =	ssyncadd.s32 $0xFFFFF830  }
0x74: {  	_ =	swait.ge [sflag:s22], $0x7D0  }
0x75: {  	[sflag:s22] =	ssyncset.done $0x0  }
0x76: {  	[sflag:s22] =	ssyncadd.s32 $0xFFFFF830  }
0x77: {  	[bflag:$0x0] =	sbarrier.arrive $0xFFFF  }
0x78: {  	[tilespmem:s23], [sflag:$0x3] =	stream.linear.gather [spmem:s6], $0x140, $0x38;
	[tilespmem:$0x7170] =	vst v63  }
0x79: {  	_ =	swait.ge [sflag:s10], $0x140  }
0x7a: {  	[sflag:s10] =	ssyncset.done $0x0  }
0x7b: {  	[sflag:s10] =	ssyncadd.s32 $0xFFFFFEC0  }
0x7c: {  	v18 =	vld [tilespmem:s29+$0x5870];
	_ =	sdelay $0x4  }
0x7d: {  	s26 =	simm.s32 $0x10;
	v18 =	vadd.f32 $1.000000000e+00, v18  }
0x7e: {  	v19 =	vld [tilespmem:s26+$0x5870]  }
0x7f: {  	v20 =	vshrl.u32 v18, $0x1;
	v21 =	vmul.f32 $5.000000000e-01, v18  }
0x80: {  	v18 =	vsub.s32 $0x5F3759DF, v20  }
0x81: {  	v20 =	vmul.f32 v18, v21  }
0x82: {  	s30 =	simm.s32 $0x20  }
0x83: {  	v22 =	vld [tilespmem:s30+$0x5870];
	v19 =	vadd.f32 $1.000000000e+00, v19;
	v20 =	vmul.f32 v18, v20;
	_ =	sdelay $0x1  }
0x84: {  	v23 =	vshrl.u32 v19, $0x1;
	v25 =	vmul.f32 $5.000000000e-01, v19;
	v19 =	vsub.f32 $1.500000000e+00, v20  }
0x85: {  	v20 =	vsub.s32 $0x5F3759DF, v23  }
0x86: {  	v23 =	vmul.f32 v20, v25;
	v19 =	vmul.f32 v18, v19  }
0x87: {  	s31 =	simm.s32 $0x30;
	v18 =	vadd.f32 $1.000000000e+00, v22  }
0x88: {  	v22 =	vld [tilespmem:s31+$0x5870];
	v23 =	vmul.f32 v20, v23;
	v24 =	vmul.f32 v19, v21  }
0x89: {  	v26 =	vshrl.u32 v18, $0x1;
	v18 =	vmul.f32 $5.000000000e-01, v18  }
0x8a: {  	v23 =	vsub.f32 $1.500000000e+00, v23;
	v26 =	vsub.s32 $0x5F3759DF, v26;
	v24 =	vmul.f32 v24, v19  }
0x8b: {  	v27 =	vmul.f32 v26, v18  }
0x8c: {  	v20 =	vmul.f32 v20, v23;
	v23 =	vsub.f32 $1.500000000e+00, v24  }
0x8d: {  	v22 =	vadd.f32 $1.000000000e+00, v22;
	v27 =	vmul.f32 v26, v27  }
0x8e: {  	s1 =	simm.s32 $0x40;
	v28 =	vmul.f32 v20, v25;
	v23 =	vmul.f32 v23, v19  }
0x8f: {  	v24 =	vld [tilespmem:s1+$0x5870];
	v29 =	vshrl.u32 v22, $0x1;
	v19 =	vmul.f32 $5.000000000e-01, v22;
	v22 =	vsub.f32 $1.500000000e+00, v27  }
0x90: {  	v30 =	vsub.s32 $0x5F3759DF, v29;
	v27 =	vmul.f32 v28, v20;
	v21 =	vmul.f32 v23, v21  }
0x91: {  	v28 =	vmul.f32 v30, v19;
	v22 =	vmul.f32 v26, v22  }
0x92: {  	v21 =	vmul.f32 v21, v23  }
0x93: {  	v26 =	vsub.f32 $1.500000000e+00, v27;
	v27 =	vmul.f32 v30, v28;
	v28 =	vmul.f32 v22, v18  }
0x94: {  	s0 =	simm.s32 $0x50;
	v24 =	vadd.f32 $1.000000000e+00, v24  }
0x95: {  	v20 =	vmul.f32 v26, v20;
	v31 =	vsub.f32 $1.500000000e+00, v21;
	v26 =	vmul.f32 v28, v22;
	v28 =	vld [tilespmem:s0+$0x5870]  }
0x96: {  	v29 =	vshrl.u32 v24, $0x1;
	v21 =	vmul.f32 $5.000000000e-01, v24;
	v32 =	vsub.f32 $1.500000000e+00, v27  }
0x97: {  	s28 =	simm.s32 $0x80;
	v24 =	vsub.s32 $0x5F3759DF, v29;
	v27 =	vmul.f32 v20, v25;
	v23 =	vmul.f32 v31, v23  }
0x98: {  	s9 =	simm.s32 $0x10;
	s14 =	simm.s32 $0x0;
	s15 =	simm.s32 $0x180;
	v29 =	vmul.f32 v24, v21;
	v25 =	vmul.f32 v30, v32  }
.LBB2_4:
0x99: {  	s16 =	sshra.s32 s15, $0x2  }
0x9a: {  	v30 =	vadd.f32 $1.000000000e+00, v28;
	v26 =	vsub.f32 $1.500000000e+00, v26;
	v27 =	vmul.f32 v27, v20;
	[tilespmem:s14+$0x59B0] =	vst v23;
	s14 =	smov.u32 s9;
	s9 =	smov.u32 s30;
	p0 =	sne.s32 s15, $0x4C0  }
.Ltmp1:
0x9b: {  	s30 =	smov.u32 s31;
	s31 =	smov.u32 s1;
	v28 =	vld [tilespmem:s16+$0x5870];
	v23 =	vmul.f32 v24, v29;
	v29 =	vmul.f32 v25, v19;
	(pc) =	sbr.rel @p0 .LBB2_4-.Ltmp1, $4  }
0x9c: {  	s15 =	sadd.s32 $0x40, s15;
	s1 =	smov.u32 s0;
	v31 =	vshrl.u32 v30, $0x1;
	v32 =	vmul.f32 v26, v22;
	v33 =	vsub.f32 $1.500000000e+00, v27;
	v22 =	vmovc v25  }
0x9d: {  	s0 =	smov.u32 s16;
	v30 =	vmul.f32 $5.000000000e-01, v30;
	v25 =	vsub.f32 $1.500000000e+00, v23;
	v26 =	vmul.f32 v29, v22  }
0x9e: {  	v31 =	vsub.s32 $0x5F3759DF, v31;
	v27 =	vmul.f32 v32, v18;
	v23 =	vmul.f32 v33, v20;
	v20 =	vmovc v32;
	v18 =	vmovc v19  }
0x9f: {  	v29 =	vmul.f32 v31, v30;
	v19 =	vmovc v21;
	v21 =	vmovc v30;
	v25 =	vmul.f32 v24, v25;
	v24 =	vmov v31  }
0xa0: {  	v28 =	vadd.f32 $1.000000000e+00, v28;
	_ =	sdelay $0x1  }
0xa1: {  	v30 =	vshrl.u32 v28, $0x1;
	v28 =	vmul.f32 $5.000000000e-01, v28  }
0xa2: {  	v30 =	vsub.s32 $0x5F3759DF, v30  }
0xa3: {  	v31 =	vmul.f32 v30, v28  }
0xa4: {  	v29 =	vmul.f32 v24, v29  }
0xa5: {  	v31 =	vmul.f32 v30, v31  }
0xa6: {  	v29 =	vsub.f32 $1.500000000e+00, v29  }
0xa7: {  	v31 =	vsub.f32 $1.500000000e+00, v31  }
0xa8: {  	v43 =	vmul.f32 v24, v29  }
0xa9: {  	v44 =	vmul.f32 v25, v19;
	v30 =	vmul.f32 v30, v31  }
0xaa: {  	v45 =	vmul.f32 v43, v21  }
0xab: {  	v29 =	vmul.f32 v44, v25;
	v32 =	vmul.f32 v30, v28  }
0xac: {  	v26 =	vsub.f32 $1.500000000e+00, v26;
	v31 =	vmul.f32 v45, v43  }
0xad: {  	v29 =	vsub.f32 $1.500000000e+00, v29;
	v32 =	vmul.f32 v32, v30  }
0xae: {  	v22 =	vmul.f32 v26, v22;
	v46 =	vsub.f32 $1.500000000e+00, v31  }
0xaf: {  	v27 =	vmul.f32 v27, v20;
	v47 =	vmul.f32 v29, v25;
	v48 =	vsub.f32 $1.500000000e+00, v32  }
0xb0: {  	v18 =	vmul.f32 v22, v18;
	v24 =	vmul.f32 v46, v43  }
0xb1: {  	v19 =	vmul.f32 v47, v19;
	v49 =	vmul.f32 v48, v30  }
0xb2: {  	v18 =	vmul.f32 v18, v22;
	v50 =	vmul.f32 v24, v21  }
0xb3: {  	v27 =	vsub.f32 $1.500000000e+00, v27;
	v19 =	vmul.f32 v19, v47;
	v28 =	vmul.f32 v49, v28  }
0xb4: {  	v18 =	vsub.f32 $1.500000000e+00, v18;
	v21 =	vmul.f32 v50, v24  }
0xb5: {  	v51 =	vmul.f32 v27, v20;
	v19 =	vsub.f32 $1.500000000e+00, v19;
	v52 =	vmul.f32 v28, v49  }
0xb6: {  	[tilespmem:s14+$0x59B0] =	vst v23;
	v18 =	vmul.f32 v18, v22;
	v21 =	vsub.f32 $1.500000000e+00, v21  }
0xb7: {  	[tilespmem:s9+$0x59B0] =	vst v51;
	v19 =	vmul.f32 v19, v47;
	v53 =	vsub.f32 $1.500000000e+00, v52  }
0xb8: {  	[tilespmem:s30+$0x59B0] =	vst v18;
	v18 =	vmul.f32 v21, v24  }
0xb9: {  	[tilespmem:s31+$0x59B0] =	vst v19;
	v19 =	vmul.f32 v53, v49  }
0xba: {  	[tilespmem:s1+$0x59B0] =	vst v18  }
0xbb: {  	[tilespmem:s0+$0x59B0] =	vst v19  }
0xbc: {  	v18 =	vld [tilespmem:s29+$0x59B0];
	_ =	sdelay $0x4  }
0xbd: {  	v19 =	vperm.xlane v18, v2  }
0xbe: {  	s1 =	simm.s32 $0x5B70;
	v54 =	vperm.xlane v18, v3  }
0xbf: {  	v55 =	vperm.xlane v18, v4;
	[tilespmem:s1+$0xFFFFFF80] =	vst v19  }
0xc0: {  	v56 =	vperm.xlane v18, v6;
	[tilespmem:s1+$0xFFFFFF90] =	vst v54  }
0xc1: {  	v57 =	vperm.xlane v18, v7;
	[tilespmem:s1+$0xFFFFFFA0] =	vst v55  }
0xc2: {  	v58 =	vperm.xlane v18, v9;
	[tilespmem:s1+$0xFFFFFFC0] =	vst v56  }
0xc3: {  	v59 =	vperm.xlane v18, v10;
	[tilespmem:s1+$0xFFFFFFD0] =	vst v57  }
0xc4: {  	v60 =	vperm.xlane v18, v12;
	[tilespmem:s1+$0xFFFFFFF0] =	vst v58  }
0xc5: {  	v19 =	vperm.xlane v18, v5;
	[tilespmem:s1+$0x0] =	vst v59  }
0xc6: {  	v61 =	vperm.xlane v18, v13;
	[tilespmem:s1+$0x20] =	vst v60  }
0xc7: {  	[tilespmem:s1+$0xFFFFFFB0] =	vst v19;
	v19 =	vperm.xlane v18, v8  }
0xc8: {  	v62 =	vperm.xlane v18, v15;
	[tilespmem:s1+$0x30] =	vst v61  }
0xc9: {  	[tilespmem:s1+$0xFFFFFFE0] =	vst v19;
	v19 =	vperm.xlane v18, v11  }
0xca: {  	v63 =	vperm.xlane v18, v16;
	[tilespmem:s1+$0x50] =	vst v62  }
0xcb: {  	[tilespmem:s1+$0x10] =	vst v19;
	v19 =	vperm.xlane v18, v14  }
0xcc: {  	[tilespmem:s1+$0x60] =	vst v63;
	v18 =	vperm.xlane v18, v17  }
0xcd: {  	[tilespmem:s1+$0x40] =	vst v19  }
0xce: {  	[tilespmem:s1+$0x70] =	vst v18  }
.LBB2_6:
0xcf: {  	p0 =	sne.s32 s28, $0x4C0;
	v18 =	vld [tilespmem:s26+$0x59B0];
	_ =	sdelay $0x4  }
0xd0: {  	v19 =	vperm.xlane v18, v2;
	v20 =	vperm.xlane v18, v3  }
0xd1: {  	s1 =	sadd.s32 $0x100, s1;
	v21 =	vperm.xlane v18, v4;
	v22 =	vperm.xlane v18, v5  }
0xd2: {  	v23 =	vperm.xlane v18, v7;
	[tilespmem:s1+$0xFFFFFF80] =	vst v19;
	v19 =	vperm.xlane v18, v6  }
0xd3: {  	v24 =	vperm.xlane v18, v9;
	[tilespmem:s1+$0xFFFFFF90] =	vst v20;
	v20 =	vperm.xlane v18, v8  }
0xd4: {  	v25 =	vperm.xlane v18, v11;
	[tilespmem:s1+$0xFFFFFFA0] =	vst v21;
	v21 =	vperm.xlane v18, v10  }
0xd5: {  	v26 =	vperm.xlane v18, v13;
	[tilespmem:s1+$0xFFFFFFB0] =	vst v22;
	v22 =	vperm.xlane v18, v12  }
0xd6: {  	v27 =	vperm.xlane v18, v15;
	[tilespmem:s1+$0xFFFFFFC0] =	vst v19;
	v19 =	vperm.xlane v18, v14  }
0xd7: {  	[tilespmem:s1+$0xFFFFFFD0] =	vst v23;
	v23 =	vperm.xlane v18, v16;
	v18 =	vperm.xlane v18, v17  }
0xd8: {  	[tilespmem:s1+$0xFFFFFFE0] =	vst v20  }
0xd9: {  	[tilespmem:s1+$0xFFFFFFF0] =	vst v24  }
0xda: {  	[tilespmem:s1+$0x0] =	vst v21  }
0xdb: {  	[tilespmem:s1+$0x10] =	vst v25  }
0xdc: {  	[tilespmem:s1+$0x20] =	vst v22  }
.Ltmp2:
0xdd: {  	[tilespmem:s1+$0x30] =	vst v26;
	(pc) =	sbr.rel @p0 .LBB2_6-.Ltmp2, $4  }
0xde: {  	[tilespmem:s1+$0x40] =	vst v19  }
0xdf: {  	[tilespmem:s1+$0x50] =	vst v27  }
0xe0: {  	[tilespmem:s1+$0x60] =	vst v23  }
0xe1: {  	s26 =	sshra.s32 s28, $0x2;
	s28 =	sadd.s32 $0x40, s28;
	[tilespmem:s1+$0x70] =	vst v18  }
0xe2: {  	v18 =	vld [tilespmem:s26+$0x59B0];
	_ =	sdelay $0x4  }
0xe3: {  	v19 =	vperm.xlane v18, v2  }
0xe4: {  	s0 =	sadd.s32 $0x100, s1;
	v20 =	vperm.xlane v18, v3  }
0xe5: {  	v21 =	vperm.xlane v18, v4;
	[tilespmem:s0+$0xFFFFFF80] =	vst v19  }
0xe6: {  	v56 =	vperm.xlane v18, v6;
	[tilespmem:s0+$0xFFFFFF90] =	vst v20  }
0xe7: {  	v57 =	vperm.xlane v18, v7;
	[tilespmem:s0+$0xFFFFFFA0] =	vst v21  }
0xe8: {  	v58 =	vperm.xlane v18, v9;
	[tilespmem:s0+$0xFFFFFFC0] =	vst v56  }
0xe9: {  	v59 =	vperm.xlane v18, v10;
	[tilespmem:s0+$0xFFFFFFD0] =	vst v57  }
0xea: {  	v60 =	vperm.xlane v18, v12;
	[tilespmem:s0+$0xFFFFFFF0] =	vst v58  }
0xeb: {  	v19 =	vperm.xlane v18, v5;
	[tilespmem:s0+$0x0] =	vst v59  }
0xec: {  	v61 =	vperm.xlane v18, v13;
	[tilespmem:s0+$0x20] =	vst v60  }
0xed: {  	[tilespmem:s0+$0xFFFFFFB0] =	vst v19;
	v19 =	vperm.xlane v18, v8  }
0xee: {  	v62 =	vperm.xlane v18, v15;
	[tilespmem:s0+$0x30] =	vst v61  }
0xef: {  	[tilespmem:s0+$0xFFFFFFE0] =	vst v19;
	v19 =	vperm.xlane v18, v11  }
0xf0: {  	v63 =	vperm.xlane v18, v16;
	[tilespmem:s0+$0x50] =	vst v62  }
0xf1: {  	[tilespmem:s0+$0x10] =	vst v19;
	v19 =	vperm.xlane v18, v14  }
0xf2: {  	s25 =	sadd.s32 $0x1, s25;
	[tilespmem:s0+$0x60] =	vst v63;
	v18 =	vperm.xlane v18, v17  }
0xf3: {  	p0 =	sne.s32 s25, s8;
	[tilespmem:s0+$0x40] =	vst v19  }
.Ltmp3:
0xf4: {  	[tilespmem:s0+$0x70] =	vst v18;
	(pc) =	sbr.rel @p0 .LBB2_1-.Ltmp3, $4  }
0xf5: {  	[hbm4b:s7+s3] =	stream.linear.scatter [tilespmem:s24], [sflag:$0x3], $0x1400, $0x38;
	[tilespmem:$0x7170] =	vst v63  }
0xf6: {  	_ =	swait.ge [sflag:s10], $0x1400  }
0xf7: {  	[sflag:s10] =	ssyncset.done $0x0  }
0xf8: {  	[sflag:s10] =	ssyncadd.s32 $0xFFFFEC00  }
0xf9: {  	_ =	sfence.sel $0x180000  }
0xfa: {  	[bflag:$0x0] =	sbarrier.arrive $0xFFFF  }
0xfb: {  	_ =	strace $0x90000047  }
0xfc: {  	s0 =	stileid.u32;
	[bflag:$0x2] =	sbarrier.arrive $0xFFFF  }
0xfd: {  	p0 =	sne.s32 s0, $0x0;
	s0 =	rddreg [dreg:$0x2]  }
0xfe: {  	s0 =	sadd.s32 @!p0 $0x100000, s0  }
0xff: {  	[sflag:s0] =	ssyncadd.tile.s32 @!p0 $0x1;
	_ =	shalt  }
.Lfunc_end2:
_tile_overlayer_lowered:
.L_overlay_start_2:
0x100: {  	(tag) =	ssettag $0x2  }
0x101: {  	s0 =	rddreg [dreg:$0x0];
	s2 =	stileid.u32  }
0x102: {  	s1 =	rddreg [dreg:$0x1];
	p0 =	sne.s32 s2, $0x0  }
0x103: {  	s3 =	rddreg [dreg:$0x2];
	[bflag:$0x3] =	sbarrier.arrive $0xFFFF;
	s2 =	simm.s32 @!p0 $0x1C03  }
0x104: {  	[timem:s3], [sflag:s2] =	dma.local @!p0 [hbm:s0], s1  }
0x105: {  	s0 =	simm.s32 @!p0 $0x3  }
0x106: {  	_ =	swait.ge @!p0 [sflag:s0], s1  }
0x107: {  	s1 =	ssub.s32 @!p0 $0x0, s1;
	[sflag:s0] =	ssyncset.done @!p0 $0x0  }
0x108: {  	[sflag:s0] =	ssyncadd.s32 @!p0 s1  }
0x109: {  	[bflag:$0x3] =	sbarrier.arrive $0xFFFF  }
0x10a: {  	_ =	shalt  }

</sc_bundles>
